<compile_context>
chip_gen: v7x
topology: tpu7x:2x2x1
jax: 0.10.2.dev20260603
libtpu: 0.0.44.dev20260713+nightly
codegen_flags: <defaults>
</compile_context>

<pallas_src>
import jax
import jax.numpy as jnp
from jax import lax
from jax.experimental import pallas as pl
from jax.experimental.pallas import tpu as pltpu
from jax.experimental.pallas import tpu_sc as plsc

N = 50000
E = 800000
H = 8
D = 8
HID = 64
OUT = 8

NS = 16
SW = 96
AW = 16
ACCW = 72
NSPL = 25000
ACCN = 25096
RN = 25088
RPT = RN // NS
DUMMY = 25088
EP = 802816
ET = EP // NS
C = 56
NCH = ET // C
RC = 4
AROWS = N + 16


def _prologue_body(xd_ref, xi_ref, wd_ref, bd_ref, wi_ref, bi_ref,
                   as_ref, ad_ref, s_ref, a_ref):
    hd = xd_ref[...] @ wd_ref[...] + bd_ref[...]
    hi = xi_ref[...] @ wi_ref[...] + bi_ref[...]
    a_s = hi @ as_ref[...]
    a_d = hd @ ad_ref[...]
    b = hi.shape[0]
    one = jnp.ones((b, 1), jnp.float32)
    parts = []
    for h in range(H):
        parts.append(hi[:, 8 * h:8 * h + 8])
        parts.append(one)
    parts.append(a_s[:, :8])
    parts.append(jnp.zeros((b, 16), jnp.float32))
    s_ref[...] = jnp.concatenate(parts, axis=1)
    a_ref[...] = jnp.concatenate(
        [a_d[:, :8], jnp.zeros((b, 8), jnp.float32)], axis=1)


def _prologue(xd128, xi128, Wd128, bd, Wi128, bi, As128, Ad128):
    B = 1000
    return pl.pallas_call(
        _prologue_body,
        grid=(N // B,),
        in_specs=[
            pl.BlockSpec((B, 128), lambda i: (i, 0)),
            pl.BlockSpec((B, 128), lambda i: (i, 0)),
            pl.BlockSpec((128, HID), lambda i: (0, 0)),
            pl.BlockSpec((1, HID), lambda i: (0, 0)),
            pl.BlockSpec((128, HID), lambda i: (0, 0)),
            pl.BlockSpec((1, HID), lambda i: (0, 0)),
            pl.BlockSpec((HID, 128), lambda i: (0, 0)),
            pl.BlockSpec((HID, 128), lambda i: (0, 0)),
        ],
        out_specs=[
            pl.BlockSpec((B, SW), lambda i: (i, 0)),
            pl.BlockSpec((B, AW), lambda i: (i, 0)),
        ],
        out_shape=[
            jax.ShapeDtypeStruct((N, SW), jnp.float32),
            jax.ShapeDtypeStruct((N, AW), jnp.float32),
        ],
    )(xd128, xi128, Wd128, bd, Wi128, bi, As128, Ad128)


_KOFF = (0, 16, 32, 48, 56)


def _sc_body(s_hbm, a_hbm, src_hbm, dst_hbm, r3_hbm,
             acc, srows0, srows1, arows0, arows1, orows,
             sraw0, sraw1, draw0, draw1, didx,
             rbuf, ratbuf, wbuf, semg0, semg1, semi0, semi1):
    c = lax.axis_index("c")
    s = lax.axis_index("s")
    i16 = lax.iota(jnp.int32, 16)
    zero16 = jnp.zeros((16,), jnp.float32)
    widx = [(off + i16) // 9 for off in _KOFF]
    nidx = [(off16 + i16) + (off16 + i16) // 8 for off16 in (0, 16, 32, 48)]
    didx_r = [9 * ((off16 + i16) // 8) + 8 for off16 in (0, 16, 32, 48)]
    srows_ = (srows0, srows1)
    arows_ = (arows0, arows1)
    sraws = (sraw0, sraw1)
    draws = (draw0, draw1)
    semg = (semg0, semg1)
    semi = (semi0, semi1)

    def zrow(e, carry):
        for off in _KOFF:
            orows[e, pl.ds(off, 16)] = zero16
        return carry

    lax.fori_loop(0, C, zrow, 0)
    base = s * RPT

    def zacc(qi, carry):
        pltpu.sync_copy(orows, acc.at[pl.ds(base + qi * C, C)])
        return carry

    lax.fori_loop(0, RPT // C, zacc, 0)

    @pl.when(s == 0)
    def _():
        pltpu.sync_copy(orows.at[pl.ds(0, ACCN - RN)],
                        acc.at[pl.ds(RN, ACCN - RN)])

    plsc.subcore_barrier()

    cbase = c * NSPL
    dummy = DUMMY + (s & 7)

    def issue_idx(ch, b):
        bg = s * NCH + ch
        pltpu.async_copy(src_hbm.at[pl.ds(bg, 1)], sraws[b], semi[b])
        pltpu.async_copy(dst_hbm.at[pl.ds(bg, 1)], draws[b], semi[b])

    def wait_idx(b):
        pltpu.make_async_copy(src_hbm.at[pl.ds(0, 1)], sraws[b],
                              semi[b]).wait()
        pltpu.make_async_copy(dst_hbm.at[pl.ds(0, 1)], draws[b],
                              semi[b]).wait()

    def issue_gather(b):
        pltpu.async_copy(s_hbm.at[sraws[b].at[0]], srows_[b], semg[b])
        pltpu.async_copy(a_hbm.at[draws[b].at[0]], arows_[b], semg[b])

    def wait_gather(b):
        pltpu.make_async_copy(s_hbm.at[pl.ds(0, C)], srows_[b],
                              semg[b]).wait()
        pltpu.make_async_copy(a_hbm.at[pl.ds(0, C)], arows_[b],
                              semg[b]).wait()

    def make_edge_body(b):
        def edge_body(e, carry):
            vs = srows_[b][e, pl.ds(72, 16)]
            va = arows_[b][e, pl.ds(0, 16)]
            t = vs + va
            al = jnp.maximum(t, 0.2 * t)
            w = jnp.exp(al)
            wbuf[...] = w
            for k, off in enumerate(_KOFF):
                hk = srows_[b][e, pl.ds(off, 16)]
                wek = plsc.load_gather(wbuf, [widx[k]])
                orows[e, pl.ds(off, 16)] = hk * wek
            return carry
        return edge_body

    edge_bodies = (make_edge_body(0), make_edge_body(1))

    issue_idx(0, 0)
    wait_idx(0)
    issue_gather(0)
    issue_idx(1, 1)

    def pair_body(qi, carry):
        for b in (0, 1):
            ch = 2 * qi + b
            wait_gather(b)
            for off in (0, 16, 32, 40):
                dl = draws[b][0, pl.ds(off, 16)] - cbase
                ok = (dl >= 0) & (dl < NSPL)
                didx[0, pl.ds(off, 16)] = jnp.where(ok, dl, dummy)

            @pl.when(ch + 2 < NCH)
            def _():
                issue_idx(ch + 2, b)

            @pl.when(ch + 1 < NCH)
            def _():
                wait_idx(1 - b)
                issue_gather(1 - b)

            lax.fori_loop(0, C, edge_bodies[b], 0, unroll=4)
            pltpu.sync_copy(orows, acc.at[didx.at[0]], add=True)
        return carry

    lax.fori_loop(0, NCH // 2, pair_body, 0)
    plsc.subcore_barrier()

    def zrat(r, carry):
        for kk in range(8):
            ratbuf[r, pl.ds(kk * 16, 16)] = zero16
        return carry

    lax.fori_loop(0, RC, zrat, 0)

    def ratio_row(r, carry):
        rsp = jnp.broadcast_to(r, (16,))
        for k in range(4):
            vnum = plsc.load_gather(rbuf, [rsp, nidx[k]])
            vden = plsc.load_gather(rbuf, [rsp, didx_r[k]])
            ratbuf[r, pl.ds(k * 16, 16)] = jnp.maximum(
                vnum / (vden + 1e-16), 0.0)
        return carry

    def ratio_chunk(qi, carry):
        r0 = s * RPT + qi * RC
        pltpu.sync_copy(acc.at[pl.ds(r0, RC)], rbuf)
        lax.fori_loop(0, RC, ratio_row, 0)
        pltpu.sync_copy(ratbuf, r3_hbm.at[c].at[pl.ds(r0, RC)])
        return carry

    lax.fori_loop(0, RPT // RC, ratio_chunk, 0)


def _sc_edge(S, A, src2d, dst2d):
    mesh = plsc.VectorSubcoreMesh(core_axis_name="c", subcore_axis_name="s")
    f32 = jnp.float32
    i32 = jnp.int32
    kern = pl.kernel(
        _sc_body,
        compiler_params=pltpu.CompilerParams(
            use_tc_tiling_on_sc=False, needs_layout_passes=False),
        out_type=[
            jax.ShapeDtypeStruct((2, RN, 128), f32),
        ],
        mesh=mesh,
        scratch_types=[
            pltpu.VMEM_SHARED((ACCN, ACCW), f32),
            pltpu.VMEM((C, SW), f32),
            pltpu.VMEM((C, SW), f32),
            pltpu.VMEM((C, AW), f32),
            pltpu.VMEM((C, AW), f32),
            pltpu.VMEM((C, ACCW), f32),
            pltpu.VMEM((1, C), i32),
            pltpu.VMEM((1, C), i32),
            pltpu.VMEM((1, C), i32),
            pltpu.VMEM((1, C), i32),
            pltpu.VMEM((1, C), i32),
            pltpu.VMEM((RC, ACCW), f32),
            pltpu.VMEM((RC, 128), f32),
            pltpu.VMEM((16,), f32),
            pltpu.SemaphoreType.DMA,
            pltpu.SemaphoreType.DMA,
            pltpu.SemaphoreType.DMA,
            pltpu.SemaphoreType.DMA,
        ],
    )
    return kern(S, A, src2d, dst2d)


def _epilogue_body(r_ref, w_ref, b_ref, o_ref):
    o_ref[...] = r_ref[...] @ w_ref[...] + b_ref[...]


def _epilogue(ratio, W2, b2):
    B = 512
    return pl.pallas_call(
        _epilogue_body,
        grid=(RN // B,),
        in_specs=[
            pl.BlockSpec((B, 128), lambda i: (i, 0)),
            pl.BlockSpec((128, 128), lambda i: (0, 0)),
            pl.BlockSpec((1, 128), lambda i: (0, 0)),
        ],
        out_specs=pl.BlockSpec((B, 128), lambda i: (i, 0)),
        out_shape=jax.ShapeDtypeStruct((RN, 128), jnp.float32),
    )(ratio, W2, b2)


def kernel(x_domain, x_ip, edge_index_d2i, edge_index_i2d, Wp_domain,
           bp_domain, Wp_ip, bp_ip, att_src_d2i, att_dst_d2i, att_src_i2d,
           att_dst_i2d, Wk, bk, q, Wlin, blin):
    f32 = jnp.float32
    src = edge_index_i2d[0]
    dst = edge_index_i2d[1]

    xd128 = jnp.pad(x_domain, ((0, 0), (0, 121)))
    xi128 = jnp.pad(x_ip, ((0, 0), (0, 121)))
    Wd128 = jnp.pad(Wp_domain, ((0, 121), (0, 0)))
    Wi128 = jnp.pad(Wp_ip, ((0, 121), (0, 0)))
    rows64 = jnp.arange(HID)
    heads64 = jnp.repeat(jnp.arange(H), D)
    As128 = jnp.zeros((HID, 128), f32).at[rows64, heads64].set(
        att_src_i2d.reshape(HID))
    Ad128 = jnp.zeros((HID, 128), f32).at[rows64, heads64].set(
        att_dst_i2d.reshape(HID))

    S, A0 = _prologue(xd128, xi128, Wd128, bp_domain.reshape(1, HID),
                      Wi128, bp_ip.reshape(1, HID), As128, Ad128)
    A = jnp.pad(A0, ((0, AROWS - N), (0, 0)))
    src2d = jnp.pad(src, (0, EP - E)).reshape(EP // C, C)
    dst2d = jnp.pad(dst, (0, EP - E), constant_values=N).reshape(EP // C, C)

    ratio3, = _sc_edge(S, A, src2d, dst2d)

    W2 = jnp.zeros((128, 128), f32).at[:HID, :OUT].set(Wlin)
    b2 = jnp.zeros((1, 128), f32).at[:, :OUT].set(blin[None, :])
    out0 = _epilogue(ratio3[0], W2, b2)
    out1 = _epilogue(ratio3[1], W2, b2)
    return jnp.concatenate([out0[:NSPL, :OUT], out1[:NSPL, :OUT]], axis=0)

# --- scband reference (transcript-rebuilt; emitter-appended) ---
"""Pipeline reference for scband-han-1322849928003 (READ-ONLY COPY).

The authoritative reference and input builder live on the scoring server;
editing this copy changes nothing except your own understanding.
"""

import jax, jax.numpy as jnp
import numpy as np

N = 50000
E = 800000
IN = 7
HID = 64
H = 8
D = 8
OUT = 8


def setup_inputs(seed: int = 0) -> dict:
    key = jax.random.key(seed)
    ks = jax.random.split(key, 20)
    inp = {}
    inp['x_domain'] = jax.random.normal(ks[0], (N, IN), jnp.float32)
    inp['x_ip'] = jax.random.normal(ks[1], (N, IN), jnp.float32)
    inp['edge_index_d2i'] = jax.random.randint(ks[2], (2, E), 0, N, jnp.int32)
    inp['edge_index_i2d'] = jax.random.randint(ks[3], (2, E), 0, N, jnp.int32)
    # HANConv parameters (one layer). Per-node-type input projections (in=7 -> hidden=64).
    inp['Wp_domain'] = 0.1 * jax.random.normal(ks[4], (IN, HID), jnp.float32)
    inp['bp_domain'] = 0.1 * jax.random.normal(ks[5], (HID,), jnp.float32)
    inp['Wp_ip'] = 0.1 * jax.random.normal(ks[6], (IN, HID), jnp.float32)
    inp['bp_ip'] = 0.1 * jax.random.normal(ks[7], (HID,), jnp.float32)
    # Per-edge-type GAT-style attention vectors [H, D]
    inp['att_src_d2i'] = 0.1 * jax.random.normal(ks[8], (H, D), jnp.float32)
    inp['att_dst_d2i'] = 0.1 * jax.random.normal(ks[9], (H, D), jnp.float32)
    inp['att_src_i2d'] = 0.1 * jax.random.normal(ks[10], (H, D), jnp.float32)
    inp['att_dst_i2d'] = 0.1 * jax.random.normal(ks[11], (H, D), jnp.float32)
    # Semantic-level attention: k_lin (hidden->hidden) and query vector q
    inp['Wk'] = 0.1 * jax.random.normal(ks[12], (HID, HID), jnp.float32)
    inp['bk'] = 0.1 * jax.random.normal(ks[13], (HID,), jnp.float32)
    inp['q'] = 0.1 * jax.random.normal(ks[14], (HID,), jnp.float32)
    # Final output Linear(hidden -> out_channels)
    inp['Wlin'] = 0.1 * jax.random.normal(ks[15], (HID, OUT), jnp.float32)
    inp['blin'] = 0.1 * jax.random.normal(ks[16], (OUT,), jnp.float32)
    return inp


def _edge_attention(h_src, h_dst, att_s, att_d, ei, n_dst):
    # GAT-style attention for one edge type; dropout disabled (eval mode).
    src, dst = ei[0], ei[1]
    a_s = (h_src * att_s[None]).sum(-1)  # [N, H]
    a_d = (h_dst * att_d[None]).sum(-1)  # [N, H]
    alpha = jax.nn.leaky_relu(a_s[src] + a_d[dst], 0.2)  # [E, H]
    m = jax.ops.segment_max(alpha, dst, num_segments=n_dst)
    m = jnp.where(jnp.isfinite(m), m, 0.0)
    ex = jnp.exp(alpha - m[dst])
    den = jax.ops.segment_sum(ex, dst, num_segments=n_dst)
    att = ex / (den[dst] + 1e-16)
    msg = att[:, :, None] * h_src[src]  # [E, H, D]
    out = jax.ops.segment_sum(msg, dst, num_segments=n_dst)
    return jax.nn.relu(out.reshape(n_dst, H * D))


def _semantic(outs, Wk, bk, q):
    stacked = jnp.stack(outs)  # [M, N, F]
    w = jnp.tanh(stacked @ Wk + bk[None, None, :]).mean(axis=1)  # [M, F]
    score = (w * q[None, :]).sum(-1)  # [M]
    attn = jax.nn.softmax(score, axis=0)
    return (attn[:, None, None] * stacked).sum(0)


def reference(x_domain, x_ip, edge_index_d2i, edge_index_i2d,
              Wp_domain, bp_domain, Wp_ip, bp_ip,
              att_src_d2i, att_dst_d2i, att_src_i2d, att_dst_i2d,
              Wk, bk, q, Wlin, blin):
    hd = (x_domain @ Wp_domain + bp_domain).reshape(N, H, D)
    hi = (x_ip @ Wp_ip + bp_ip).reshape(N, H, D)
    # edge type ('domain','to','ip'): messages into ip nodes (unused by final output but part of forward)
    out_ip = _edge_attention(hd, hi, att_src_d2i, att_dst_d2i, edge_index_d2i, N)
    # edge type ('ip','rev_to','domain'): messages into domain nodes
    out_dom = _edge_attention(hi, hd, att_src_i2d, att_dst_i2d, edge_index_i2d, N)
    dom = _semantic([out_dom], Wk, bk, q)
    return dom @ Wlin + blin

if __name__ == "__main__":
    import jax
    _d = setup_inputs()
    print(jax.jit(kernel)(*tuple(_d.values())))

</pallas_src>

<mosaic_0001>
#map = affine_map<(d0, d1) -> (0, 0)>
#map1 = affine_map<(d0, d1) -> (0, 0, 0)>
module attributes {stable_mosaic.version = 14 : i64} {
  func.func @_sc_body(%arg0: i32, %arg1: i32, %arg2: memref<50000x96xf32, #tpu.memory_space<hbm>>, %arg3: memref<50016x16xf32, #tpu.memory_space<hbm>>, %arg4: memref<14336x56xi32, #tpu.memory_space<hbm>>, %arg5: memref<14336x56xi32, #tpu.memory_space<hbm>>, %arg6: memref<2x25088x128xf32, #tpu.memory_space<hbm>>, %arg7: memref<25096x72xf32, #tpu.memory_space<vmem_shared>>, %arg8: memref<56x96xf32, #tpu.memory_space<vmem>>, %arg9: memref<56x96xf32, #tpu.memory_space<vmem>>, %arg10: memref<56x16xf32, #tpu.memory_space<vmem>>, %arg11: memref<56x16xf32, #tpu.memory_space<vmem>>, %arg12: memref<56x72xf32, #tpu.memory_space<vmem>>, %arg13: memref<1x56xi32, #tpu.memory_space<vmem>>, %arg14: memref<1x56xi32, #tpu.memory_space<vmem>>, %arg15: memref<1x56xi32, #tpu.memory_space<vmem>>, %arg16: memref<1x56xi32, #tpu.memory_space<vmem>>, %arg17: memref<1x56xi32, #tpu.memory_space<vmem>>, %arg18: memref<4x72xf32, #tpu.memory_space<vmem>>, %arg19: memref<4x128xf32, #tpu.memory_space<vmem>>, %arg20: memref<16xf32, #tpu.memory_space<vmem>>, %arg21: memref<!tpu.dma_semaphore, #tpu.memory_space<semaphore_mem>>, %arg22: memref<!tpu.dma_semaphore, #tpu.memory_space<semaphore_mem>>, %arg23: memref<!tpu.dma_semaphore, #tpu.memory_space<semaphore_mem>>, %arg24: memref<!tpu.dma_semaphore, #tpu.memory_space<semaphore_mem>>) attributes {dimension_semantics = [#tpu.dimension_semantics<core_parallel>, #tpu.dimension_semantics<subcore_parallel>], iteration_bounds = array<i64: 2, 16>, scalar_prefetch = 0 : i64, scratch_operands = 18 : i64, tpu.core_type = #tpu.core_type<sc_vector_subcore>, window_params = [{transform_indices = #map}, {transform_indices = #map}, {transform_indices = #map}, {transform_indices = #map}, {transform_indices = #map1}]} {
    %iota3A = tpu.iota {dimensions = array<i32: 0>} : vector<16xi32>
    %broadcast_in_dim3A = arith.constant 0.000000e+00 : f32
    %broadcast_in_dim3A_0 = vector.broadcast %broadcast_in_dim3A : f32 to vector<16xf32>
    %add3A = arith.constant 0 : i32
    %add3A_1 = vector.broadcast %add3A : i32 to vector<16xi32>
    %add3A_2 = arith.addi %add3A_1, %iota3A : vector<16xi32>
    %jit3A = arith.constant 9 : i32
    %div3A = vector.broadcast %jit3A : i32 to vector<16xi32>
    %div3A_3 = arith.divsi %add3A_2, %div3A : vector<16xi32>
    %sign3A = arith.constant 0 : i32
    %sign3A_4 = vector.broadcast %sign3A : i32 to vector<16xi32>
    %sign3A_5 = arith.cmpi sgt, %add3A_2, %sign3A_4 : vector<16xi32>
    %sign3A_6 = arith.extui %sign3A_5 : vector<16xi1> to vector<16xi32>
    %sign3A_7 = arith.constant 0 : i32
    %sign3A_8 = vector.broadcast %sign3A_7 : i32 to vector<16xi32>
    %sign3A_9 = arith.cmpi slt, %add3A_2, %sign3A_8 : vector<16xi32>
    %sign3A_10 = arith.extui %sign3A_9 : vector<16xi1> to vector<16xi32>
    %sign3A_11 = arith.subi %sign3A_6, %sign3A_10 : vector<16xi32>
    %sign3A_12 = arith.constant 0 : i32
    %sign3A_13 = arith.cmpi sgt, %jit3A, %sign3A_12 : i32
    %sign3A_14 = arith.extui %sign3A_13 : i1 to i32
    %sign3A_15 = arith.constant 0 : i32
    %sign3A_16 = arith.cmpi slt, %jit3A, %sign3A_15 : i32
    %sign3A_17 = arith.extui %sign3A_16 : i1 to i32
    %sign3A_18 = arith.subi %sign3A_14, %sign3A_17 : i32
    %ne3A = vector.broadcast %sign3A_18 : i32 to vector<16xi32>
    %ne3A_19 = arith.cmpi ne, %sign3A_11, %ne3A : vector<16xi32>
    %rem3A = vector.broadcast %jit3A : i32 to vector<16xi32>
    %rem3A_20 = arith.remsi %add3A_2, %rem3A : vector<16xi32>
    %ne3A_21 = arith.constant 0 : i32
    %ne3A_22 = vector.broadcast %ne3A_21 : i32 to vector<16xi32>
    %ne3A_23 = arith.cmpi ne, %rem3A_20, %ne3A_22 : vector<16xi32>
    %and3A = arith.andi %ne3A_19, %ne3A_23 : vector<16xi1>
    %sub3A = arith.constant 1 : i32
    %sub3A_24 = vector.broadcast %sub3A : i32 to vector<16xi32>
    %sub3A_25 = arith.subi %div3A_3, %sub3A_24 : vector<16xi32>
    %select_n3A = arith.select %and3A, %sub3A_25, %div3A_3 : vector<16xi1>, vector<16xi32>
    %add3A_26 = arith.constant 16 : i32
    %add3A_27 = vector.broadcast %add3A_26 : i32 to vector<16xi32>
    %add3A_28 = arith.addi %add3A_27, %iota3A : vector<16xi32>
    %jit3A_29 = arith.constant 9 : i32
    %div3A_30 = vector.broadcast %jit3A_29 : i32 to vector<16xi32>
    %div3A_31 = arith.divsi %add3A_28, %div3A_30 : vector<16xi32>
    %sign3A_32 = arith.constant 0 : i32
    %sign3A_33 = vector.broadcast %sign3A_32 : i32 to vector<16xi32>
    %sign3A_34 = arith.cmpi sgt, %add3A_28, %sign3A_33 : vector<16xi32>
    %sign3A_35 = arith.extui %sign3A_34 : vector<16xi1> to vector<16xi32>
    %sign3A_36 = arith.constant 0 : i32
    %sign3A_37 = vector.broadcast %sign3A_36 : i32 to vector<16xi32>
    %sign3A_38 = arith.cmpi slt, %add3A_28, %sign3A_37 : vector<16xi32>
    %sign3A_39 = arith.extui %sign3A_38 : vector<16xi1> to vector<16xi32>
    %sign3A_40 = arith.subi %sign3A_35, %sign3A_39 : vector<16xi32>
    %sign3A_41 = arith.constant 0 : i32
    %sign3A_42 = arith.cmpi sgt, %jit3A_29, %sign3A_41 : i32
    %sign3A_43 = arith.extui %sign3A_42 : i1 to i32
    %sign3A_44 = arith.constant 0 : i32
    %sign3A_45 = arith.cmpi slt, %jit3A_29, %sign3A_44 : i32
    %sign3A_46 = arith.extui %sign3A_45 : i1 to i32
    %sign3A_47 = arith.subi %sign3A_43, %sign3A_46 : i32
    %ne3A_48 = vector.broadcast %sign3A_47 : i32 to vector<16xi32>
    %ne3A_49 = arith.cmpi ne, %sign3A_40, %ne3A_48 : vector<16xi32>
    %rem3A_50 = vector.broadcast %jit3A_29 : i32 to vector<16xi32>
    %rem3A_51 = arith.remsi %add3A_28, %rem3A_50 : vector<16xi32>
    %ne3A_52 = arith.constant 0 : i32
    %ne3A_53 = vector.broadcast %ne3A_52 : i32 to vector<16xi32>
    %ne3A_54 = arith.cmpi ne, %rem3A_51, %ne3A_53 : vector<16xi32>
    %and3A_55 = arith.andi %ne3A_49, %ne3A_54 : vector<16xi1>
    %sub3A_56 = arith.constant 1 : i32
    %sub3A_57 = vector.broadcast %sub3A_56 : i32 to vector<16xi32>
    %sub3A_58 = arith.subi %div3A_31, %sub3A_57 : vector<16xi32>
    %select_n3A_59 = arith.select %and3A_55, %sub3A_58, %div3A_31 : vector<16xi1>, vector<16xi32>
    %add3A_60 = arith.constant 32 : i32
    %add3A_61 = vector.broadcast %add3A_60 : i32 to vector<16xi32>
    %add3A_62 = arith.addi %add3A_61, %iota3A : vector<16xi32>
    %jit3A_63 = arith.constant 9 : i32
    %div3A_64 = vector.broadcast %jit3A_63 : i32 to vector<16xi32>
    %div3A_65 = arith.divsi %add3A_62, %div3A_64 : vector<16xi32>
    %sign3A_66 = arith.constant 0 : i32
    %sign3A_67 = vector.broadcast %sign3A_66 : i32 to vector<16xi32>
    %sign3A_68 = arith.cmpi sgt, %add3A_62, %sign3A_67 : vector<16xi32>
    %sign3A_69 = arith.extui %sign3A_68 : vector<16xi1> to vector<16xi32>
    %sign3A_70 = arith.constant 0 : i32
    %sign3A_71 = vector.broadcast %sign3A_70 : i32 to vector<16xi32>
    %sign3A_72 = arith.cmpi slt, %add3A_62, %sign3A_71 : vector<16xi32>
    %sign3A_73 = arith.extui %sign3A_72 : vector<16xi1> to vector<16xi32>
    %sign3A_74 = arith.subi %sign3A_69, %sign3A_73 : vector<16xi32>
    %sign3A_75 = arith.constant 0 : i32
    %sign3A_76 = arith.cmpi sgt, %jit3A_63, %sign3A_75 : i32
    %sign3A_77 = arith.extui %sign3A_76 : i1 to i32
    %sign3A_78 = arith.constant 0 : i32
    %sign3A_79 = arith.cmpi slt, %jit3A_63, %sign3A_78 : i32
    %sign3A_80 = arith.extui %sign3A_79 : i1 to i32
    %sign3A_81 = arith.subi %sign3A_77, %sign3A_80 : i32
    %ne3A_82 = vector.broadcast %sign3A_81 : i32 to vector<16xi32>
    %ne3A_83 = arith.cmpi ne, %sign3A_74, %ne3A_82 : vector<16xi32>
    %rem3A_84 = vector.broadcast %jit3A_63 : i32 to vector<16xi32>
    %rem3A_85 = arith.remsi %add3A_62, %rem3A_84 : vector<16xi32>
    %ne3A_86 = arith.constant 0 : i32
    %ne3A_87 = vector.broadcast %ne3A_86 : i32 to vector<16xi32>
    %ne3A_88 = arith.cmpi ne, %rem3A_85, %ne3A_87 : vector<16xi32>
    %and3A_89 = arith.andi %ne3A_83, %ne3A_88 : vector<16xi1>
    %sub3A_90 = arith.constant 1 : i32
    %sub3A_91 = vector.broadcast %sub3A_90 : i32 to vector<16xi32>
    %sub3A_92 = arith.subi %div3A_65, %sub3A_91 : vector<16xi32>
    %select_n3A_93 = arith.select %and3A_89, %sub3A_92, %div3A_65 : vector<16xi1>, vector<16xi32>
    %add3A_94 = arith.constant 48 : i32
    %add3A_95 = vector.broadcast %add3A_94 : i32 to vector<16xi32>
    %add3A_96 = arith.addi %add3A_95, %iota3A : vector<16xi32>
    %jit3A_97 = arith.constant 9 : i32
    %div3A_98 = vector.broadcast %jit3A_97 : i32 to vector<16xi32>
    %div3A_99 = arith.divsi %add3A_96, %div3A_98 : vector<16xi32>
    %sign3A_100 = arith.constant 0 : i32
    %sign3A_101 = vector.broadcast %sign3A_100 : i32 to vector<16xi32>
    %sign3A_102 = arith.cmpi sgt, %add3A_96, %sign3A_101 : vector<16xi32>
    %sign3A_103 = arith.extui %sign3A_102 : vector<16xi1> to vector<16xi32>
    %sign3A_104 = arith.constant 0 : i32
    %sign3A_105 = vector.broadcast %sign3A_104 : i32 to vector<16xi32>
    %sign3A_106 = arith.cmpi slt, %add3A_96, %sign3A_105 : vector<16xi32>
    %sign3A_107 = arith.extui %sign3A_106 : vector<16xi1> to vector<16xi32>
    %sign3A_108 = arith.subi %sign3A_103, %sign3A_107 : vector<16xi32>
    %sign3A_109 = arith.constant 0 : i32
    %sign3A_110 = arith.cmpi sgt, %jit3A_97, %sign3A_109 : i32
    %sign3A_111 = arith.extui %sign3A_110 : i1 to i32
    %sign3A_112 = arith.constant 0 : i32
    %sign3A_113 = arith.cmpi slt, %jit3A_97, %sign3A_112 : i32
    %sign3A_114 = arith.extui %sign3A_113 : i1 to i32
    %sign3A_115 = arith.subi %sign3A_111, %sign3A_114 : i32
    %ne3A_116 = vector.broadcast %sign3A_115 : i32 to vector<16xi32>
    %ne3A_117 = arith.cmpi ne, %sign3A_108, %ne3A_116 : vector<16xi32>
    %rem3A_118 = vector.broadcast %jit3A_97 : i32 to vector<16xi32>
    %rem3A_119 = arith.remsi %add3A_96, %rem3A_118 : vector<16xi32>
    %ne3A_120 = arith.constant 0 : i32
    %ne3A_121 = vector.broadcast %ne3A_120 : i32 to vector<16xi32>
    %ne3A_122 = arith.cmpi ne, %rem3A_119, %ne3A_121 : vector<16xi32>
    %and3A_123 = arith.andi %ne3A_117, %ne3A_122 : vector<16xi1>
    %sub3A_124 = arith.constant 1 : i32
    %sub3A_125 = vector.broadcast %sub3A_124 : i32 to vector<16xi32>
    %sub3A_126 = arith.subi %div3A_99, %sub3A_125 : vector<16xi32>
    %select_n3A_127 = arith.select %and3A_123, %sub3A_126, %div3A_99 : vector<16xi1>, vector<16xi32>
    %add3A_128 = arith.constant 56 : i32
    %add3A_129 = vector.broadcast %add3A_128 : i32 to vector<16xi32>
    %add3A_130 = arith.addi %add3A_129, %iota3A : vector<16xi32>
    %jit3A_131 = arith.constant 9 : i32
    %div3A_132 = vector.broadcast %jit3A_131 : i32 to vector<16xi32>
    %div3A_133 = arith.divsi %add3A_130, %div3A_132 : vector<16xi32>
    %sign3A_134 = arith.constant 0 : i32
    %sign3A_135 = vector.broadcast %sign3A_134 : i32 to vector<16xi32>
    %sign3A_136 = arith.cmpi sgt, %add3A_130, %sign3A_135 : vector<16xi32>
    %sign3A_137 = arith.extui %sign3A_136 : vector<16xi1> to vector<16xi32>
    %sign3A_138 = arith.constant 0 : i32
    %sign3A_139 = vector.broadcast %sign3A_138 : i32 to vector<16xi32>
    %sign3A_140 = arith.cmpi slt, %add3A_130, %sign3A_139 : vector<16xi32>
    %sign3A_141 = arith.extui %sign3A_140 : vector<16xi1> to vector<16xi32>
    %sign3A_142 = arith.subi %sign3A_137, %sign3A_141 : vector<16xi32>
    %sign3A_143 = arith.constant 0 : i32
    %sign3A_144 = arith.cmpi sgt, %jit3A_131, %sign3A_143 : i32
    %sign3A_145 = arith.extui %sign3A_144 : i1 to i32
    %sign3A_146 = arith.constant 0 : i32
    %sign3A_147 = arith.cmpi slt, %jit3A_131, %sign3A_146 : i32
    %sign3A_148 = arith.extui %sign3A_147 : i1 to i32
    %sign3A_149 = arith.subi %sign3A_145, %sign3A_148 : i32
    %ne3A_150 = vector.broadcast %sign3A_149 : i32 to vector<16xi32>
    %ne3A_151 = arith.cmpi ne, %sign3A_142, %ne3A_150 : vector<16xi32>
    %rem3A_152 = vector.broadcast %jit3A_131 : i32 to vector<16xi32>
    %rem3A_153 = arith.remsi %add3A_130, %rem3A_152 : vector<16xi32>
    %ne3A_154 = arith.constant 0 : i32
    %ne3A_155 = vector.broadcast %ne3A_154 : i32 to vector<16xi32>
    %ne3A_156 = arith.cmpi ne, %rem3A_153, %ne3A_155 : vector<16xi32>
    %and3A_157 = arith.andi %ne3A_151, %ne3A_156 : vector<16xi1>
    %sub3A_158 = arith.constant 1 : i32
    %sub3A_159 = vector.broadcast %sub3A_158 : i32 to vector<16xi32>
    %sub3A_160 = arith.subi %div3A_133, %sub3A_159 : vector<16xi32>
    %select_n3A_161 = arith.select %and3A_157, %sub3A_160, %div3A_133 : vector<16xi1>, vector<16xi32>
    %add3A_162 = arith.constant 0 : i32
    %add3A_163 = vector.broadcast %add3A_162 : i32 to vector<16xi32>
    %add3A_164 = arith.addi %add3A_163, %iota3A : vector<16xi32>
    %add3A_165 = arith.constant 0 : i32
    %add3A_166 = vector.broadcast %add3A_165 : i32 to vector<16xi32>
    %add3A_167 = arith.addi %add3A_166, %iota3A : vector<16xi32>
    %jit3A_168 = arith.constant 8 : i32
    %div3A_169 = vector.broadcast %jit3A_168 : i32 to vector<16xi32>
    %div3A_170 = arith.divsi %add3A_167, %div3A_169 : vector<16xi32>
    %sign3A_171 = arith.constant 0 : i32
    %sign3A_172 = vector.broadcast %sign3A_171 : i32 to vector<16xi32>
    %sign3A_173 = arith.cmpi sgt, %add3A_167, %sign3A_172 : vector<16xi32>
    %sign3A_174 = arith.extui %sign3A_173 : vector<16xi1> to vector<16xi32>
    %sign3A_175 = arith.constant 0 : i32
    %sign3A_176 = vector.broadcast %sign3A_175 : i32 to vector<16xi32>
    %sign3A_177 = arith.cmpi slt, %add3A_167, %sign3A_176 : vector<16xi32>
    %sign3A_178 = arith.extui %sign3A_177 : vector<16xi1> to vector<16xi32>
    %sign3A_179 = arith.subi %sign3A_174, %sign3A_178 : vector<16xi32>
    %sign3A_180 = arith.constant 0 : i32
    %sign3A_181 = arith.cmpi sgt, %jit3A_168, %sign3A_180 : i32
    %sign3A_182 = arith.extui %sign3A_181 : i1 to i32
    %sign3A_183 = arith.constant 0 : i32
    %sign3A_184 = arith.cmpi slt, %jit3A_168, %sign3A_183 : i32
    %sign3A_185 = arith.extui %sign3A_184 : i1 to i32
    %sign3A_186 = arith.subi %sign3A_182, %sign3A_185 : i32
    %ne3A_187 = vector.broadcast %sign3A_186 : i32 to vector<16xi32>
    %ne3A_188 = arith.cmpi ne, %sign3A_179, %ne3A_187 : vector<16xi32>
    %rem3A_189 = vector.broadcast %jit3A_168 : i32 to vector<16xi32>
    %rem3A_190 = arith.remsi %add3A_167, %rem3A_189 : vector<16xi32>
    %ne3A_191 = arith.constant 0 : i32
    %ne3A_192 = vector.broadcast %ne3A_191 : i32 to vector<16xi32>
    %ne3A_193 = arith.cmpi ne, %rem3A_190, %ne3A_192 : vector<16xi32>
    %and3A_194 = arith.andi %ne3A_188, %ne3A_193 : vector<16xi1>
    %sub3A_195 = arith.constant 1 : i32
    %sub3A_196 = vector.broadcast %sub3A_195 : i32 to vector<16xi32>
    %sub3A_197 = arith.subi %div3A_170, %sub3A_196 : vector<16xi32>
    %select_n3A_198 = arith.select %and3A_194, %sub3A_197, %div3A_170 : vector<16xi1>, vector<16xi32>
    %add3A_199 = arith.addi %add3A_164, %select_n3A_198 : vector<16xi32>
    %add3A_200 = arith.constant 16 : i32
    %add3A_201 = vector.broadcast %add3A_200 : i32 to vector<16xi32>
    %add3A_202 = arith.addi %add3A_201, %iota3A : vector<16xi32>
    %add3A_203 = arith.constant 16 : i32
    %add3A_204 = vector.broadcast %add3A_203 : i32 to vector<16xi32>
    %add3A_205 = arith.addi %add3A_204, %iota3A : vector<16xi32>
    %jit3A_206 = arith.constant 8 : i32
    %div3A_207 = vector.broadcast %jit3A_206 : i32 to vector<16xi32>
    %div3A_208 = arith.divsi %add3A_205, %div3A_207 : vector<16xi32>
    %sign3A_209 = arith.constant 0 : i32
    %sign3A_210 = vector.broadcast %sign3A_209 : i32 to vector<16xi32>
    %sign3A_211 = arith.cmpi sgt, %add3A_205, %sign3A_210 : vector<16xi32>
    %sign3A_212 = arith.extui %sign3A_211 : vector<16xi1> to vector<16xi32>
    %sign3A_213 = arith.constant 0 : i32
    %sign3A_214 = vector.broadcast %sign3A_213 : i32 to vector<16xi32>
    %sign3A_215 = arith.cmpi slt, %add3A_205, %sign3A_214 : vector<16xi32>
    %sign3A_216 = arith.extui %sign3A_215 : vector<16xi1> to vector<16xi32>
    %sign3A_217 = arith.subi %sign3A_212, %sign3A_216 : vector<16xi32>
    %sign3A_218 = arith.constant 0 : i32
    %sign3A_219 = arith.cmpi sgt, %jit3A_206, %sign3A_218 : i32
    %sign3A_220 = arith.extui %sign3A_219 : i1 to i32
    %sign3A_221 = arith.constant 0 : i32
    %sign3A_222 = arith.cmpi slt, %jit3A_206, %sign3A_221 : i32
    %sign3A_223 = arith.extui %sign3A_222 : i1 to i32
    %sign3A_224 = arith.subi %sign3A_220, %sign3A_223 : i32
    %ne3A_225 = vector.broadcast %sign3A_224 : i32 to vector<16xi32>
    %ne3A_226 = arith.cmpi ne, %sign3A_217, %ne3A_225 : vector<16xi32>
    %rem3A_227 = vector.broadcast %jit3A_206 : i32 to vector<16xi32>
    %rem3A_228 = arith.remsi %add3A_205, %rem3A_227 : vector<16xi32>
    %ne3A_229 = arith.constant 0 : i32
    %ne3A_230 = vector.broadcast %ne3A_229 : i32 to vector<16xi32>
    %ne3A_231 = arith.cmpi ne, %rem3A_228, %ne3A_230 : vector<16xi32>
    %and3A_232 = arith.andi %ne3A_226, %ne3A_231 : vector<16xi1>
    %sub3A_233 = arith.constant 1 : i32
    %sub3A_234 = vector.broadcast %sub3A_233 : i32 to vector<16xi32>
    %sub3A_235 = arith.subi %div3A_208, %sub3A_234 : vector<16xi32>
    %select_n3A_236 = arith.select %and3A_232, %sub3A_235, %div3A_208 : vector<16xi1>, vector<16xi32>
    %add3A_237 = arith.addi %add3A_202, %select_n3A_236 : vector<16xi32>
    %add3A_238 = arith.constant 32 : i32
    %add3A_239 = vector.broadcast %add3A_238 : i32 to vector<16xi32>
    %add3A_240 = arith.addi %add3A_239, %iota3A : vector<16xi32>
    %add3A_241 = arith.constant 32 : i32
    %add3A_242 = vector.broadcast %add3A_241 : i32 to vector<16xi32>
    %add3A_243 = arith.addi %add3A_242, %iota3A : vector<16xi32>
    %jit3A_244 = arith.constant 8 : i32
    %div3A_245 = vector.broadcast %jit3A_244 : i32 to vector<16xi32>
    %div3A_246 = arith.divsi %add3A_243, %div3A_245 : vector<16xi32>
    %sign3A_247 = arith.constant 0 : i32
    %sign3A_248 = vector.broadcast %sign3A_247 : i32 to vector<16xi32>
    %sign3A_249 = arith.cmpi sgt, %add3A_243, %sign3A_248 : vector<16xi32>
    %sign3A_250 = arith.extui %sign3A_249 : vector<16xi1> to vector<16xi32>
    %sign3A_251 = arith.constant 0 : i32
    %sign3A_252 = vector.broadcast %sign3A_251 : i32 to vector<16xi32>
    %sign3A_253 = arith.cmpi slt, %add3A_243, %sign3A_252 : vector<16xi32>
    %sign3A_254 = arith.extui %sign3A_253 : vector<16xi1> to vector<16xi32>
    %sign3A_255 = arith.subi %sign3A_250, %sign3A_254 : vector<16xi32>
    %sign3A_256 = arith.constant 0 : i32
    %sign3A_257 = arith.cmpi sgt, %jit3A_244, %sign3A_256 : i32
    %sign3A_258 = arith.extui %sign3A_257 : i1 to i32
    %sign3A_259 = arith.constant 0 : i32
    %sign3A_260 = arith.cmpi slt, %jit3A_244, %sign3A_259 : i32
    %sign3A_261 = arith.extui %sign3A_260 : i1 to i32
    %sign3A_262 = arith.subi %sign3A_258, %sign3A_261 : i32
    %ne3A_263 = vector.broadcast %sign3A_262 : i32 to vector<16xi32>
    %ne3A_264 = arith.cmpi ne, %sign3A_255, %ne3A_263 : vector<16xi32>
    %rem3A_265 = vector.broadcast %jit3A_244 : i32 to vector<16xi32>
    %rem3A_266 = arith.remsi %add3A_243, %rem3A_265 : vector<16xi32>
    %ne3A_267 = arith.constant 0 : i32
    %ne3A_268 = vector.broadcast %ne3A_267 : i32 to vector<16xi32>
    %ne3A_269 = arith.cmpi ne, %rem3A_266, %ne3A_268 : vector<16xi32>
    %and3A_270 = arith.andi %ne3A_264, %ne3A_269 : vector<16xi1>
    %sub3A_271 = arith.constant 1 : i32
    %sub3A_272 = vector.broadcast %sub3A_271 : i32 to vector<16xi32>
    %sub3A_273 = arith.subi %div3A_246, %sub3A_272 : vector<16xi32>
    %select_n3A_274 = arith.select %and3A_270, %sub3A_273, %div3A_246 : vector<16xi1>, vector<16xi32>
    %add3A_275 = arith.addi %add3A_240, %select_n3A_274 : vector<16xi32>
    %add3A_276 = arith.constant 48 : i32
    %add3A_277 = vector.broadcast %add3A_276 : i32 to vector<16xi32>
    %add3A_278 = arith.addi %add3A_277, %iota3A : vector<16xi32>
    %add3A_279 = arith.constant 48 : i32
    %add3A_280 = vector.broadcast %add3A_279 : i32 to vector<16xi32>
    %add3A_281 = arith.addi %add3A_280, %iota3A : vector<16xi32>
    %jit3A_282 = arith.constant 8 : i32
    %div3A_283 = vector.broadcast %jit3A_282 : i32 to vector<16xi32>
    %div3A_284 = arith.divsi %add3A_281, %div3A_283 : vector<16xi32>
    %sign3A_285 = arith.constant 0 : i32
    %sign3A_286 = vector.broadcast %sign3A_285 : i32 to vector<16xi32>
    %sign3A_287 = arith.cmpi sgt, %add3A_281, %sign3A_286 : vector<16xi32>
    %sign3A_288 = arith.extui %sign3A_287 : vector<16xi1> to vector<16xi32>
    %sign3A_289 = arith.constant 0 : i32
    %sign3A_290 = vector.broadcast %sign3A_289 : i32 to vector<16xi32>
    %sign3A_291 = arith.cmpi slt, %add3A_281, %sign3A_290 : vector<16xi32>
    %sign3A_292 = arith.extui %sign3A_291 : vector<16xi1> to vector<16xi32>
    %sign3A_293 = arith.subi %sign3A_288, %sign3A_292 : vector<16xi32>
    %sign3A_294 = arith.constant 0 : i32
    %sign3A_295 = arith.cmpi sgt, %jit3A_282, %sign3A_294 : i32
    %sign3A_296 = arith.extui %sign3A_295 : i1 to i32
    %sign3A_297 = arith.constant 0 : i32
    %sign3A_298 = arith.cmpi slt, %jit3A_282, %sign3A_297 : i32
    %sign3A_299 = arith.extui %sign3A_298 : i1 to i32
    %sign3A_300 = arith.subi %sign3A_296, %sign3A_299 : i32
    %ne3A_301 = vector.broadcast %sign3A_300 : i32 to vector<16xi32>
    %ne3A_302 = arith.cmpi ne, %sign3A_293, %ne3A_301 : vector<16xi32>
    %rem3A_303 = vector.broadcast %jit3A_282 : i32 to vector<16xi32>
    %rem3A_304 = arith.remsi %add3A_281, %rem3A_303 : vector<16xi32>
    %ne3A_305 = arith.constant 0 : i32
    %ne3A_306 = vector.broadcast %ne3A_305 : i32 to vector<16xi32>
    %ne3A_307 = arith.cmpi ne, %rem3A_304, %ne3A_306 : vector<16xi32>
    %and3A_308 = arith.andi %ne3A_302, %ne3A_307 : vector<16xi1>
    %sub3A_309 = arith.constant 1 : i32
    %sub3A_310 = vector.broadcast %sub3A_309 : i32 to vector<16xi32>
    %sub3A_311 = arith.subi %div3A_284, %sub3A_310 : vector<16xi32>
    %select_n3A_312 = arith.select %and3A_308, %sub3A_311, %div3A_284 : vector<16xi1>, vector<16xi32>
    %add3A_313 = arith.addi %add3A_278, %select_n3A_312 : vector<16xi32>
    %add3A_314 = arith.constant 0 : i32
    %add3A_315 = vector.broadcast %add3A_314 : i32 to vector<16xi32>
    %add3A_316 = arith.addi %add3A_315, %iota3A : vector<16xi32>
    %jit3A_317 = arith.constant 8 : i32
    %div3A_318 = vector.broadcast %jit3A_317 : i32 to vector<16xi32>
    %div3A_319 = arith.divsi %add3A_316, %div3A_318 : vector<16xi32>
    %sign3A_320 = arith.constant 0 : i32
    %sign3A_321 = vector.broadcast %sign3A_320 : i32 to vector<16xi32>
    %sign3A_322 = arith.cmpi sgt, %add3A_316, %sign3A_321 : vector<16xi32>
    %sign3A_323 = arith.extui %sign3A_322 : vector<16xi1> to vector<16xi32>
    %sign3A_324 = arith.constant 0 : i32
    %sign3A_325 = vector.broadcast %sign3A_324 : i32 to vector<16xi32>
    %sign3A_326 = arith.cmpi slt, %add3A_316, %sign3A_325 : vector<16xi32>
    %sign3A_327 = arith.extui %sign3A_326 : vector<16xi1> to vector<16xi32>
    %sign3A_328 = arith.subi %sign3A_323, %sign3A_327 : vector<16xi32>
    %sign3A_329 = arith.constant 0 : i32
    %sign3A_330 = arith.cmpi sgt, %jit3A_317, %sign3A_329 : i32
    %sign3A_331 = arith.extui %sign3A_330 : i1 to i32
    %sign3A_332 = arith.constant 0 : i32
    %sign3A_333 = arith.cmpi slt, %jit3A_317, %sign3A_332 : i32
    %sign3A_334 = arith.extui %sign3A_333 : i1 to i32
    %sign3A_335 = arith.subi %sign3A_331, %sign3A_334 : i32
    %ne3A_336 = vector.broadcast %sign3A_335 : i32 to vector<16xi32>
    %ne3A_337 = arith.cmpi ne, %sign3A_328, %ne3A_336 : vector<16xi32>
    %rem3A_338 = vector.broadcast %jit3A_317 : i32 to vector<16xi32>
    %rem3A_339 = arith.remsi %add3A_316, %rem3A_338 : vector<16xi32>
    %ne3A_340 = arith.constant 0 : i32
    %ne3A_341 = vector.broadcast %ne3A_340 : i32 to vector<16xi32>
    %ne3A_342 = arith.cmpi ne, %rem3A_339, %ne3A_341 : vector<16xi32>
    %and3A_343 = arith.andi %ne3A_337, %ne3A_342 : vector<16xi1>
    %sub3A_344 = arith.constant 1 : i32
    %sub3A_345 = vector.broadcast %sub3A_344 : i32 to vector<16xi32>
    %sub3A_346 = arith.subi %div3A_319, %sub3A_345 : vector<16xi32>
    %select_n3A_347 = arith.select %and3A_343, %sub3A_346, %div3A_319 : vector<16xi1>, vector<16xi32>
    %mul3A = arith.constant 9 : i32
    %mul3A_348 = vector.broadcast %mul3A : i32 to vector<16xi32>
    %mul3A_349 = arith.muli %mul3A_348, %select_n3A_347 : vector<16xi32>
    %add3A_350 = arith.constant 8 : i32
    %add3A_351 = vector.broadcast %add3A_350 : i32 to vector<16xi32>
    %add3A_352 = arith.addi %mul3A_349, %add3A_351 : vector<16xi32>
    %add3A_353 = arith.constant 16 : i32
    %add3A_354 = vector.broadcast %add3A_353 : i32 to vector<16xi32>
    %add3A_355 = arith.addi %add3A_354, %iota3A : vector<16xi32>
    %jit3A_356 = arith.constant 8 : i32
    %div3A_357 = vector.broadcast %jit3A_356 : i32 to vector<16xi32>
    %div3A_358 = arith.divsi %add3A_355, %div3A_357 : vector<16xi32>
    %sign3A_359 = arith.constant 0 : i32
    %sign3A_360 = vector.broadcast %sign3A_359 : i32 to vector<16xi32>
    %sign3A_361 = arith.cmpi sgt, %add3A_355, %sign3A_360 : vector<16xi32>
    %sign3A_362 = arith.extui %sign3A_361 : vector<16xi1> to vector<16xi32>
    %sign3A_363 = arith.constant 0 : i32
    %sign3A_364 = vector.broadcast %sign3A_363 : i32 to vector<16xi32>
    %sign3A_365 = arith.cmpi slt, %add3A_355, %sign3A_364 : vector<16xi32>
    %sign3A_366 = arith.extui %sign3A_365 : vector<16xi1> to vector<16xi32>
    %sign3A_367 = arith.subi %sign3A_362, %sign3A_366 : vector<16xi32>
    %sign3A_368 = arith.constant 0 : i32
    %sign3A_369 = arith.cmpi sgt, %jit3A_356, %sign3A_368 : i32
    %sign3A_370 = arith.extui %sign3A_369 : i1 to i32
    %sign3A_371 = arith.constant 0 : i32
    %sign3A_372 = arith.cmpi slt, %jit3A_356, %sign3A_371 : i32
    %sign3A_373 = arith.extui %sign3A_372 : i1 to i32
    %sign3A_374 = arith.subi %sign3A_370, %sign3A_373 : i32
    %ne3A_375 = vector.broadcast %sign3A_374 : i32 to vector<16xi32>
    %ne3A_376 = arith.cmpi ne, %sign3A_367, %ne3A_375 : vector<16xi32>
    %rem3A_377 = vector.broadcast %jit3A_356 : i32 to vector<16xi32>
    %rem3A_378 = arith.remsi %add3A_355, %rem3A_377 : vector<16xi32>
    %ne3A_379 = arith.constant 0 : i32
    %ne3A_380 = vector.broadcast %ne3A_379 : i32 to vector<16xi32>
    %ne3A_381 = arith.cmpi ne, %rem3A_378, %ne3A_380 : vector<16xi32>
    %and3A_382 = arith.andi %ne3A_376, %ne3A_381 : vector<16xi1>
    %sub3A_383 = arith.constant 1 : i32
    %sub3A_384 = vector.broadcast %sub3A_383 : i32 to vector<16xi32>
    %sub3A_385 = arith.subi %div3A_358, %sub3A_384 : vector<16xi32>
    %select_n3A_386 = arith.select %and3A_382, %sub3A_385, %div3A_358 : vector<16xi1>, vector<16xi32>
    %mul3A_387 = arith.constant 9 : i32
    %mul3A_388 = vector.broadcast %mul3A_387 : i32 to vector<16xi32>
    %mul3A_389 = arith.muli %mul3A_388, %select_n3A_386 : vector<16xi32>
    %add3A_390 = arith.constant 8 : i32
    %add3A_391 = vector.broadcast %add3A_390 : i32 to vector<16xi32>
    %add3A_392 = arith.addi %mul3A_389, %add3A_391 : vector<16xi32>
    %add3A_393 = arith.constant 32 : i32
    %add3A_394 = vector.broadcast %add3A_393 : i32 to vector<16xi32>
    %add3A_395 = arith.addi %add3A_394, %iota3A : vector<16xi32>
    %jit3A_396 = arith.constant 8 : i32
    %div3A_397 = vector.broadcast %jit3A_396 : i32 to vector<16xi32>
    %div3A_398 = arith.divsi %add3A_395, %div3A_397 : vector<16xi32>
    %sign3A_399 = arith.constant 0 : i32
    %sign3A_400 = vector.broadcast %sign3A_399 : i32 to vector<16xi32>
    %sign3A_401 = arith.cmpi sgt, %add3A_395, %sign3A_400 : vector<16xi32>
    %sign3A_402 = arith.extui %sign3A_401 : vector<16xi1> to vector<16xi32>
    %sign3A_403 = arith.constant 0 : i32
    %sign3A_404 = vector.broadcast %sign3A_403 : i32 to vector<16xi32>
    %sign3A_405 = arith.cmpi slt, %add3A_395, %sign3A_404 : vector<16xi32>
    %sign3A_406 = arith.extui %sign3A_405 : vector<16xi1> to vector<16xi32>
    %sign3A_407 = arith.subi %sign3A_402, %sign3A_406 : vector<16xi32>
    %sign3A_408 = arith.constant 0 : i32
    %sign3A_409 = arith.cmpi sgt, %jit3A_396, %sign3A_408 : i32
    %sign3A_410 = arith.extui %sign3A_409 : i1 to i32
    %sign3A_411 = arith.constant 0 : i32
    %sign3A_412 = arith.cmpi slt, %jit3A_396, %sign3A_411 : i32
    %sign3A_413 = arith.extui %sign3A_412 : i1 to i32
    %sign3A_414 = arith.subi %sign3A_410, %sign3A_413 : i32
    %ne3A_415 = vector.broadcast %sign3A_414 : i32 to vector<16xi32>
    %ne3A_416 = arith.cmpi ne, %sign3A_407, %ne3A_415 : vector<16xi32>
    %rem3A_417 = vector.broadcast %jit3A_396 : i32 to vector<16xi32>
    %rem3A_418 = arith.remsi %add3A_395, %rem3A_417 : vector<16xi32>
    %ne3A_419 = arith.constant 0 : i32
    %ne3A_420 = vector.broadcast %ne3A_419 : i32 to vector<16xi32>
    %ne3A_421 = arith.cmpi ne, %rem3A_418, %ne3A_420 : vector<16xi32>
    %and3A_422 = arith.andi %ne3A_416, %ne3A_421 : vector<16xi1>
    %sub3A_423 = arith.constant 1 : i32
    %sub3A_424 = vector.broadcast %sub3A_423 : i32 to vector<16xi32>
    %sub3A_425 = arith.subi %div3A_398, %sub3A_424 : vector<16xi32>
    %select_n3A_426 = arith.select %and3A_422, %sub3A_425, %div3A_398 : vector<16xi1>, vector<16xi32>
    %mul3A_427 = arith.constant 9 : i32
    %mul3A_428 = vector.broadcast %mul3A_427 : i32 to vector<16xi32>
    %mul3A_429 = arith.muli %mul3A_428, %select_n3A_426 : vector<16xi32>
    %add3A_430 = arith.constant 8 : i32
    %add3A_431 = vector.broadcast %add3A_430 : i32 to vector<16xi32>
    %add3A_432 = arith.addi %mul3A_429, %add3A_431 : vector<16xi32>
    %add3A_433 = arith.constant 48 : i32
    %add3A_434 = vector.broadcast %add3A_433 : i32 to vector<16xi32>
    %add3A_435 = arith.addi %add3A_434, %iota3A : vector<16xi32>
    %jit3A_436 = arith.constant 8 : i32
    %div3A_437 = vector.broadcast %jit3A_436 : i32 to vector<16xi32>
    %div3A_438 = arith.divsi %add3A_435, %div3A_437 : vector<16xi32>
    %sign3A_439 = arith.constant 0 : i32
    %sign3A_440 = vector.broadcast %sign3A_439 : i32 to vector<16xi32>
    %sign3A_441 = arith.cmpi sgt, %add3A_435, %sign3A_440 : vector<16xi32>
    %sign3A_442 = arith.extui %sign3A_441 : vector<16xi1> to vector<16xi32>
    %sign3A_443 = arith.constant 0 : i32
    %sign3A_444 = vector.broadcast %sign3A_443 : i32 to vector<16xi32>
    %sign3A_445 = arith.cmpi slt, %add3A_435, %sign3A_444 : vector<16xi32>
    %sign3A_446 = arith.extui %sign3A_445 : vector<16xi1> to vector<16xi32>
    %sign3A_447 = arith.subi %sign3A_442, %sign3A_446 : vector<16xi32>
    %sign3A_448 = arith.constant 0 : i32
    %sign3A_449 = arith.cmpi sgt, %jit3A_436, %sign3A_448 : i32
    %sign3A_450 = arith.extui %sign3A_449 : i1 to i32
    %sign3A_451 = arith.constant 0 : i32
    %sign3A_452 = arith.cmpi slt, %jit3A_436, %sign3A_451 : i32
    %sign3A_453 = arith.extui %sign3A_452 : i1 to i32
    %sign3A_454 = arith.subi %sign3A_450, %sign3A_453 : i32
    %ne3A_455 = vector.broadcast %sign3A_454 : i32 to vector<16xi32>
    %ne3A_456 = arith.cmpi ne, %sign3A_447, %ne3A_455 : vector<16xi32>
    %rem3A_457 = vector.broadcast %jit3A_436 : i32 to vector<16xi32>
    %rem3A_458 = arith.remsi %add3A_435, %rem3A_457 : vector<16xi32>
    %ne3A_459 = arith.constant 0 : i32
    %ne3A_460 = vector.broadcast %ne3A_459 : i32 to vector<16xi32>
    %ne3A_461 = arith.cmpi ne, %rem3A_458, %ne3A_460 : vector<16xi32>
    %and3A_462 = arith.andi %ne3A_456, %ne3A_461 : vector<16xi1>
    %sub3A_463 = arith.constant 1 : i32
    %sub3A_464 = vector.broadcast %sub3A_463 : i32 to vector<16xi32>
    %sub3A_465 = arith.subi %div3A_438, %sub3A_464 : vector<16xi32>
    %select_n3A_466 = arith.select %and3A_462, %sub3A_465, %div3A_438 : vector<16xi1>, vector<16xi32>
    %mul3A_467 = arith.constant 9 : i32
    %mul3A_468 = vector.broadcast %mul3A_467 : i32 to vector<16xi32>
    %mul3A_469 = arith.muli %mul3A_468, %select_n3A_466 : vector<16xi32>
    %add3A_470 = arith.constant 8 : i32
    %add3A_471 = vector.broadcast %add3A_470 : i32 to vector<16xi32>
    %add3A_472 = arith.addi %mul3A_469, %add3A_471 : vector<16xi32>
    %scan3A = arith.constant 0 : i32
    %scan3A_473 = arith.constant 0 : i32
    %scan3A_474 = arith.constant 56 : i32
    %scan3A_475 = arith.addi %scan3A_473, %scan3A_474 : i32
    %scan3A_476 = arith.constant 1 : i32
    scf.for %scan3A_561 = %scan3A_473 to %scan3A_475 step %scan3A_476  : i32 {
      %swap3A = arith.index_cast %scan3A_561 : i32 to index
      %swap3A_562 = arith.constant 0 : index
      %swap3A_563 = tpu.vector_load %arg12[%swap3A, %swap3A_562] {strides = array<i32>} : memref<56x72xf32, #tpu.memory_space<vmem>>, vector<16xf32>,
      tpu.vector_store %arg12[%swap3A, %swap3A_562], %broadcast_in_dim3A_0 {strides = array<i32>} : memref<56x72xf32, #tpu.memory_space<vmem>>, vector<16xf32>,
      %swap3A_564 = arith.index_cast %scan3A_561 : i32 to index
      %swap3A_565 = arith.constant 16 : index
      %swap3A_566 = tpu.vector_load %arg12[%swap3A_564, %swap3A_565] {strides = array<i32>} : memref<56x72xf32, #tpu.memory_space<vmem>>, vector<16xf32>,
      tpu.vector_store %arg12[%swap3A_564, %swap3A_565], %broadcast_in_dim3A_0 {strides = array<i32>} : memref<56x72xf32, #tpu.memory_space<vmem>>, vector<16xf32>,
      %swap3A_567 = arith.index_cast %scan3A_561 : i32 to index
      %swap3A_568 = arith.constant 32 : index
      %swap3A_569 = tpu.vector_load %arg12[%swap3A_567, %swap3A_568] {strides = array<i32>} : memref<56x72xf32, #tpu.memory_space<vmem>>, vector<16xf32>,
      tpu.vector_store %arg12[%swap3A_567, %swap3A_568], %broadcast_in_dim3A_0 {strides = array<i32>} : memref<56x72xf32, #tpu.memory_space<vmem>>, vector<16xf32>,
      %swap3A_570 = arith.index_cast %scan3A_561 : i32 to index
      %swap3A_571 = arith.constant 48 : index
      %swap3A_572 = tpu.vector_load %arg12[%swap3A_570, %swap3A_571] {strides = array<i32>} : memref<56x72xf32, #tpu.memory_space<vmem>>, vector<16xf32>,
      tpu.vector_store %arg12[%swap3A_570, %swap3A_571], %broadcast_in_dim3A_0 {strides = array<i32>} : memref<56x72xf32, #tpu.memory_space<vmem>>, vector<16xf32>,
      %swap3A_573 = arith.index_cast %scan3A_561 : i32 to index
      %swap3A_574 = arith.constant 56 : index
      %swap3A_575 = tpu.vector_load %arg12[%swap3A_573, %swap3A_574] {strides = array<i32>} : memref<56x72xf32, #tpu.memory_space<vmem>>, vector<16xf32>,
      tpu.vector_store %arg12[%swap3A_573, %swap3A_574], %broadcast_in_dim3A_0 {strides = array<i32>} : memref<56x72xf32, #tpu.memory_space<vmem>>, vector<16xf32>,
    }
    %scan3A_477 = arith.constant 56 : i32
    %mul3A_478 = arith.constant 1568 : i32
    %mul3A_479 = arith.muli %arg1, %mul3A_478 : i32
    %scan3A_480 = arith.constant 0 : i32
    %scan3A_481 = arith.constant 0 : i32
    %scan3A_482 = arith.constant 28 : i32
    %scan3A_483 = arith.addi %scan3A_481, %scan3A_482 : i32
    %scan3A_484 = arith.constant 1 : i32
    scf.for %scan3A_561 = %scan3A_481 to %scan3A_483 step %scan3A_484  : i32 {
      %mul3A_562 = arith.constant 56 : i32
      %mul3A_563 = arith.muli %scan3A_561, %mul3A_562 : i32
      %add3A_564 = arith.addi %mul3A_479, %mul3A_563 : i32
      "tpu.region"() ({
        %run_scoped3A = tpu.sem_alloc : memref<!tpu.dma_semaphore, #tpu.memory_space<semaphore_mem>>
        %dma_start3A_565 = arith.constant 0 : i32
        %dma_start3A_566 = tpu.memref_slice %arg7[%add3A_564, %dma_start3A_565] : memref<25096x72xf32, #tpu.memory_space<vmem_shared>> -> memref<56x72xf32, #tpu.memory_space<vmem_shared>>
        %dma_start3A_567 = arith.constant 0 : i32
        %dma_start3A_568 = tpu.memref_slice %arg7[%add3A_564, %dma_start3A_567] : memref<25096x72xf32, #tpu.memory_space<vmem_shared>> -> memref<56x72xf32, #tpu.memory_space<vmem_shared>>
        tpu.enqueue_dma source(%arg12 : memref<56x72xf32, #tpu.memory_space<vmem>>) target(%dma_start3A_568 : memref<56x72xf32, #tpu.memory_space<vmem_shared>>) target_semaphore(%run_scoped3A : memref<!tpu.dma_semaphore, #tpu.memory_space<semaphore_mem>>)
        %dma_wait3A_569 = arith.constant 0 : i32
        %dma_wait3A_570 = tpu.memref_slice %arg7[%add3A_564, %dma_wait3A_569] : memref<25096x72xf32, #tpu.memory_space<vmem_shared>> -> memref<56x72xf32, #tpu.memory_space<vmem_shared>>
        %dma_wait3A_571 = arith.constant 0 : i32
        %dma_wait3A_572 = tpu.memref_slice %arg7[%add3A_564, %dma_wait3A_571] : memref<25096x72xf32, #tpu.memory_space<vmem_shared>> -> memref<56x72xf32, #tpu.memory_space<vmem_shared>>
        tpu.wait_dma2 semaphore(%run_scoped3A : memref<!tpu.dma_semaphore, #tpu.memory_space<semaphore_mem>>) src(%arg12 : memref<56x72xf32, #tpu.memory_space<vmem>>) dst(%dma_wait3A_572 : memref<56x72xf32, #tpu.memory_space<vmem_shared>>)
        tpu.yield
      }) : () -> ()
    }
    %scan3A_485 = arith.constant 28 : i32
    %eq3A = arith.constant 0 : i32
    %eq3A_486 = arith.cmpi eq, %arg1, %eq3A : i32
    %convert_element_type3A = arith.extui %eq3A_486 : i1 to i32
    %cond3A = arith.constant 0 : i32
    %cond3A_487 = arith.cmpi ne, %convert_element_type3A, %cond3A : i32
    scf.if %cond3A_487 {
      "tpu.region"() ({
        %run_scoped3A = tpu.sem_alloc : memref<!tpu.dma_semaphore, #tpu.memory_space<semaphore_mem>>
        %dma_start3A_561 = arith.constant 0 : i32
        %dma_start3A_562 = arith.constant 0 : i32
        %dma_start3A_563 = tpu.memref_slice %arg12[%dma_start3A_561, %dma_start3A_562] : memref<56x72xf32, #tpu.memory_space<vmem>> -> memref<8x72xf32, #tpu.memory_space<vmem>>
        %dma_start3A_564 = arith.constant 25088 : i32
        %dma_start3A_565 = arith.constant 0 : i32
        %dma_start3A_566 = tpu.memref_slice %arg7[%dma_start3A_564, %dma_start3A_565] : memref<25096x72xf32, #tpu.memory_space<vmem_shared>> -> memref<8x72xf32, #tpu.memory_space<vmem_shared>>
        %dma_start3A_567 = arith.constant 25088 : i32
        %dma_start3A_568 = arith.constant 0 : i32
        %dma_start3A_569 = tpu.memref_slice %arg7[%dma_start3A_567, %dma_start3A_568] : memref<25096x72xf32, #tpu.memory_space<vmem_shared>> -> memref<8x72xf32, #tpu.memory_space<vmem_shared>>
        %dma_start3A_570 = arith.constant 0 : i32
        %dma_start3A_571 = arith.constant 0 : i32
        %dma_start3A_572 = tpu.memref_slice %arg12[%dma_start3A_570, %dma_start3A_571] : memref<56x72xf32, #tpu.memory_space<vmem>> -> memref<8x72xf32, #tpu.memory_space<vmem>>
        tpu.enqueue_dma source(%dma_start3A_572 : memref<8x72xf32, #tpu.memory_space<vmem>>) target(%dma_start3A_569 : memref<8x72xf32, #tpu.memory_space<vmem_shared>>) target_semaphore(%run_scoped3A : memref<!tpu.dma_semaphore, #tpu.memory_space<semaphore_mem>>)
        %dma_wait3A_573 = arith.constant 0 : i32
        %dma_wait3A_574 = arith.constant 0 : i32
        %dma_wait3A_575 = tpu.memref_slice %arg12[%dma_wait3A_573, %dma_wait3A_574] : memref<56x72xf32, #tpu.memory_space<vmem>> -> memref<8x72xf32, #tpu.memory_space<vmem>>
        %dma_wait3A_576 = arith.constant 25088 : i32
        %dma_wait3A_577 = arith.constant 0 : i32
        %dma_wait3A_578 = tpu.memref_slice %arg7[%dma_wait3A_576, %dma_wait3A_577] : memref<25096x72xf32, #tpu.memory_space<vmem_shared>> -> memref<8x72xf32, #tpu.memory_space<vmem_shared>>
        %dma_wait3A_579 = arith.constant 25088 : i32
        %dma_wait3A_580 = arith.constant 0 : i32
        %dma_wait3A_581 = tpu.memref_slice %arg7[%dma_wait3A_579, %dma_wait3A_580] : memref<25096x72xf32, #tpu.memory_space<vmem_shared>> -> memref<8x72xf32, #tpu.memory_space<vmem_shared>>
        %dma_wait3A_582 = arith.constant 0 : i32
        %dma_wait3A_583 = arith.constant 0 : i32
        %dma_wait3A_584 = tpu.memref_slice %arg12[%dma_wait3A_582, %dma_wait3A_583] : memref<56x72xf32, #tpu.memory_space<vmem>> -> memref<8x72xf32, #tpu.memory_space<vmem>>
        tpu.wait_dma2 semaphore(%run_scoped3A : memref<!tpu.dma_semaphore, #tpu.memory_space<semaphore_mem>>) src(%dma_wait3A_584 : memref<8x72xf32, #tpu.memory_space<vmem>>) dst(%dma_wait3A_581 : memref<8x72xf32, #tpu.memory_space<vmem_shared>>)
        tpu.yield
      }) : () -> ()
    } else {
    }
    %barrier3A = arith.constant 0 : index
    tpu.barrier barrier_id(%barrier3A)
    %mul3A_488 = arith.constant 25000 : i32
    %mul3A_489 = arith.muli %arg0, %mul3A_488 : i32
    %and3A_490 = arith.constant 7 : i32
    %and3A_491 = arith.andi %arg1, %and3A_490 : i32
    %add3A_492 = arith.constant 25088 : i32
    %add3A_493 = arith.addi %add3A_492, %and3A_491 : i32
    %mul3A_494 = arith.constant 896 : i32
    %mul3A_495 = arith.muli %arg1, %mul3A_494 : i32
    %add3A_496 = arith.constant 0 : i32
    %add3A_497 = arith.addi %mul3A_495, %add3A_496 : i32
    %dma_start3A = arith.constant 0 : i32
    %dma_start3A_498 = tpu.memref_slice %arg4[%add3A_497, %dma_start3A] : memref<14336x56xi32, #tpu.memory_space<hbm>> -> memref<1x56xi32, #tpu.memory_space<hbm>>
    %dma_start3A_499 = arith.constant 0 : i32
    %dma_start3A_500 = tpu.memref_slice %arg4[%add3A_497, %dma_start3A_499] : memref<14336x56xi32, #tpu.memory_space<hbm>> -> memref<1x56xi32, #tpu.memory_space<hbm>>
    tpu.enqueue_dma source(%dma_start3A_500 : memref<1x56xi32, #tpu.memory_space<hbm>>) target(%arg13 : memref<1x56xi32, #tpu.memory_space<vmem>>) target_semaphore(%arg23 : memref<!tpu.dma_semaphore, #tpu.memory_space<semaphore_mem>>)
    %dma_start3A_501 = arith.constant 0 : i32
    %dma_start3A_502 = tpu.memref_slice %arg5[%add3A_497, %dma_start3A_501] : memref<14336x56xi32, #tpu.memory_space<hbm>> -> memref<1x56xi32, #tpu.memory_space<hbm>>
    %dma_start3A_503 = arith.constant 0 : i32
    %dma_start3A_504 = tpu.memref_slice %arg5[%add3A_497, %dma_start3A_503] : memref<14336x56xi32, #tpu.memory_space<hbm>> -> memref<1x56xi32, #tpu.memory_space<hbm>>
    tpu.enqueue_dma source(%dma_start3A_504 : memref<1x56xi32, #tpu.memory_space<hbm>>) target(%arg15 : memref<1x56xi32, #tpu.memory_space<vmem>>) target_semaphore(%arg23 : memref<!tpu.dma_semaphore, #tpu.memory_space<semaphore_mem>>)
    %dma_wait3A = arith.constant 0 : i32
    %dma_wait3A_505 = arith.constant 0 : i32
    %dma_wait3A_506 = tpu.memref_slice %arg4[%dma_wait3A, %dma_wait3A_505] : memref<14336x56xi32, #tpu.memory_space<hbm>> -> memref<1x56xi32, #tpu.memory_space<hbm>>
    %dma_wait3A_507 = arith.constant 0 : i32
    %dma_wait3A_508 = arith.constant 0 : i32
    %dma_wait3A_509 = tpu.memref_slice %arg4[%dma_wait3A_507, %dma_wait3A_508] : memref<14336x56xi32, #tpu.memory_space<hbm>> -> memref<1x56xi32, #tpu.memory_space<hbm>>
    tpu.wait_dma2 semaphore(%arg23 : memref<!tpu.dma_semaphore, #tpu.memory_space<semaphore_mem>>) src(%dma_wait3A_509 : memref<1x56xi32, #tpu.memory_space<hbm>>) dst(%arg13 : memref<1x56xi32, #tpu.memory_space<vmem>>)
    %dma_wait3A_510 = arith.constant 0 : i32
    %dma_wait3A_511 = arith.constant 0 : i32
    %dma_wait3A_512 = tpu.memref_slice %arg5[%dma_wait3A_510, %dma_wait3A_511] : memref<14336x56xi32, #tpu.memory_space<hbm>> -> memref<1x56xi32, #tpu.memory_space<hbm>>
    %dma_wait3A_513 = arith.constant 0 : i32
    %dma_wait3A_514 = arith.constant 0 : i32
    %dma_wait3A_515 = tpu.memref_slice %arg5[%dma_wait3A_513, %dma_wait3A_514] : memref<14336x56xi32, #tpu.memory_space<hbm>> -> memref<1x56xi32, #tpu.memory_space<hbm>>
    tpu.wait_dma2 semaphore(%arg23 : memref<!tpu.dma_semaphore, #tpu.memory_space<semaphore_mem>>) src(%dma_wait3A_515 : memref<1x56xi32, #tpu.memory_space<hbm>>) dst(%arg15 : memref<1x56xi32, #tpu.memory_space<vmem>>)
    %dma_start3A_516 = arith.constant 0 : i32
    %dma_start3A_517 = arith.constant 0 : i32
    %dma_start3A_518 = tpu.memref_slice %arg13[%dma_start3A_516, %dma_start3A_517] : memref<1x56xi32, #tpu.memory_space<vmem>> -> memref<1x56xi32, #tpu.memory_space<vmem>>
    %dma_start3A_519 = tpu.memref_squeeze %dma_start3A_518 : memref<1x56xi32, #tpu.memory_space<vmem>> -> memref<56xi32, #tpu.memory_space<vmem>>
    %dma_start3A_520 = arith.constant 0 : i32
    %dma_start3A_521 = arith.constant 0 : i32
    %dma_start3A_522 = tpu.memref_slice %arg2[%dma_start3A_520, %dma_start3A_521] : memref<50000x96xf32, #tpu.memory_space<hbm>> -> memref<50000x96xf32, #tpu.memory_space<hbm>>
    tpu.enqueue_indirect_dma source(%dma_start3A_522 : memref<50000x96xf32, #tpu.memory_space<hbm>>) target(%arg8 : memref<56x96xf32, #tpu.memory_space<vmem>>) offsets(%dma_start3A_519 : memref<56xi32, #tpu.memory_space<vmem>>) semaphore(%arg21 : memref<!tpu.dma_semaphore, #tpu.memory_space<semaphore_mem>>)
    %dma_start3A_523 = arith.constant 0 : i32
    %dma_start3A_524 = arith.constant 0 : i32
    %dma_start3A_525 = tpu.memref_slice %arg15[%dma_start3A_523, %dma_start3A_524] : memref<1x56xi32, #tpu.memory_space<vmem>> -> memref<1x56xi32, #tpu.memory_space<vmem>>
    %dma_start3A_526 = tpu.memref_squeeze %dma_start3A_525 : memref<1x56xi32, #tpu.memory_space<vmem>> -> memref<56xi32, #tpu.memory_space<vmem>>
    %dma_start3A_527 = arith.constant 0 : i32
    %dma_start3A_528 = arith.constant 0 : i32
    %dma_start3A_529 = tpu.memref_slice %arg3[%dma_start3A_527, %dma_start3A_528] : memref<50016x16xf32, #tpu.memory_space<hbm>> -> memref<50016x16xf32, #tpu.memory_space<hbm>>
    tpu.enqueue_indirect_dma source(%dma_start3A_529 : memref<50016x16xf32, #tpu.memory_space<hbm>>) target(%arg10 : memref<56x16xf32, #tpu.memory_space<vmem>>) offsets(%dma_start3A_526 : memref<56xi32, #tpu.memory_space<vmem>>) semaphore(%arg21 : memref<!tpu.dma_semaphore, #tpu.memory_space<semaphore_mem>>)
    %mul3A_530 = arith.constant 896 : i32
    %mul3A_531 = arith.muli %arg1, %mul3A_530 : i32
    %add3A_532 = arith.constant 1 : i32
    %add3A_533 = arith.addi %mul3A_531, %add3A_532 : i32
    %dma_start3A_534 = arith.constant 0 : i32
    %dma_start3A_535 = tpu.memref_slice %arg4[%add3A_533, %dma_start3A_534] : memref<14336x56xi32, #tpu.memory_space<hbm>> -> memref<1x56xi32, #tpu.memory_space<hbm>>
    %dma_start3A_536 = arith.constant 0 : i32
    %dma_start3A_537 = tpu.memref_slice %arg4[%add3A_533, %dma_start3A_536] : memref<14336x56xi32, #tpu.memory_space<hbm>> -> memref<1x56xi32, #tpu.memory_space<hbm>>
    tpu.enqueue_dma source(%dma_start3A_537 : memref<1x56xi32, #tpu.memory_space<hbm>>) target(%arg14 : memref<1x56xi32, #tpu.memory_space<vmem>>) target_semaphore(%arg24 : memref<!tpu.dma_semaphore, #tpu.memory_space<semaphore_mem>>)
    %dma_start3A_538 = arith.constant 0 : i32
    %dma_start3A_539 = tpu.memref_slice %arg5[%add3A_533, %dma_start3A_538] : memref<14336x56xi32, #tpu.memory_space<hbm>> -> memref<1x56xi32, #tpu.memory_space<hbm>>
    %dma_start3A_540 = arith.constant 0 : i32
    %dma_start3A_541 = tpu.memref_slice %arg5[%add3A_533, %dma_start3A_540] : memref<14336x56xi32, #tpu.memory_space<hbm>> -> memref<1x56xi32, #tpu.memory_space<hbm>>
    tpu.enqueue_dma source(%dma_start3A_541 : memref<1x56xi32, #tpu.memory_space<hbm>>) target(%arg16 : memref<1x56xi32, #tpu.memory_space<vmem>>) target_semaphore(%arg24 : memref<!tpu.dma_semaphore, #tpu.memory_space<semaphore_mem>>)
    %scan3A_542 = arith.constant 0 : i32
    %scan3A_543 = arith.constant 0 : i32
    %scan3A_544 = arith.constant 448 : i32
    %scan3A_545 = arith.addi %scan3A_543, %scan3A_544 : i32
    %scan3A_546 = arith.constant 1 : i32
    scf.for %scan3A_561 = %scan3A_543 to %scan3A_545 step %scan3A_546  : i32 {
      %mul3A_562 = arith.constant 2 : i32
      %mul3A_563 = arith.muli %mul3A_562, %scan3A_561 : i32
      %add3A_564 = arith.constant 0 : i32
      %add3A_565 = arith.addi %mul3A_563, %add3A_564 : i32
      %dma_wait3A_566 = arith.constant 0 : i32
      %dma_wait3A_567 = arith.constant 0 : i32
      %dma_wait3A_568 = tpu.memref_slice %arg2[%dma_wait3A_566, %dma_wait3A_567] : memref<50000x96xf32, #tpu.memory_space<hbm>> -> memref<56x96xf32, #tpu.memory_space<hbm>>
      %dma_wait3A_569 = arith.constant 0 : i32
      %dma_wait3A_570 = arith.constant 0 : i32
      %dma_wait3A_571 = tpu.memref_slice %arg2[%dma_wait3A_569, %dma_wait3A_570] : memref<50000x96xf32, #tpu.memory_space<hbm>> -> memref<56x96xf32, #tpu.memory_space<hbm>>
      tpu.wait_dma2 semaphore(%arg21 : memref<!tpu.dma_semaphore, #tpu.memory_space<semaphore_mem>>) src(%dma_wait3A_571 : memref<56x96xf32, #tpu.memory_space<hbm>>) dst(%arg8 : memref<56x96xf32, #tpu.memory_space<vmem>>)
      %dma_wait3A_572 = arith.constant 0 : i32
      %dma_wait3A_573 = arith.constant 0 : i32
      %dma_wait3A_574 = tpu.memref_slice %arg3[%dma_wait3A_572, %dma_wait3A_573] : memref<50016x16xf32, #tpu.memory_space<hbm>> -> memref<56x16xf32, #tpu.memory_space<hbm>>
      %dma_wait3A_575 = arith.constant 0 : i32
      %dma_wait3A_576 = arith.constant 0 : i32
      %dma_wait3A_577 = tpu.memref_slice %arg3[%dma_wait3A_575, %dma_wait3A_576] : memref<50016x16xf32, #tpu.memory_space<hbm>> -> memref<56x16xf32, #tpu.memory_space<hbm>>
      tpu.wait_dma2 semaphore(%arg21 : memref<!tpu.dma_semaphore, #tpu.memory_space<semaphore_mem>>) src(%dma_wait3A_577 : memref<56x16xf32, #tpu.memory_space<hbm>>) dst(%arg10 : memref<56x16xf32, #tpu.memory_space<vmem>>)
      %get3A = arith.constant 0 : i32
      %get3A_578 = arith.index_cast %get3A : i32 to index
      %get3A_579 = arith.constant 0 : index
      %get3A_580 = tpu.vector_load %arg15[%get3A_578, %get3A_579] {strides = array<i32>} : memref<1x56xi32, #tpu.memory_space<vmem>>, vector<16xi32>,
      %sub3A_581 = vector.broadcast %mul3A_489 : i32 to vector<16xi32>
      %sub3A_582 = arith.subi %get3A_580, %sub3A_581 : vector<16xi32>
      %ge3A = arith.constant 0 : i32
      %ge3A_583 = vector.broadcast %ge3A : i32 to vector<16xi32>
      %ge3A_584 = arith.cmpi sge, %sub3A_582, %ge3A_583 : vector<16xi32>
      %lt3A = arith.constant 25000 : i32
      %lt3A_585 = vector.broadcast %lt3A : i32 to vector<16xi32>
      %lt3A_586 = arith.cmpi slt, %sub3A_582, %lt3A_585 : vector<16xi32>
      %and3A_587 = arith.andi %ge3A_584, %lt3A_586 : vector<16xi1>
      %broadcast_in_dim3A_588 = vector.broadcast %add3A_493 : i32 to vector<16xi32>
      %select_n3A_589 = arith.select %and3A_587, %sub3A_582, %broadcast_in_dim3A_588 : vector<16xi1>, vector<16xi32>
      %swap3A = arith.constant 0 : i32
      %swap3A_590 = arith.index_cast %swap3A : i32 to index
      %swap3A_591 = arith.constant 0 : index
      %swap3A_592 = tpu.vector_load %arg17[%swap3A_590, %swap3A_591] {strides = array<i32>} : memref<1x56xi32, #tpu.memory_space<vmem>>, vector<16xi32>,
      tpu.vector_store %arg17[%swap3A_590, %swap3A_591], %select_n3A_589 {strides = array<i32>} : memref<1x56xi32, #tpu.memory_space<vmem>>, vector<16xi32>,
      %get3A_593 = arith.constant 0 : i32
      %get3A_594 = arith.index_cast %get3A_593 : i32 to index
      %get3A_595 = arith.constant 16 : index
      %get3A_596 = tpu.vector_load %arg15[%get3A_594, %get3A_595] {strides = array<i32>} : memref<1x56xi32, #tpu.memory_space<vmem>>, vector<16xi32>,
      %sub3A_597 = vector.broadcast %mul3A_489 : i32 to vector<16xi32>
      %sub3A_598 = arith.subi %get3A_596, %sub3A_597 : vector<16xi32>
      %ge3A_599 = arith.constant 0 : i32
      %ge3A_600 = vector.broadcast %ge3A_599 : i32 to vector<16xi32>
      %ge3A_601 = arith.cmpi sge, %sub3A_598, %ge3A_600 : vector<16xi32>
      %lt3A_602 = arith.constant 25000 : i32
      %lt3A_603 = vector.broadcast %lt3A_602 : i32 to vector<16xi32>
      %lt3A_604 = arith.cmpi slt, %sub3A_598, %lt3A_603 : vector<16xi32>
      %and3A_605 = arith.andi %ge3A_601, %lt3A_604 : vector<16xi1>
      %broadcast_in_dim3A_606 = vector.broadcast %add3A_493 : i32 to vector<16xi32>
      %select_n3A_607 = arith.select %and3A_605, %sub3A_598, %broadcast_in_dim3A_606 : vector<16xi1>, vector<16xi32>
      %swap3A_608 = arith.constant 0 : i32
      %swap3A_609 = arith.index_cast %swap3A_608 : i32 to index
      %swap3A_610 = arith.constant 16 : index
      %swap3A_611 = tpu.vector_load %arg17[%swap3A_609, %swap3A_610] {strides = array<i32>} : memref<1x56xi32, #tpu.memory_space<vmem>>, vector<16xi32>,
      tpu.vector_store %arg17[%swap3A_609, %swap3A_610], %select_n3A_607 {strides = array<i32>} : memref<1x56xi32, #tpu.memory_space<vmem>>, vector<16xi32>,
      %get3A_612 = arith.constant 0 : i32
      %get3A_613 = arith.index_cast %get3A_612 : i32 to index
      %get3A_614 = arith.constant 32 : index
      %get3A_615 = tpu.vector_load %arg15[%get3A_613, %get3A_614] {strides = array<i32>} : memref<1x56xi32, #tpu.memory_space<vmem>>, vector<16xi32>,
      %sub3A_616 = vector.broadcast %mul3A_489 : i32 to vector<16xi32>
      %sub3A_617 = arith.subi %get3A_615, %sub3A_616 : vector<16xi32>
      %ge3A_618 = arith.constant 0 : i32
      %ge3A_619 = vector.broadcast %ge3A_618 : i32 to vector<16xi32>
      %ge3A_620 = arith.cmpi sge, %sub3A_617, %ge3A_619 : vector<16xi32>
      %lt3A_621 = arith.constant 25000 : i32
      %lt3A_622 = vector.broadcast %lt3A_621 : i32 to vector<16xi32>
      %lt3A_623 = arith.cmpi slt, %sub3A_617, %lt3A_622 : vector<16xi32>
      %and3A_624 = arith.andi %ge3A_620, %lt3A_623 : vector<16xi1>
      %broadcast_in_dim3A_625 = vector.broadcast %add3A_493 : i32 to vector<16xi32>
      %select_n3A_626 = arith.select %and3A_624, %sub3A_617, %broadcast_in_dim3A_625 : vector<16xi1>, vector<16xi32>
      %swap3A_627 = arith.constant 0 : i32
      %swap3A_628 = arith.index_cast %swap3A_627 : i32 to index
      %swap3A_629 = arith.constant 32 : index
      %swap3A_630 = tpu.vector_load %arg17[%swap3A_628, %swap3A_629] {strides = array<i32>} : memref<1x56xi32, #tpu.memory_space<vmem>>, vector<16xi32>,
      tpu.vector_store %arg17[%swap3A_628, %swap3A_629], %select_n3A_626 {strides = array<i32>} : memref<1x56xi32, #tpu.memory_space<vmem>>, vector<16xi32>,
      %get3A_631 = arith.constant 0 : i32
      %get3A_632 = arith.index_cast %get3A_631 : i32 to index
      %get3A_633 = arith.constant 40 : index
      %get3A_634 = tpu.vector_load %arg15[%get3A_632, %get3A_633] {strides = array<i32>} : memref<1x56xi32, #tpu.memory_space<vmem>>, vector<16xi32>,
      %sub3A_635 = vector.broadcast %mul3A_489 : i32 to vector<16xi32>
      %sub3A_636 = arith.subi %get3A_634, %sub3A_635 : vector<16xi32>
      %ge3A_637 = arith.constant 0 : i32
      %ge3A_638 = vector.broadcast %ge3A_637 : i32 to vector<16xi32>
      %ge3A_639 = arith.cmpi sge, %sub3A_636, %ge3A_638 : vector<16xi32>
      %lt3A_640 = arith.constant 25000 : i32
      %lt3A_641 = vector.broadcast %lt3A_640 : i32 to vector<16xi32>
      %lt3A_642 = arith.cmpi slt, %sub3A_636, %lt3A_641 : vector<16xi32>
      %and3A_643 = arith.andi %ge3A_639, %lt3A_642 : vector<16xi1>
      %broadcast_in_dim3A_644 = vector.broadcast %add3A_493 : i32 to vector<16xi32>
      %select_n3A_645 = arith.select %and3A_643, %sub3A_636, %broadcast_in_dim3A_644 : vector<16xi1>, vector<16xi32>
      %swap3A_646 = arith.constant 0 : i32
      %swap3A_647 = arith.index_cast %swap3A_646 : i32 to index
      %swap3A_648 = arith.constant 40 : index
      %swap3A_649 = tpu.vector_load %arg17[%swap3A_647, %swap3A_648] {strides = array<i32>} : memref<1x56xi32, #tpu.memory_space<vmem>>, vector<16xi32>,
      tpu.vector_store %arg17[%swap3A_647, %swap3A_648], %select_n3A_645 {strides = array<i32>} : memref<1x56xi32, #tpu.memory_space<vmem>>, vector<16xi32>,
      %add3A_650 = arith.constant 2 : i32
      %add3A_651 = arith.addi %add3A_565, %add3A_650 : i32
      %lt3A_652 = arith.constant 896 : i32
      %lt3A_653 = arith.cmpi slt, %add3A_651, %lt3A_652 : i32
      %convert_element_type3A_654 = arith.extui %lt3A_653 : i1 to i32
      %cond3A_655 = arith.constant 0 : i32
      %cond3A_656 = arith.cmpi ne, %convert_element_type3A_654, %cond3A_655 : i32
      scf.if %cond3A_656 {
        %add3A_783 = arith.constant 2 : i32
        %add3A_784 = arith.addi %add3A_565, %add3A_783 : i32
        %mul3A_785 = arith.constant 896 : i32
        %mul3A_786 = arith.muli %arg1, %mul3A_785 : i32
        %add3A_787 = arith.addi %mul3A_786, %add3A_784 : i32
        %dma_start3A_788 = arith.constant 0 : i32
        %dma_start3A_789 = tpu.memref_slice %arg4[%add3A_787, %dma_start3A_788] : memref<14336x56xi32, #tpu.memory_space<hbm>> -> memref<1x56xi32, #tpu.memory_space<hbm>>
        %dma_start3A_790 = arith.constant 0 : i32
        %dma_start3A_791 = tpu.memref_slice %arg4[%add3A_787, %dma_start3A_790] : memref<14336x56xi32, #tpu.memory_space<hbm>> -> memref<1x56xi32, #tpu.memory_space<hbm>>
        tpu.enqueue_dma source(%dma_start3A_791 : memref<1x56xi32, #tpu.memory_space<hbm>>) target(%arg13 : memref<1x56xi32, #tpu.memory_space<vmem>>) target_semaphore(%arg23 : memref<!tpu.dma_semaphore, #tpu.memory_space<semaphore_mem>>)
        %dma_start3A_792 = arith.constant 0 : i32
        %dma_start3A_793 = tpu.memref_slice %arg5[%add3A_787, %dma_start3A_792] : memref<14336x56xi32, #tpu.memory_space<hbm>> -> memref<1x56xi32, #tpu.memory_space<hbm>>
        %dma_start3A_794 = arith.constant 0 : i32
        %dma_start3A_795 = tpu.memref_slice %arg5[%add3A_787, %dma_start3A_794] : memref<14336x56xi32, #tpu.memory_space<hbm>> -> memref<1x56xi32, #tpu.memory_space<hbm>>
        tpu.enqueue_dma source(%dma_start3A_795 : memref<1x56xi32, #tpu.memory_space<hbm>>) target(%arg15 : memref<1x56xi32, #tpu.memory_space<vmem>>) target_semaphore(%arg23 : memref<!tpu.dma_semaphore, #tpu.memory_space<semaphore_mem>>)
      } else {
      }
      %add3A_657 = arith.constant 1 : i32
      %add3A_658 = arith.addi %add3A_565, %add3A_657 : i32
      %lt3A_659 = arith.constant 896 : i32
      %lt3A_660 = arith.cmpi slt, %add3A_658, %lt3A_659 : i32
      %convert_element_type3A_661 = arith.extui %lt3A_660 : i1 to i32
      %cond3A_662 = arith.constant 0 : i32
      %cond3A_663 = arith.cmpi ne, %convert_element_type3A_661, %cond3A_662 : i32
      scf.if %cond3A_663 {
        %dma_wait3A_783 = arith.constant 0 : i32
        %dma_wait3A_784 = arith.constant 0 : i32
        %dma_wait3A_785 = tpu.memref_slice %arg4[%dma_wait3A_783, %dma_wait3A_784] : memref<14336x56xi32, #tpu.memory_space<hbm>> -> memref<1x56xi32, #tpu.memory_space<hbm>>
        %dma_wait3A_786 = arith.constant 0 : i32
        %dma_wait3A_787 = arith.constant 0 : i32
        %dma_wait3A_788 = tpu.memref_slice %arg4[%dma_wait3A_786, %dma_wait3A_787] : memref<14336x56xi32, #tpu.memory_space<hbm>> -> memref<1x56xi32, #tpu.memory_space<hbm>>
        tpu.wait_dma2 semaphore(%arg24 : memref<!tpu.dma_semaphore, #tpu.memory_space<semaphore_mem>>) src(%dma_wait3A_788 : memref<1x56xi32, #tpu.memory_space<hbm>>) dst(%arg14 : memref<1x56xi32, #tpu.memory_space<vmem>>)
        %dma_wait3A_789 = arith.constant 0 : i32
        %dma_wait3A_790 = arith.constant 0 : i32
        %dma_wait3A_791 = tpu.memref_slice %arg5[%dma_wait3A_789, %dma_wait3A_790] : memref<14336x56xi32, #tpu.memory_space<hbm>> -> memref<1x56xi32, #tpu.memory_space<hbm>>
        %dma_wait3A_792 = arith.constant 0 : i32
        %dma_wait3A_793 = arith.constant 0 : i32
        %dma_wait3A_794 = tpu.memref_slice %arg5[%dma_wait3A_792, %dma_wait3A_793] : memref<14336x56xi32, #tpu.memory_space<hbm>> -> memref<1x56xi32, #tpu.memory_space<hbm>>
        tpu.wait_dma2 semaphore(%arg24 : memref<!tpu.dma_semaphore, #tpu.memory_space<semaphore_mem>>) src(%dma_wait3A_794 : memref<1x56xi32, #tpu.memory_space<hbm>>) dst(%arg16 : memref<1x56xi32, #tpu.memory_space<vmem>>)
        %dma_start3A_795 = arith.constant 0 : i32
        %dma_start3A_796 = arith.constant 0 : i32
        %dma_start3A_797 = tpu.memref_slice %arg14[%dma_start3A_795, %dma_start3A_796] : memref<1x56xi32, #tpu.memory_space<vmem>> -> memref<1x56xi32, #tpu.memory_space<vmem>>
        %dma_start3A_798 = tpu.memref_squeeze %dma_start3A_797 : memref<1x56xi32, #tpu.memory_space<vmem>> -> memref<56xi32, #tpu.memory_space<vmem>>
        %dma_start3A_799 = arith.constant 0 : i32
        %dma_start3A_800 = arith.constant 0 : i32
        %dma_start3A_801 = tpu.memref_slice %arg2[%dma_start3A_799, %dma_start3A_800] : memref<50000x96xf32, #tpu.memory_space<hbm>> -> memref<50000x96xf32, #tpu.memory_space<hbm>>
        tpu.enqueue_indirect_dma source(%dma_start3A_801 : memref<50000x96xf32, #tpu.memory_space<hbm>>) target(%arg9 : memref<56x96xf32, #tpu.memory_space<vmem>>) offsets(%dma_start3A_798 : memref<56xi32, #tpu.memory_space<vmem>>) semaphore(%arg22 : memref<!tpu.dma_semaphore, #tpu.memory_space<semaphore_mem>>)
        %dma_start3A_802 = arith.constant 0 : i32
        %dma_start3A_803 = arith.constant 0 : i32
        %dma_start3A_804 = tpu.memref_slice %arg16[%dma_start3A_802, %dma_start3A_803] : memref<1x56xi32, #tpu.memory_space<vmem>> -> memref<1x56xi32, #tpu.memory_space<vmem>>
        %dma_start3A_805 = tpu.memref_squeeze %dma_start3A_804 : memref<1x56xi32, #tpu.memory_space<vmem>> -> memref<56xi32, #tpu.memory_space<vmem>>
        %dma_start3A_806 = arith.constant 0 : i32
        %dma_start3A_807 = arith.constant 0 : i32
        %dma_start3A_808 = tpu.memref_slice %arg3[%dma_start3A_806, %dma_start3A_807] : memref<50016x16xf32, #tpu.memory_space<hbm>> -> memref<50016x16xf32, #tpu.memory_space<hbm>>
        tpu.enqueue_indirect_dma source(%dma_start3A_808 : memref<50016x16xf32, #tpu.memory_space<hbm>>) target(%arg11 : memref<56x16xf32, #tpu.memory_space<vmem>>) offsets(%dma_start3A_805 : memref<56xi32, #tpu.memory_space<vmem>>) semaphore(%arg22 : memref<!tpu.dma_semaphore, #tpu.memory_space<semaphore_mem>>)
      } else {
      }
      %scan3A_664 = arith.constant 0 : i32
      %scan3A_665 = arith.constant 0 : i32
      %scan3A_666 = arith.constant 56 : i32
      %scan3A_667 = arith.addi %scan3A_665, %scan3A_666 : i32
      %scan3A_668 = arith.constant 4 : i32
      scf.for %scan3A_783 = %scan3A_665 to %scan3A_667 step %scan3A_668  : i32 {
        %get3A_784 = arith.index_cast %scan3A_783 : i32 to index
        %get3A_785 = arith.constant 72 : index
        %get3A_786 = tpu.vector_load %arg8[%get3A_784, %get3A_785] {strides = array<i32>} : memref<56x96xf32, #tpu.memory_space<vmem>>, vector<16xf32>,
        %get3A_787 = arith.index_cast %scan3A_783 : i32 to index
        %get3A_788 = arith.constant 0 : index
        %get3A_789 = tpu.vector_load %arg10[%get3A_787, %get3A_788] {strides = array<i32>} : memref<56x16xf32, #tpu.memory_space<vmem>>, vector<16xf32>,
        %add3A_790 = arith.addf %get3A_786, %get3A_789 : vector<16xf32>
        %mul3A_791 = arith.constant 2.000000e-01 : f32
        %mul3A_792 = vector.broadcast %mul3A_791 : f32 to vector<16xf32>
        %mul3A_793 = arith.mulf %mul3A_792, %add3A_790 : vector<16xf32>
        %max3A = arith.maximumf %add3A_790, %mul3A_793 : vector<16xf32>
        %exp3A = math.exp %max3A : vector<16xf32>
        %swap3A_794 = arith.constant 0 : index
        %swap3A_795 = tpu.vector_load %arg20[%swap3A_794] {strides = array<i32>} : memref<16xf32, #tpu.memory_space<vmem>>, vector<16xf32>,
        tpu.vector_store %arg20[%swap3A_794], %exp3A {strides = array<i32>} : memref<16xf32, #tpu.memory_space<vmem>>, vector<16xf32>,
        %get3A_796 = arith.index_cast %scan3A_783 : i32 to index
        %get3A_797 = arith.constant 0 : index
        %get3A_798 = tpu.vector_load %arg8[%get3A_796, %get3A_797] {strides = array<i32>} : memref<56x96xf32, #tpu.memory_space<vmem>>, vector<16xf32>,
        %gather3A = tpu.vector_load_idx %arg20[%select_n3A] : memref<16xf32, #tpu.memory_space<vmem>>[vector<16xi32>], vector<16xf32>,
        %mul3A_799 = arith.mulf %get3A_798, %gather3A : vector<16xf32>
        %swap3A_800 = arith.index_cast %scan3A_783 : i32 to index
        %swap3A_801 = arith.constant 0 : index
        %swap3A_802 = tpu.vector_load %arg12[%swap3A_800, %swap3A_801] {strides = array<i32>} : memref<56x72xf32, #tpu.memory_space<vmem>>, vector<16xf32>,
        tpu.vector_store %arg12[%swap3A_800, %swap3A_801], %mul3A_799 {strides = array<i32>} : memref<56x72xf32, #tpu.memory_space<vmem>>, vector<16xf32>,
        %get3A_803 = arith.index_cast %scan3A_783 : i32 to index
        %get3A_804 = arith.constant 16 : index
        %get3A_805 = tpu.vector_load %arg8[%get3A_803, %get3A_804] {strides = array<i32>} : memref<56x96xf32, #tpu.memory_space<vmem>>, vector<16xf32>,
        %gather3A_806 = tpu.vector_load_idx %arg20[%select_n3A_59] : memref<16xf32, #tpu.memory_space<vmem>>[vector<16xi32>], vector<16xf32>,
        %mul3A_807 = arith.mulf %get3A_805, %gather3A_806 : vector<16xf32>
        %swap3A_808 = arith.index_cast %scan3A_783 : i32 to index
        %swap3A_809 = arith.constant 16 : index
        %swap3A_810 = tpu.vector_load %arg12[%swap3A_808, %swap3A_809] {strides = array<i32>} : memref<56x72xf32, #tpu.memory_space<vmem>>, vector<16xf32>,
        tpu.vector_store %arg12[%swap3A_808, %swap3A_809], %mul3A_807 {strides = array<i32>} : memref<56x72xf32, #tpu.memory_space<vmem>>, vector<16xf32>,
        %get3A_811 = arith.index_cast %scan3A_783 : i32 to index
        %get3A_812 = arith.constant 32 : index
        %get3A_813 = tpu.vector_load %arg8[%get3A_811, %get3A_812] {strides = array<i32>} : memref<56x96xf32, #tpu.memory_space<vmem>>, vector<16xf32>,
        %gather3A_814 = tpu.vector_load_idx %arg20[%select_n3A_93] : memref<16xf32, #tpu.memory_space<vmem>>[vector<16xi32>], vector<16xf32>,
        %mul3A_815 = arith.mulf %get3A_813, %gather3A_814 : vector<16xf32>
        %swap3A_816 = arith.index_cast %scan3A_783 : i32 to index
        %swap3A_817 = arith.constant 32 : index
        %swap3A_818 = tpu.vector_load %arg12[%swap3A_816, %swap3A_817] {strides = array<i32>} : memref<56x72xf32, #tpu.memory_space<vmem>>, vector<16xf32>,
        tpu.vector_store %arg12[%swap3A_816, %swap3A_817], %mul3A_815 {strides = array<i32>} : memref<56x72xf32, #tpu.memory_space<vmem>>, vector<16xf32>,
        %get3A_819 = arith.index_cast %scan3A_783 : i32 to index
        %get3A_820 = arith.constant 48 : index
        %get3A_821 = tpu.vector_load %arg8[%get3A_819, %get3A_820] {strides = array<i32>} : memref<56x96xf32, #tpu.memory_space<vmem>>, vector<16xf32>,
        %gather3A_822 = tpu.vector_load_idx %arg20[%select_n3A_127] : memref<16xf32, #tpu.memory_space<vmem>>[vector<16xi32>], vector<16xf32>,
        %mul3A_823 = arith.mulf %get3A_821, %gather3A_822 : vector<16xf32>
        %swap3A_824 = arith.index_cast %scan3A_783 : i32 to index
        %swap3A_825 = arith.constant 48 : index
        %swap3A_826 = tpu.vector_load %arg12[%swap3A_824, %swap3A_825] {strides = array<i32>} : memref<56x72xf32, #tpu.memory_space<vmem>>, vector<16xf32>,
        tpu.vector_store %arg12[%swap3A_824, %swap3A_825], %mul3A_823 {strides = array<i32>} : memref<56x72xf32, #tpu.memory_space<vmem>>, vector<16xf32>,
        %get3A_827 = arith.index_cast %scan3A_783 : i32 to index
        %get3A_828 = arith.constant 56 : index
        %get3A_829 = tpu.vector_load %arg8[%get3A_827, %get3A_828] {strides = array<i32>} : memref<56x96xf32, #tpu.memory_space<vmem>>, vector<16xf32>,
        %gather3A_830 = tpu.vector_load_idx %arg20[%select_n3A_161] : memref<16xf32, #tpu.memory_space<vmem>>[vector<16xi32>], vector<16xf32>,
        %mul3A_831 = arith.mulf %get3A_829, %gather3A_830 : vector<16xf32>
        %swap3A_832 = arith.index_cast %scan3A_783 : i32 to index
        %swap3A_833 = arith.constant 56 : index
        %swap3A_834 = tpu.vector_load %arg12[%swap3A_832, %swap3A_833] {strides = array<i32>} : memref<56x72xf32, #tpu.memory_space<vmem>>, vector<16xf32>,
        tpu.vector_store %arg12[%swap3A_832, %swap3A_833], %mul3A_831 {strides = array<i32>} : memref<56x72xf32, #tpu.memory_space<vmem>>, vector<16xf32>,
        %scan3A_835 = arith.constant 1 : i32
        %scan3A_836 = arith.addi %scan3A_783, %scan3A_835 : i32
        %get3A_837 = arith.index_cast %scan3A_836 : i32 to index
        %get3A_838 = arith.constant 72 : index
        %get3A_839 = tpu.vector_load %arg8[%get3A_837, %get3A_838] {strides = array<i32>} : memref<56x96xf32, #tpu.memory_space<vmem>>, vector<16xf32>,
        %get3A_840 = arith.index_cast %scan3A_836 : i32 to index
        %get3A_841 = arith.constant 0 : index
        %get3A_842 = tpu.vector_load %arg10[%get3A_840, %get3A_841] {strides = array<i32>} : memref<56x16xf32, #tpu.memory_space<vmem>>, vector<16xf32>,
        %add3A_843 = arith.addf %get3A_839, %get3A_842 : vector<16xf32>
        %mul3A_844 = arith.constant 2.000000e-01 : f32
        %mul3A_845 = vector.broadcast %mul3A_844 : f32 to vector<16xf32>
        %mul3A_846 = arith.mulf %mul3A_845, %add3A_843 : vector<16xf32>
        %max3A_847 = arith.maximumf %add3A_843, %mul3A_846 : vector<16xf32>
        %exp3A_848 = math.exp %max3A_847 : vector<16xf32>
        %swap3A_849 = arith.constant 0 : index
        %swap3A_850 = tpu.vector_load %arg20[%swap3A_849] {strides = array<i32>} : memref<16xf32, #tpu.memory_space<vmem>>, vector<16xf32>,
        tpu.vector_store %arg20[%swap3A_849], %exp3A_848 {strides = array<i32>} : memref<16xf32, #tpu.memory_space<vmem>>, vector<16xf32>,
        %get3A_851 = arith.index_cast %scan3A_836 : i32 to index
        %get3A_852 = arith.constant 0 : index
        %get3A_853 = tpu.vector_load %arg8[%get3A_851, %get3A_852] {strides = array<i32>} : memref<56x96xf32, #tpu.memory_space<vmem>>, vector<16xf32>,
        %gather3A_854 = tpu.vector_load_idx %arg20[%select_n3A] : memref<16xf32, #tpu.memory_space<vmem>>[vector<16xi32>], vector<16xf32>,
        %mul3A_855 = arith.mulf %get3A_853, %gather3A_854 : vector<16xf32>
        %swap3A_856 = arith.index_cast %scan3A_836 : i32 to index
        %swap3A_857 = arith.constant 0 : index
        %swap3A_858 = tpu.vector_load %arg12[%swap3A_856, %swap3A_857] {strides = array<i32>} : memref<56x72xf32, #tpu.memory_space<vmem>>, vector<16xf32>,
        tpu.vector_store %arg12[%swap3A_856, %swap3A_857], %mul3A_855 {strides = array<i32>} : memref<56x72xf32, #tpu.memory_space<vmem>>, vector<16xf32>,
        %get3A_859 = arith.index_cast %scan3A_836 : i32 to index
        %get3A_860 = arith.constant 16 : index
        %get3A_861 = tpu.vector_load %arg8[%get3A_859, %get3A_860] {strides = array<i32>} : memref<56x96xf32, #tpu.memory_space<vmem>>, vector<16xf32>,
        %gather3A_862 = tpu.vector_load_idx %arg20[%select_n3A_59] : memref<16xf32, #tpu.memory_space<vmem>>[vector<16xi32>], vector<16xf32>,
        %mul3A_863 = arith.mulf %get3A_861, %gather3A_862 : vector<16xf32>
        %swap3A_864 = arith.index_cast %scan3A_836 : i32 to index
        %swap3A_865 = arith.constant 16 : index
        %swap3A_866 = tpu.vector_load %arg12[%swap3A_864, %swap3A_865] {strides = array<i32>} : memref<56x72xf32, #tpu.memory_space<vmem>>, vector<16xf32>,
        tpu.vector_store %arg12[%swap3A_864, %swap3A_865], %mul3A_863 {strides = array<i32>} : memref<56x72xf32, #tpu.memory_space<vmem>>, vector<16xf32>,
        %get3A_867 = arith.index_cast %scan3A_836 : i32 to index
        %get3A_868 = arith.constant 32 : index
        %get3A_869 = tpu.vector_load %arg8[%get3A_867, %get3A_868] {strides = array<i32>} : memref<56x96xf32, #tpu.memory_space<vmem>>, vector<16xf32>,
        %gather3A_870 = tpu.vector_load_idx %arg20[%select_n3A_93] : memref<16xf32, #tpu.memory_space<vmem>>[vector<16xi32>], vector<16xf32>,
        %mul3A_871 = arith.mulf %get3A_869, %gather3A_870 : vector<16xf32>
        %swap3A_872 = arith.index_cast %scan3A_836 : i32 to index
        %swap3A_873 = arith.constant 32 : index
        %swap3A_874 = tpu.vector_load %arg12[%swap3A_872, %swap3A_873] {strides = array<i32>} : memref<56x72xf32, #tpu.memory_space<vmem>>, vector<16xf32>,
        tpu.vector_store %arg12[%swap3A_872, %swap3A_873], %mul3A_871 {strides = array<i32>} : memref<56x72xf32, #tpu.memory_space<vmem>>, vector<16xf32>,
        %get3A_875 = arith.index_cast %scan3A_836 : i32 to index
        %get3A_876 = arith.constant 48 : index
        %get3A_877 = tpu.vector_load %arg8[%get3A_875, %get3A_876] {strides = array<i32>} : memref<56x96xf32, #tpu.memory_space<vmem>>, vector<16xf32>,
        %gather3A_878 = tpu.vector_load_idx %arg20[%select_n3A_127] : memref<16xf32, #tpu.memory_space<vmem>>[vector<16xi32>], vector<16xf32>,
        %mul3A_879 = arith.mulf %get3A_877, %gather3A_878 : vector<16xf32>
        %swap3A_880 = arith.index_cast %scan3A_836 : i32 to index
        %swap3A_881 = arith.constant 48 : index
        %swap3A_882 = tpu.vector_load %arg12[%swap3A_880, %swap3A_881] {strides = array<i32>} : memref<56x72xf32, #tpu.memory_space<vmem>>, vector<16xf32>,
        tpu.vector_store %arg12[%swap3A_880, %swap3A_881], %mul3A_879 {strides = array<i32>} : memref<56x72xf32, #tpu.memory_space<vmem>>, vector<16xf32>,
        %get3A_883 = arith.index_cast %scan3A_836 : i32 to index
        %get3A_884 = arith.constant 56 : index
        %get3A_885 = tpu.vector_load %arg8[%get3A_883, %get3A_884] {strides = array<i32>} : memref<56x96xf32, #tpu.memory_space<vmem>>, vector<16xf32>,
        %gather3A_886 = tpu.vector_load_idx %arg20[%select_n3A_161] : memref<16xf32, #tpu.memory_space<vmem>>[vector<16xi32>], vector<16xf32>,
        %mul3A_887 = arith.mulf %get3A_885, %gather3A_886 : vector<16xf32>
        %swap3A_888 = arith.index_cast %scan3A_836 : i32 to index
        %swap3A_889 = arith.constant 56 : index
        %swap3A_890 = tpu.vector_load %arg12[%swap3A_888, %swap3A_889] {strides = array<i32>} : memref<56x72xf32, #tpu.memory_space<vmem>>, vector<16xf32>,
        tpu.vector_store %arg12[%swap3A_888, %swap3A_889], %mul3A_887 {strides = array<i32>} : memref<56x72xf32, #tpu.memory_space<vmem>>, vector<16xf32>,
        %scan3A_891 = arith.constant 2 : i32
        %scan3A_892 = arith.addi %scan3A_783, %scan3A_891 : i32
        %get3A_893 = arith.index_cast %scan3A_892 : i32 to index
        %get3A_894 = arith.constant 72 : index
        %get3A_895 = tpu.vector_load %arg8[%get3A_893, %get3A_894] {strides = array<i32>} : memref<56x96xf32, #tpu.memory_space<vmem>>, vector<16xf32>,
        %get3A_896 = arith.index_cast %scan3A_892 : i32 to index
        %get3A_897 = arith.constant 0 : index
        %get3A_898 = tpu.vector_load %arg10[%get3A_896, %get3A_897] {strides = array<i32>} : memref<56x16xf32, #tpu.memory_space<vmem>>, vector<16xf32>,
        %add3A_899 = arith.addf %get3A_895, %get3A_898 : vector<16xf32>
        %mul3A_900 = arith.constant 2.000000e-01 : f32
        %mul3A_901 = vector.broadcast %mul3A_900 : f32 to vector<16xf32>
        %mul3A_902 = arith.mulf %mul3A_901, %add3A_899 : vector<16xf32>
        %max3A_903 = arith.maximumf %add3A_899, %mul3A_902 : vector<16xf32>
        %exp3A_904 = math.exp %max3A_903 : vector<16xf32>
        %swap3A_905 = arith.constant 0 : index
        %swap3A_906 = tpu.vector_load %arg20[%swap3A_905] {strides = array<i32>} : memref<16xf32, #tpu.memory_space<vmem>>, vector<16xf32>,
        tpu.vector_store %arg20[%swap3A_905], %exp3A_904 {strides = array<i32>} : memref<16xf32, #tpu.memory_space<vmem>>, vector<16xf32>,
        %get3A_907 = arith.index_cast %scan3A_892 : i32 to index
        %get3A_908 = arith.constant 0 : index
        %get3A_909 = tpu.vector_load %arg8[%get3A_907, %get3A_908] {strides = array<i32>} : memref<56x96xf32, #tpu.memory_space<vmem>>, vector<16xf32>,
        %gather3A_910 = tpu.vector_load_idx %arg20[%select_n3A] : memref<16xf32, #tpu.memory_space<vmem>>[vector<16xi32>], vector<16xf32>,
        %mul3A_911 = arith.mulf %get3A_909, %gather3A_910 : vector<16xf32>
        %swap3A_912 = arith.index_cast %scan3A_892 : i32 to index
        %swap3A_913 = arith.constant 0 : index
        %swap3A_914 = tpu.vector_load %arg12[%swap3A_912, %swap3A_913] {strides = array<i32>} : memref<56x72xf32, #tpu.memory_space<vmem>>, vector<16xf32>,
        tpu.vector_store %arg12[%swap3A_912, %swap3A_913], %mul3A_911 {strides = array<i32>} : memref<56x72xf32, #tpu.memory_space<vmem>>, vector<16xf32>,
        %get3A_915 = arith.index_cast %scan3A_892 : i32 to index
        %get3A_916 = arith.constant 16 : index
        %get3A_917 = tpu.vector_load %arg8[%get3A_915, %get3A_916] {strides = array<i32>} : memref<56x96xf32, #tpu.memory_space<vmem>>, vector<16xf32>,
        %gather3A_918 = tpu.vector_load_idx %arg20[%select_n3A_59] : memref<16xf32, #tpu.memory_space<vmem>>[vector<16xi32>], vector<16xf32>,
        %mul3A_919 = arith.mulf %get3A_917, %gather3A_918 : vector<16xf32>
        %swap3A_920 = arith.index_cast %scan3A_892 : i32 to index
        %swap3A_921 = arith.constant 16 : index
        %swap3A_922 = tpu.vector_load %arg12[%swap3A_920, %swap3A_921] {strides = array<i32>} : memref<56x72xf32, #tpu.memory_space<vmem>>, vector<16xf32>,
        tpu.vector_store %arg12[%swap3A_920, %swap3A_921], %mul3A_919 {strides = array<i32>} : memref<56x72xf32, #tpu.memory_space<vmem>>, vector<16xf32>,
        %get3A_923 = arith.index_cast %scan3A_892 : i32 to index
        %get3A_924 = arith.constant 32 : index
        %get3A_925 = tpu.vector_load %arg8[%get3A_923, %get3A_924] {strides = array<i32>} : memref<56x96xf32, #tpu.memory_space<vmem>>, vector<16xf32>,
        %gather3A_926 = tpu.vector_load_idx %arg20[%select_n3A_93] : memref<16xf32, #tpu.memory_space<vmem>>[vector<16xi32>], vector<16xf32>,
        %mul3A_927 = arith.mulf %get3A_925, %gather3A_926 : vector<16xf32>
        %swap3A_928 = arith.index_cast %scan3A_892 : i32 to index
        %swap3A_929 = arith.constant 32 : index
        %swap3A_930 = tpu.vector_load %arg12[%swap3A_928, %swap3A_929] {strides = array<i32>} : memref<56x72xf32, #tpu.memory_space<vmem>>, vector<16xf32>,
        tpu.vector_store %arg12[%swap3A_928, %swap3A_929], %mul3A_927 {strides = array<i32>} : memref<56x72xf32, #tpu.memory_space<vmem>>, vector<16xf32>,
        %get3A_931 = arith.index_cast %scan3A_892 : i32 to index
        %get3A_932 = arith.constant 48 : index
        %get3A_933 = tpu.vector_load %arg8[%get3A_931, %get3A_932] {strides = array<i32>} : memref<56x96xf32, #tpu.memory_space<vmem>>, vector<16xf32>,
        %gather3A_934 = tpu.vector_load_idx %arg20[%select_n3A_127] : memref<16xf32, #tpu.memory_space<vmem>>[vector<16xi32>], vector<16xf32>,
        %mul3A_935 = arith.mulf %get3A_933, %gather3A_934 : vector<16xf32>
        %swap3A_936 = arith.index_cast %scan3A_892 : i32 to index
        %swap3A_937 = arith.constant 48 : index
        %swap3A_938 = tpu.vector_load %arg12[%swap3A_936, %swap3A_937] {strides = array<i32>} : memref<56x72xf32, #tpu.memory_space<vmem>>, vector<16xf32>,
        tpu.vector_store %arg12[%swap3A_936, %swap3A_937], %mul3A_935 {strides = array<i32>} : memref<56x72xf32, #tpu.memory_space<vmem>>, vector<16xf32>,
        %get3A_939 = arith.index_cast %scan3A_892 : i32 to index
        %get3A_940 = arith.constant 56 : index
        %get3A_941 = tpu.vector_load %arg8[%get3A_939, %get3A_940] {strides = array<i32>} : memref<56x96xf32, #tpu.memory_space<vmem>>, vector<16xf32>,
        %gather3A_942 = tpu.vector_load_idx %arg20[%select_n3A_161] : memref<16xf32, #tpu.memory_space<vmem>>[vector<16xi32>], vector<16xf32>,
        %mul3A_943 = arith.mulf %get3A_941, %gather3A_942 : vector<16xf32>
        %swap3A_944 = arith.index_cast %scan3A_892 : i32 to index
        %swap3A_945 = arith.constant 56 : index
        %swap3A_946 = tpu.vector_load %arg12[%swap3A_944, %swap3A_945] {strides = array<i32>} : memref<56x72xf32, #tpu.memory_space<vmem>>, vector<16xf32>,
        tpu.vector_store %arg12[%swap3A_944, %swap3A_945], %mul3A_943 {strides = array<i32>} : memref<56x72xf32, #tpu.memory_space<vmem>>, vector<16xf32>,
        %scan3A_947 = arith.constant 3 : i32
        %scan3A_948 = arith.addi %scan3A_783, %scan3A_947 : i32
        %get3A_949 = arith.index_cast %scan3A_948 : i32 to index
        %get3A_950 = arith.constant 72 : index
        %get3A_951 = tpu.vector_load %arg8[%get3A_949, %get3A_950] {strides = array<i32>} : memref<56x96xf32, #tpu.memory_space<vmem>>, vector<16xf32>,
        %get3A_952 = arith.index_cast %scan3A_948 : i32 to index
        %get3A_953 = arith.constant 0 : index
        %get3A_954 = tpu.vector_load %arg10[%get3A_952, %get3A_953] {strides = array<i32>} : memref<56x16xf32, #tpu.memory_space<vmem>>, vector<16xf32>,
        %add3A_955 = arith.addf %get3A_951, %get3A_954 : vector<16xf32>
        %mul3A_956 = arith.constant 2.000000e-01 : f32
        %mul3A_957 = vector.broadcast %mul3A_956 : f32 to vector<16xf32>
        %mul3A_958 = arith.mulf %mul3A_957, %add3A_955 : vector<16xf32>
        %max3A_959 = arith.maximumf %add3A_955, %mul3A_958 : vector<16xf32>
        %exp3A_960 = math.exp %max3A_959 : vector<16xf32>
        %swap3A_961 = arith.constant 0 : index
        %swap3A_962 = tpu.vector_load %arg20[%swap3A_961] {strides = array<i32>} : memref<16xf32, #tpu.memory_space<vmem>>, vector<16xf32>,
        tpu.vector_store %arg20[%swap3A_961], %exp3A_960 {strides = array<i32>} : memref<16xf32, #tpu.memory_space<vmem>>, vector<16xf32>,
        %get3A_963 = arith.index_cast %scan3A_948 : i32 to index
        %get3A_964 = arith.constant 0 : index
        %get3A_965 = tpu.vector_load %arg8[%get3A_963, %get3A_964] {strides = array<i32>} : memref<56x96xf32, #tpu.memory_space<vmem>>, vector<16xf32>,
        %gather3A_966 = tpu.vector_load_idx %arg20[%select_n3A] : memref<16xf32, #tpu.memory_space<vmem>>[vector<16xi32>], vector<16xf32>,
        %mul3A_967 = arith.mulf %get3A_965, %gather3A_966 : vector<16xf32>
        %swap3A_968 = arith.index_cast %scan3A_948 : i32 to index
        %swap3A_969 = arith.constant 0 : index
        %swap3A_970 = tpu.vector_load %arg12[%swap3A_968, %swap3A_969] {strides = array<i32>} : memref<56x72xf32, #tpu.memory_space<vmem>>, vector<16xf32>,
        tpu.vector_store %arg12[%swap3A_968, %swap3A_969], %mul3A_967 {strides = array<i32>} : memref<56x72xf32, #tpu.memory_space<vmem>>, vector<16xf32>,
        %get3A_971 = arith.index_cast %scan3A_948 : i32 to index
        %get3A_972 = arith.constant 16 : index
        %get3A_973 = tpu.vector_load %arg8[%get3A_971, %get3A_972] {strides = array<i32>} : memref<56x96xf32, #tpu.memory_space<vmem>>, vector<16xf32>,
        %gather3A_974 = tpu.vector_load_idx %arg20[%select_n3A_59] : memref<16xf32, #tpu.memory_space<vmem>>[vector<16xi32>], vector<16xf32>,
        %mul3A_975 = arith.mulf %get3A_973, %gather3A_974 : vector<16xf32>
        %swap3A_976 = arith.index_cast %scan3A_948 : i32 to index
        %swap3A_977 = arith.constant 16 : index
        %swap3A_978 = tpu.vector_load %arg12[%swap3A_976, %swap3A_977] {strides = array<i32>} : memref<56x72xf32, #tpu.memory_space<vmem>>, vector<16xf32>,
        tpu.vector_store %arg12[%swap3A_976, %swap3A_977], %mul3A_975 {strides = array<i32>} : memref<56x72xf32, #tpu.memory_space<vmem>>, vector<16xf32>,
        %get3A_979 = arith.index_cast %scan3A_948 : i32 to index
        %get3A_980 = arith.constant 32 : index
        %get3A_981 = tpu.vector_load %arg8[%get3A_979, %get3A_980] {strides = array<i32>} : memref<56x96xf32, #tpu.memory_space<vmem>>, vector<16xf32>,
        %gather3A_982 = tpu.vector_load_idx %arg20[%select_n3A_93] : memref<16xf32, #tpu.memory_space<vmem>>[vector<16xi32>], vector<16xf32>,
        %mul3A_983 = arith.mulf %get3A_981, %gather3A_982 : vector<16xf32>
        %swap3A_984 = arith.index_cast %scan3A_948 : i32 to index
        %swap3A_985 = arith.constant 32 : index
        %swap3A_986 = tpu.vector_load %arg12[%swap3A_984, %swap3A_985] {strides = array<i32>} : memref<56x72xf32, #tpu.memory_space<vmem>>, vector<16xf32>,
        tpu.vector_store %arg12[%swap3A_984, %swap3A_985], %mul3A_983 {strides = array<i32>} : memref<56x72xf32, #tpu.memory_space<vmem>>, vector<16xf32>,
        %get3A_987 = arith.index_cast %scan3A_948 : i32 to index
        %get3A_988 = arith.constant 48 : index
        %get3A_989 = tpu.vector_load %arg8[%get3A_987, %get3A_988] {strides = array<i32>} : memref<56x96xf32, #tpu.memory_space<vmem>>, vector<16xf32>,
        %gather3A_990 = tpu.vector_load_idx %arg20[%select_n3A_127] : memref<16xf32, #tpu.memory_space<vmem>>[vector<16xi32>], vector<16xf32>,
        %mul3A_991 = arith.mulf %get3A_989, %gather3A_990 : vector<16xf32>
        %swap3A_992 = arith.index_cast %scan3A_948 : i32 to index
        %swap3A_993 = arith.constant 48 : index
        %swap3A_994 = tpu.vector_load %arg12[%swap3A_992, %swap3A_993] {strides = array<i32>} : memref<56x72xf32, #tpu.memory_space<vmem>>, vector<16xf32>,
        tpu.vector_store %arg12[%swap3A_992, %swap3A_993], %mul3A_991 {strides = array<i32>} : memref<56x72xf32, #tpu.memory_space<vmem>>, vector<16xf32>,
        %get3A_995 = arith.index_cast %scan3A_948 : i32 to index
        %get3A_996 = arith.constant 56 : index
        %get3A_997 = tpu.vector_load %arg8[%get3A_995, %get3A_996] {strides = array<i32>} : memref<56x96xf32, #tpu.memory_space<vmem>>, vector<16xf32>,
        %gather3A_998 = tpu.vector_load_idx %arg20[%select_n3A_161] : memref<16xf32, #tpu.memory_space<vmem>>[vector<16xi32>], vector<16xf32>,
        %mul3A_999 = arith.mulf %get3A_997, %gather3A_998 : vector<16xf32>
        %swap3A_1000 = arith.index_cast %scan3A_948 : i32 to index
        %swap3A_1001 = arith.constant 56 : index
        %swap3A_1002 = tpu.vector_load %arg12[%swap3A_1000, %swap3A_1001] {strides = array<i32>} : memref<56x72xf32, #tpu.memory_space<vmem>>, vector<16xf32>,
        tpu.vector_store %arg12[%swap3A_1000, %swap3A_1001], %mul3A_999 {strides = array<i32>} : memref<56x72xf32, #tpu.memory_space<vmem>>, vector<16xf32>,
      }
      %scan3A_669 = arith.constant 56 : i32
      %run_scoped3A = arith.constant 0 : i32
      "tpu.region"() ({
        %run_scoped3A_783 = tpu.sem_alloc : memref<!tpu.dma_semaphore, #tpu.memory_space<semaphore_mem>>
        %dma_start3A_784 = arith.constant 0 : i32
        %dma_start3A_785 = tpu.memref_slice %arg17[%run_scoped3A, %dma_start3A_784] : memref<1x56xi32, #tpu.memory_space<vmem>> -> memref<1x56xi32, #tpu.memory_space<vmem>>
        %dma_start3A_786 = tpu.memref_squeeze %dma_start3A_785 : memref<1x56xi32, #tpu.memory_space<vmem>> -> memref<56xi32, #tpu.memory_space<vmem>>
        %dma_start3A_787 = arith.constant 0 : i32
        %dma_start3A_788 = arith.constant 0 : i32
        %dma_start3A_789 = tpu.memref_slice %arg7[%dma_start3A_787, %dma_start3A_788] : memref<25096x72xf32, #tpu.memory_space<vmem_shared>> -> memref<25096x72xf32, #tpu.memory_space<vmem_shared>>
        tpu.enqueue_indirect_dma source(%arg12 : memref<56x72xf32, #tpu.memory_space<vmem>>) target(%dma_start3A_789 : memref<25096x72xf32, #tpu.memory_space<vmem_shared>>) offsets(%dma_start3A_786 : memref<56xi32, #tpu.memory_space<vmem>>) semaphore(%run_scoped3A_783 : memref<!tpu.dma_semaphore, #tpu.memory_space<semaphore_mem>>) {add = true}
        %dma_wait3A_790 = arith.constant 0 : i32
        %dma_wait3A_791 = tpu.memref_slice %arg17[%run_scoped3A, %dma_wait3A_790] : memref<1x56xi32, #tpu.memory_space<vmem>> -> memref<1x56xi32, #tpu.memory_space<vmem>>
        %dma_wait3A_792 = tpu.memref_squeeze %dma_wait3A_791 : memref<1x56xi32, #tpu.memory_space<vmem>> -> memref<56xi32, #tpu.memory_space<vmem>>
        %dma_wait3A_793 = arith.constant 0 : i32
        %dma_wait3A_794 = arith.constant 0 : i32
        %dma_wait3A_795 = tpu.memref_slice %arg7[%dma_wait3A_793, %dma_wait3A_794] : memref<25096x72xf32, #tpu.memory_space<vmem_shared>> -> memref<25096x72xf32, #tpu.memory_space<vmem_shared>>
        tpu.wait_indirect_dma semaphore(%run_scoped3A_783 : memref<!tpu.dma_semaphore, #tpu.memory_space<semaphore_mem>>) src(%arg12 : memref<56x72xf32, #tpu.memory_space<vmem>>) dst(%dma_wait3A_795 : memref<25096x72xf32, #tpu.memory_space<vmem_shared>>)
        tpu.yield
      }) : () -> ()
      %mul3A_670 = arith.constant 2 : i32
      %mul3A_671 = arith.muli %mul3A_670, %scan3A_561 : i32
      %add3A_672 = arith.constant 1 : i32
      %add3A_673 = arith.addi %mul3A_671, %add3A_672 : i32
      %dma_wait3A_674 = arith.constant 0 : i32
      %dma_wait3A_675 = arith.constant 0 : i32
      %dma_wait3A_676 = tpu.memref_slice %arg2[%dma_wait3A_674, %dma_wait3A_675] : memref<50000x96xf32, #tpu.memory_space<hbm>> -> memref<56x96xf32, #tpu.memory_space<hbm>>
      %dma_wait3A_677 = arith.constant 0 : i32
      %dma_wait3A_678 = arith.constant 0 : i32
      %dma_wait3A_679 = tpu.memref_slice %arg2[%dma_wait3A_677, %dma_wait3A_678] : memref<50000x96xf32, #tpu.memory_space<hbm>> -> memref<56x96xf32, #tpu.memory_space<hbm>>
      tpu.wait_dma2 semaphore(%arg22 : memref<!tpu.dma_semaphore, #tpu.memory_space<semaphore_mem>>) src(%dma_wait3A_679 : memref<56x96xf32, #tpu.memory_space<hbm>>) dst(%arg9 : memref<56x96xf32, #tpu.memory_space<vmem>>)
      %dma_wait3A_680 = arith.constant 0 : i32
      %dma_wait3A_681 = arith.constant 0 : i32
      %dma_wait3A_682 = tpu.memref_slice %arg3[%dma_wait3A_680, %dma_wait3A_681] : memref<50016x16xf32, #tpu.memory_space<hbm>> -> memref<56x16xf32, #tpu.memory_space<hbm>>
      %dma_wait3A_683 = arith.constant 0 : i32
      %dma_wait3A_684 = arith.constant 0 : i32
      %dma_wait3A_685 = tpu.memref_slice %arg3[%dma_wait3A_683, %dma_wait3A_684] : memref<50016x16xf32, #tpu.memory_space<hbm>> -> memref<56x16xf32, #tpu.memory_space<hbm>>
      tpu.wait_dma2 semaphore(%arg22 : memref<!tpu.dma_semaphore, #tpu.memory_space<semaphore_mem>>) src(%dma_wait3A_685 : memref<56x16xf32, #tpu.memory_space<hbm>>) dst(%arg11 : memref<56x16xf32, #tpu.memory_space<vmem>>)
      %get3A_686 = arith.constant 0 : i32
      %get3A_687 = arith.index_cast %get3A_686 : i32 to index
      %get3A_688 = arith.constant 0 : index
      %get3A_689 = tpu.vector_load %arg16[%get3A_687, %get3A_688] {strides = array<i32>} : memref<1x56xi32, #tpu.memory_space<vmem>>, vector<16xi32>,
      %sub3A_690 = vector.broadcast %mul3A_489 : i32 to vector<16xi32>
      %sub3A_691 = arith.subi %get3A_689, %sub3A_690 : vector<16xi32>
      %ge3A_692 = arith.constant 0 : i32
      %ge3A_693 = vector.broadcast %ge3A_692 : i32 to vector<16xi32>
      %ge3A_694 = arith.cmpi sge, %sub3A_691, %ge3A_693 : vector<16xi32>
      %lt3A_695 = arith.constant 25000 : i32
      %lt3A_696 = vector.broadcast %lt3A_695 : i32 to vector<16xi32>
      %lt3A_697 = arith.cmpi slt, %sub3A_691, %lt3A_696 : vector<16xi32>
      %and3A_698 = arith.andi %ge3A_694, %lt3A_697 : vector<16xi1>
      %broadcast_in_dim3A_699 = vector.broadcast %add3A_493 : i32 to vector<16xi32>
      %select_n3A_700 = arith.select %and3A_698, %sub3A_691, %broadcast_in_dim3A_699 : vector<16xi1>, vector<16xi32>
      %swap3A_701 = arith.constant 0 : i32
      %swap3A_702 = arith.index_cast %swap3A_701 : i32 to index
      %swap3A_703 = arith.constant 0 : index
      %swap3A_704 = tpu.vector_load %arg17[%swap3A_702, %swap3A_703] {strides = array<i32>} : memref<1x56xi32, #tpu.memory_space<vmem>>, vector<16xi32>,
      tpu.vector_store %arg17[%swap3A_702, %swap3A_703], %select_n3A_700 {strides = array<i32>} : memref<1x56xi32, #tpu.memory_space<vmem>>, vector<16xi32>,
      %get3A_705 = arith.constant 0 : i32
      %get3A_706 = arith.index_cast %get3A_705 : i32 to index
      %get3A_707 = arith.constant 16 : index
      %get3A_708 = tpu.vector_load %arg16[%get3A_706, %get3A_707] {strides = array<i32>} : memref<1x56xi32, #tpu.memory_space<vmem>>, vector<16xi32>,
      %sub3A_709 = vector.broadcast %mul3A_489 : i32 to vector<16xi32>
      %sub3A_710 = arith.subi %get3A_708, %sub3A_709 : vector<16xi32>
      %ge3A_711 = arith.constant 0 : i32
      %ge3A_712 = vector.broadcast %ge3A_711 : i32 to vector<16xi32>
      %ge3A_713 = arith.cmpi sge, %sub3A_710, %ge3A_712 : vector<16xi32>
      %lt3A_714 = arith.constant 25000 : i32
      %lt3A_715 = vector.broadcast %lt3A_714 : i32 to vector<16xi32>
      %lt3A_716 = arith.cmpi slt, %sub3A_710, %lt3A_715 : vector<16xi32>
      %and3A_717 = arith.andi %ge3A_713, %lt3A_716 : vector<16xi1>
      %broadcast_in_dim3A_718 = vector.broadcast %add3A_493 : i32 to vector<16xi32>
      %select_n3A_719 = arith.select %and3A_717, %sub3A_710, %broadcast_in_dim3A_718 : vector<16xi1>, vector<16xi32>
      %swap3A_720 = arith.constant 0 : i32
      %swap3A_721 = arith.index_cast %swap3A_720 : i32 to index
      %swap3A_722 = arith.constant 16 : index
      %swap3A_723 = tpu.vector_load %arg17[%swap3A_721, %swap3A_722] {strides = array<i32>} : memref<1x56xi32, #tpu.memory_space<vmem>>, vector<16xi32>,
      tpu.vector_store %arg17[%swap3A_721, %swap3A_722], %select_n3A_719 {strides = array<i32>} : memref<1x56xi32, #tpu.memory_space<vmem>>, vector<16xi32>,
      %get3A_724 = arith.constant 0 : i32
      %get3A_725 = arith.index_cast %get3A_724 : i32 to index
      %get3A_726 = arith.constant 32 : index
      %get3A_727 = tpu.vector_load %arg16[%get3A_725, %get3A_726] {strides = array<i32>} : memref<1x56xi32, #tpu.memory_space<vmem>>, vector<16xi32>,
      %sub3A_728 = vector.broadcast %mul3A_489 : i32 to vector<16xi32>
      %sub3A_729 = arith.subi %get3A_727, %sub3A_728 : vector<16xi32>
      %ge3A_730 = arith.constant 0 : i32
      %ge3A_731 = vector.broadcast %ge3A_730 : i32 to vector<16xi32>
      %ge3A_732 = arith.cmpi sge, %sub3A_729, %ge3A_731 : vector<16xi32>
      %lt3A_733 = arith.constant 25000 : i32
      %lt3A_734 = vector.broadcast %lt3A_733 : i32 to vector<16xi32>
      %lt3A_735 = arith.cmpi slt, %sub3A_729, %lt3A_734 : vector<16xi32>
      %and3A_736 = arith.andi %ge3A_732, %lt3A_735 : vector<16xi1>
      %broadcast_in_dim3A_737 = vector.broadcast %add3A_493 : i32 to vector<16xi32>
      %select_n3A_738 = arith.select %and3A_736, %sub3A_729, %broadcast_in_dim3A_737 : vector<16xi1>, vector<16xi32>
      %swap3A_739 = arith.constant 0 : i32
      %swap3A_740 = arith.index_cast %swap3A_739 : i32 to index
      %swap3A_741 = arith.constant 32 : index
      %swap3A_742 = tpu.vector_load %arg17[%swap3A_740, %swap3A_741] {strides = array<i32>} : memref<1x56xi32, #tpu.memory_space<vmem>>, vector<16xi32>,
      tpu.vector_store %arg17[%swap3A_740, %swap3A_741], %select_n3A_738 {strides = array<i32>} : memref<1x56xi32, #tpu.memory_space<vmem>>, vector<16xi32>,
      %get3A_743 = arith.constant 0 : i32
      %get3A_744 = arith.index_cast %get3A_743 : i32 to index
      %get3A_745 = arith.constant 40 : index
      %get3A_746 = tpu.vector_load %arg16[%get3A_744, %get3A_745] {strides = array<i32>} : memref<1x56xi32, #tpu.memory_space<vmem>>, vector<16xi32>,
      %sub3A_747 = vector.broadcast %mul3A_489 : i32 to vector<16xi32>
      %sub3A_748 = arith.subi %get3A_746, %sub3A_747 : vector<16xi32>
      %ge3A_749 = arith.constant 0 : i32
      %ge3A_750 = vector.broadcast %ge3A_749 : i32 to vector<16xi32>
      %ge3A_751 = arith.cmpi sge, %sub3A_748, %ge3A_750 : vector<16xi32>
      %lt3A_752 = arith.constant 25000 : i32
      %lt3A_753 = vector.broadcast %lt3A_752 : i32 to vector<16xi32>
      %lt3A_754 = arith.cmpi slt, %sub3A_748, %lt3A_753 : vector<16xi32>
      %and3A_755 = arith.andi %ge3A_751, %lt3A_754 : vector<16xi1>
      %broadcast_in_dim3A_756 = vector.broadcast %add3A_493 : i32 to vector<16xi32>
      %select_n3A_757 = arith.select %and3A_755, %sub3A_748, %broadcast_in_dim3A_756 : vector<16xi1>, vector<16xi32>
      %swap3A_758 = arith.constant 0 : i32
      %swap3A_759 = arith.index_cast %swap3A_758 : i32 to index
      %swap3A_760 = arith.constant 40 : index
      %swap3A_761 = tpu.vector_load %arg17[%swap3A_759, %swap3A_760] {strides = array<i32>} : memref<1x56xi32, #tpu.memory_space<vmem>>, vector<16xi32>,
      tpu.vector_store %arg17[%swap3A_759, %swap3A_760], %select_n3A_757 {strides = array<i32>} : memref<1x56xi32, #tpu.memory_space<vmem>>, vector<16xi32>,
      %add3A_762 = arith.constant 2 : i32
      %add3A_763 = arith.addi %add3A_673, %add3A_762 : i32
      %lt3A_764 = arith.constant 896 : i32
      %lt3A_765 = arith.cmpi slt, %add3A_763, %lt3A_764 : i32
      %convert_element_type3A_766 = arith.extui %lt3A_765 : i1 to i32
      %cond3A_767 = arith.constant 0 : i32
      %cond3A_768 = arith.cmpi ne, %convert_element_type3A_766, %cond3A_767 : i32
      scf.if %cond3A_768 {
        %add3A_783 = arith.constant 2 : i32
        %add3A_784 = arith.addi %add3A_673, %add3A_783 : i32
        %mul3A_785 = arith.constant 896 : i32
        %mul3A_786 = arith.muli %arg1, %mul3A_785 : i32
        %add3A_787 = arith.addi %mul3A_786, %add3A_784 : i32
        %dma_start3A_788 = arith.constant 0 : i32
        %dma_start3A_789 = tpu.memref_slice %arg4[%add3A_787, %dma_start3A_788] : memref<14336x56xi32, #tpu.memory_space<hbm>> -> memref<1x56xi32, #tpu.memory_space<hbm>>
        %dma_start3A_790 = arith.constant 0 : i32
        %dma_start3A_791 = tpu.memref_slice %arg4[%add3A_787, %dma_start3A_790] : memref<14336x56xi32, #tpu.memory_space<hbm>> -> memref<1x56xi32, #tpu.memory_space<hbm>>
        tpu.enqueue_dma source(%dma_start3A_791 : memref<1x56xi32, #tpu.memory_space<hbm>>) target(%arg14 : memref<1x56xi32, #tpu.memory_space<vmem>>) target_semaphore(%arg24 : memref<!tpu.dma_semaphore, #tpu.memory_space<semaphore_mem>>)
        %dma_start3A_792 = arith.constant 0 : i32
        %dma_start3A_793 = tpu.memref_slice %arg5[%add3A_787, %dma_start3A_792] : memref<14336x56xi32, #tpu.memory_space<hbm>> -> memref<1x56xi32, #tpu.memory_space<hbm>>
        %dma_start3A_794 = arith.constant 0 : i32
        %dma_start3A_795 = tpu.memref_slice %arg5[%add3A_787, %dma_start3A_794] : memref<14336x56xi32, #tpu.memory_space<hbm>> -> memref<1x56xi32, #tpu.memory_space<hbm>>
        tpu.enqueue_dma source(%dma_start3A_795 : memref<1x56xi32, #tpu.memory_space<hbm>>) target(%arg16 : memref<1x56xi32, #tpu.memory_space<vmem>>) target_semaphore(%arg24 : memref<!tpu.dma_semaphore, #tpu.memory_space<semaphore_mem>>)
      } else {
      }
      %add3A_769 = arith.constant 1 : i32
      %add3A_770 = arith.addi %add3A_673, %add3A_769 : i32
      %lt3A_771 = arith.constant 896 : i32
      %lt3A_772 = arith.cmpi slt, %add3A_770, %lt3A_771 : i32
      %convert_element_type3A_773 = arith.extui %lt3A_772 : i1 to i32
      %cond3A_774 = arith.constant 0 : i32
      %cond3A_775 = arith.cmpi ne, %convert_element_type3A_773, %cond3A_774 : i32
      scf.if %cond3A_775 {
        %dma_wait3A_783 = arith.constant 0 : i32
        %dma_wait3A_784 = arith.constant 0 : i32
        %dma_wait3A_785 = tpu.memref_slice %arg4[%dma_wait3A_783, %dma_wait3A_784] : memref<14336x56xi32, #tpu.memory_space<hbm>> -> memref<1x56xi32, #tpu.memory_space<hbm>>
        %dma_wait3A_786 = arith.constant 0 : i32
        %dma_wait3A_787 = arith.constant 0 : i32
        %dma_wait3A_788 = tpu.memref_slice %arg4[%dma_wait3A_786, %dma_wait3A_787] : memref<14336x56xi32, #tpu.memory_space<hbm>> -> memref<1x56xi32, #tpu.memory_space<hbm>>
        tpu.wait_dma2 semaphore(%arg23 : memref<!tpu.dma_semaphore, #tpu.memory_space<semaphore_mem>>) src(%dma_wait3A_788 : memref<1x56xi32, #tpu.memory_space<hbm>>) dst(%arg13 : memref<1x56xi32, #tpu.memory_space<vmem>>)
        %dma_wait3A_789 = arith.constant 0 : i32
        %dma_wait3A_790 = arith.constant 0 : i32
        %dma_wait3A_791 = tpu.memref_slice %arg5[%dma_wait3A_789, %dma_wait3A_790] : memref<14336x56xi32, #tpu.memory_space<hbm>> -> memref<1x56xi32, #tpu.memory_space<hbm>>
        %dma_wait3A_792 = arith.constant 0 : i32
        %dma_wait3A_793 = arith.constant 0 : i32
        %dma_wait3A_794 = tpu.memref_slice %arg5[%dma_wait3A_792, %dma_wait3A_793] : memref<14336x56xi32, #tpu.memory_space<hbm>> -> memref<1x56xi32, #tpu.memory_space<hbm>>
        tpu.wait_dma2 semaphore(%arg23 : memref<!tpu.dma_semaphore, #tpu.memory_space<semaphore_mem>>) src(%dma_wait3A_794 : memref<1x56xi32, #tpu.memory_space<hbm>>) dst(%arg15 : memref<1x56xi32, #tpu.memory_space<vmem>>)
        %dma_start3A_795 = arith.constant 0 : i32
        %dma_start3A_796 = arith.constant 0 : i32
        %dma_start3A_797 = tpu.memref_slice %arg13[%dma_start3A_795, %dma_start3A_796] : memref<1x56xi32, #tpu.memory_space<vmem>> -> memref<1x56xi32, #tpu.memory_space<vmem>>
        %dma_start3A_798 = tpu.memref_squeeze %dma_start3A_797 : memref<1x56xi32, #tpu.memory_space<vmem>> -> memref<56xi32, #tpu.memory_space<vmem>>
        %dma_start3A_799 = arith.constant 0 : i32
        %dma_start3A_800 = arith.constant 0 : i32
        %dma_start3A_801 = tpu.memref_slice %arg2[%dma_start3A_799, %dma_start3A_800] : memref<50000x96xf32, #tpu.memory_space<hbm>> -> memref<50000x96xf32, #tpu.memory_space<hbm>>
        tpu.enqueue_indirect_dma source(%dma_start3A_801 : memref<50000x96xf32, #tpu.memory_space<hbm>>) target(%arg8 : memref<56x96xf32, #tpu.memory_space<vmem>>) offsets(%dma_start3A_798 : memref<56xi32, #tpu.memory_space<vmem>>) semaphore(%arg21 : memref<!tpu.dma_semaphore, #tpu.memory_space<semaphore_mem>>)
        %dma_start3A_802 = arith.constant 0 : i32
        %dma_start3A_803 = arith.constant 0 : i32
        %dma_start3A_804 = tpu.memref_slice %arg15[%dma_start3A_802, %dma_start3A_803] : memref<1x56xi32, #tpu.memory_space<vmem>> -> memref<1x56xi32, #tpu.memory_space<vmem>>
        %dma_start3A_805 = tpu.memref_squeeze %dma_start3A_804 : memref<1x56xi32, #tpu.memory_space<vmem>> -> memref<56xi32, #tpu.memory_space<vmem>>
        %dma_start3A_806 = arith.constant 0 : i32
        %dma_start3A_807 = arith.constant 0 : i32
        %dma_start3A_808 = tpu.memref_slice %arg3[%dma_start3A_806, %dma_start3A_807] : memref<50016x16xf32, #tpu.memory_space<hbm>> -> memref<50016x16xf32, #tpu.memory_space<hbm>>
        tpu.enqueue_indirect_dma source(%dma_start3A_808 : memref<50016x16xf32, #tpu.memory_space<hbm>>) target(%arg10 : memref<56x16xf32, #tpu.memory_space<vmem>>) offsets(%dma_start3A_805 : memref<56xi32, #tpu.memory_space<vmem>>) semaphore(%arg21 : memref<!tpu.dma_semaphore, #tpu.memory_space<semaphore_mem>>)
      } else {
      }
      %scan3A_776 = arith.constant 0 : i32
      %scan3A_777 = arith.constant 0 : i32
      %scan3A_778 = arith.constant 56 : i32
      %scan3A_779 = arith.addi %scan3A_777, %scan3A_778 : i32
      %scan3A_780 = arith.constant 4 : i32
      scf.for %scan3A_783 = %scan3A_777 to %scan3A_779 step %scan3A_780  : i32 {
        %get3A_784 = arith.index_cast %scan3A_783 : i32 to index
        %get3A_785 = arith.constant 72 : index
        %get3A_786 = tpu.vector_load %arg9[%get3A_784, %get3A_785] {strides = array<i32>} : memref<56x96xf32, #tpu.memory_space<vmem>>, vector<16xf32>,
        %get3A_787 = arith.index_cast %scan3A_783 : i32 to index
        %get3A_788 = arith.constant 0 : index
        %get3A_789 = tpu.vector_load %arg11[%get3A_787, %get3A_788] {strides = array<i32>} : memref<56x16xf32, #tpu.memory_space<vmem>>, vector<16xf32>,
        %add3A_790 = arith.addf %get3A_786, %get3A_789 : vector<16xf32>
        %mul3A_791 = arith.constant 2.000000e-01 : f32
        %mul3A_792 = vector.broadcast %mul3A_791 : f32 to vector<16xf32>
        %mul3A_793 = arith.mulf %mul3A_792, %add3A_790 : vector<16xf32>
        %max3A = arith.maximumf %add3A_790, %mul3A_793 : vector<16xf32>
        %exp3A = math.exp %max3A : vector<16xf32>
        %swap3A_794 = arith.constant 0 : index
        %swap3A_795 = tpu.vector_load %arg20[%swap3A_794] {strides = array<i32>} : memref<16xf32, #tpu.memory_space<vmem>>, vector<16xf32>,
        tpu.vector_store %arg20[%swap3A_794], %exp3A {strides = array<i32>} : memref<16xf32, #tpu.memory_space<vmem>>, vector<16xf32>,
        %get3A_796 = arith.index_cast %scan3A_783 : i32 to index
        %get3A_797 = arith.constant 0 : index
        %get3A_798 = tpu.vector_load %arg9[%get3A_796, %get3A_797] {strides = array<i32>} : memref<56x96xf32, #tpu.memory_space<vmem>>, vector<16xf32>,
        %gather3A = tpu.vector_load_idx %arg20[%select_n3A] : memref<16xf32, #tpu.memory_space<vmem>>[vector<16xi32>], vector<16xf32>,
        %mul3A_799 = arith.mulf %get3A_798, %gather3A : vector<16xf32>
        %swap3A_800 = arith.index_cast %scan3A_783 : i32 to index
        %swap3A_801 = arith.constant 0 : index
        %swap3A_802 = tpu.vector_load %arg12[%swap3A_800, %swap3A_801] {strides = array<i32>} : memref<56x72xf32, #tpu.memory_space<vmem>>, vector<16xf32>,
        tpu.vector_store %arg12[%swap3A_800, %swap3A_801], %mul3A_799 {strides = array<i32>} : memref<56x72xf32, #tpu.memory_space<vmem>>, vector<16xf32>,
        %get3A_803 = arith.index_cast %scan3A_783 : i32 to index
        %get3A_804 = arith.constant 16 : index
        %get3A_805 = tpu.vector_load %arg9[%get3A_803, %get3A_804] {strides = array<i32>} : memref<56x96xf32, #tpu.memory_space<vmem>>, vector<16xf32>,
        %gather3A_806 = tpu.vector_load_idx %arg20[%select_n3A_59] : memref<16xf32, #tpu.memory_space<vmem>>[vector<16xi32>], vector<16xf32>,
        %mul3A_807 = arith.mulf %get3A_805, %gather3A_806 : vector<16xf32>
        %swap3A_808 = arith.index_cast %scan3A_783 : i32 to index
        %swap3A_809 = arith.constant 16 : index
        %swap3A_810 = tpu.vector_load %arg12[%swap3A_808, %swap3A_809] {strides = array<i32>} : memref<56x72xf32, #tpu.memory_space<vmem>>, vector<16xf32>,
        tpu.vector_store %arg12[%swap3A_808, %swap3A_809], %mul3A_807 {strides = array<i32>} : memref<56x72xf32, #tpu.memory_space<vmem>>, vector<16xf32>,
        %get3A_811 = arith.index_cast %scan3A_783 : i32 to index
        %get3A_812 = arith.constant 32 : index
        %get3A_813 = tpu.vector_load %arg9[%get3A_811, %get3A_812] {strides = array<i32>} : memref<56x96xf32, #tpu.memory_space<vmem>>, vector<16xf32>,
        %gather3A_814 = tpu.vector_load_idx %arg20[%select_n3A_93] : memref<16xf32, #tpu.memory_space<vmem>>[vector<16xi32>], vector<16xf32>,
        %mul3A_815 = arith.mulf %get3A_813, %gather3A_814 : vector<16xf32>
        %swap3A_816 = arith.index_cast %scan3A_783 : i32 to index
        %swap3A_817 = arith.constant 32 : index
        %swap3A_818 = tpu.vector_load %arg12[%swap3A_816, %swap3A_817] {strides = array<i32>} : memref<56x72xf32, #tpu.memory_space<vmem>>, vector<16xf32>,
        tpu.vector_store %arg12[%swap3A_816, %swap3A_817], %mul3A_815 {strides = array<i32>} : memref<56x72xf32, #tpu.memory_space<vmem>>, vector<16xf32>,
        %get3A_819 = arith.index_cast %scan3A_783 : i32 to index
        %get3A_820 = arith.constant 48 : index
        %get3A_821 = tpu.vector_load %arg9[%get3A_819, %get3A_820] {strides = array<i32>} : memref<56x96xf32, #tpu.memory_space<vmem>>, vector<16xf32>,
        %gather3A_822 = tpu.vector_load_idx %arg20[%select_n3A_127] : memref<16xf32, #tpu.memory_space<vmem>>[vector<16xi32>], vector<16xf32>,
        %mul3A_823 = arith.mulf %get3A_821, %gather3A_822 : vector<16xf32>
        %swap3A_824 = arith.index_cast %scan3A_783 : i32 to index
        %swap3A_825 = arith.constant 48 : index
        %swap3A_826 = tpu.vector_load %arg12[%swap3A_824, %swap3A_825] {strides = array<i32>} : memref<56x72xf32, #tpu.memory_space<vmem>>, vector<16xf32>,
        tpu.vector_store %arg12[%swap3A_824, %swap3A_825], %mul3A_823 {strides = array<i32>} : memref<56x72xf32, #tpu.memory_space<vmem>>, vector<16xf32>,
        %get3A_827 = arith.index_cast %scan3A_783 : i32 to index
        %get3A_828 = arith.constant 56 : index
        %get3A_829 = tpu.vector_load %arg9[%get3A_827, %get3A_828] {strides = array<i32>} : memref<56x96xf32, #tpu.memory_space<vmem>>, vector<16xf32>,
        %gather3A_830 = tpu.vector_load_idx %arg20[%select_n3A_161] : memref<16xf32, #tpu.memory_space<vmem>>[vector<16xi32>], vector<16xf32>,
        %mul3A_831 = arith.mulf %get3A_829, %gather3A_830 : vector<16xf32>
        %swap3A_832 = arith.index_cast %scan3A_783 : i32 to index
        %swap3A_833 = arith.constant 56 : index
        %swap3A_834 = tpu.vector_load %arg12[%swap3A_832, %swap3A_833] {strides = array<i32>} : memref<56x72xf32, #tpu.memory_space<vmem>>, vector<16xf32>,
        tpu.vector_store %arg12[%swap3A_832, %swap3A_833], %mul3A_831 {strides = array<i32>} : memref<56x72xf32, #tpu.memory_space<vmem>>, vector<16xf32>,
        %scan3A_835 = arith.constant 1 : i32
        %scan3A_836 = arith.addi %scan3A_783, %scan3A_835 : i32
        %get3A_837 = arith.index_cast %scan3A_836 : i32 to index
        %get3A_838 = arith.constant 72 : index
        %get3A_839 = tpu.vector_load %arg9[%get3A_837, %get3A_838] {strides = array<i32>} : memref<56x96xf32, #tpu.memory_space<vmem>>, vector<16xf32>,
        %get3A_840 = arith.index_cast %scan3A_836 : i32 to index
        %get3A_841 = arith.constant 0 : index
        %get3A_842 = tpu.vector_load %arg11[%get3A_840, %get3A_841] {strides = array<i32>} : memref<56x16xf32, #tpu.memory_space<vmem>>, vector<16xf32>,
        %add3A_843 = arith.addf %get3A_839, %get3A_842 : vector<16xf32>
        %mul3A_844 = arith.constant 2.000000e-01 : f32
        %mul3A_845 = vector.broadcast %mul3A_844 : f32 to vector<16xf32>
        %mul3A_846 = arith.mulf %mul3A_845, %add3A_843 : vector<16xf32>
        %max3A_847 = arith.maximumf %add3A_843, %mul3A_846 : vector<16xf32>
        %exp3A_848 = math.exp %max3A_847 : vector<16xf32>
        %swap3A_849 = arith.constant 0 : index
        %swap3A_850 = tpu.vector_load %arg20[%swap3A_849] {strides = array<i32>} : memref<16xf32, #tpu.memory_space<vmem>>, vector<16xf32>,
        tpu.vector_store %arg20[%swap3A_849], %exp3A_848 {strides = array<i32>} : memref<16xf32, #tpu.memory_space<vmem>>, vector<16xf32>,
        %get3A_851 = arith.index_cast %scan3A_836 : i32 to index
        %get3A_852 = arith.constant 0 : index
        %get3A_853 = tpu.vector_load %arg9[%get3A_851, %get3A_852] {strides = array<i32>} : memref<56x96xf32, #tpu.memory_space<vmem>>, vector<16xf32>,
        %gather3A_854 = tpu.vector_load_idx %arg20[%select_n3A] : memref<16xf32, #tpu.memory_space<vmem>>[vector<16xi32>], vector<16xf32>,
        %mul3A_855 = arith.mulf %get3A_853, %gather3A_854 : vector<16xf32>
        %swap3A_856 = arith.index_cast %scan3A_836 : i32 to index
        %swap3A_857 = arith.constant 0 : index
        %swap3A_858 = tpu.vector_load %arg12[%swap3A_856, %swap3A_857] {strides = array<i32>} : memref<56x72xf32, #tpu.memory_space<vmem>>, vector<16xf32>,
        tpu.vector_store %arg12[%swap3A_856, %swap3A_857], %mul3A_855 {strides = array<i32>} : memref<56x72xf32, #tpu.memory_space<vmem>>, vector<16xf32>,
        %get3A_859 = arith.index_cast %scan3A_836 : i32 to index
        %get3A_860 = arith.constant 16 : index
        %get3A_861 = tpu.vector_load %arg9[%get3A_859, %get3A_860] {strides = array<i32>} : memref<56x96xf32, #tpu.memory_space<vmem>>, vector<16xf32>,
        %gather3A_862 = tpu.vector_load_idx %arg20[%select_n3A_59] : memref<16xf32, #tpu.memory_space<vmem>>[vector<16xi32>], vector<16xf32>,
        %mul3A_863 = arith.mulf %get3A_861, %gather3A_862 : vector<16xf32>
        %swap3A_864 = arith.index_cast %scan3A_836 : i32 to index
        %swap3A_865 = arith.constant 16 : index
        %swap3A_866 = tpu.vector_load %arg12[%swap3A_864, %swap3A_865] {strides = array<i32>} : memref<56x72xf32, #tpu.memory_space<vmem>>, vector<16xf32>,
        tpu.vector_store %arg12[%swap3A_864, %swap3A_865], %mul3A_863 {strides = array<i32>} : memref<56x72xf32, #tpu.memory_space<vmem>>, vector<16xf32>,
        %get3A_867 = arith.index_cast %scan3A_836 : i32 to index
        %get3A_868 = arith.constant 32 : index
        %get3A_869 = tpu.vector_load %arg9[%get3A_867, %get3A_868] {strides = array<i32>} : memref<56x96xf32, #tpu.memory_space<vmem>>, vector<16xf32>,
        %gather3A_870 = tpu.vector_load_idx %arg20[%select_n3A_93] : memref<16xf32, #tpu.memory_space<vmem>>[vector<16xi32>], vector<16xf32>,
        %mul3A_871 = arith.mulf %get3A_869, %gather3A_870 : vector<16xf32>
        %swap3A_872 = arith.index_cast %scan3A_836 : i32 to index
        %swap3A_873 = arith.constant 32 : index
        %swap3A_874 = tpu.vector_load %arg12[%swap3A_872, %swap3A_873] {strides = array<i32>} : memref<56x72xf32, #tpu.memory_space<vmem>>, vector<16xf32>,
        tpu.vector_store %arg12[%swap3A_872, %swap3A_873], %mul3A_871 {strides = array<i32>} : memref<56x72xf32, #tpu.memory_space<vmem>>, vector<16xf32>,
        %get3A_875 = arith.index_cast %scan3A_836 : i32 to index
        %get3A_876 = arith.constant 48 : index
        %get3A_877 = tpu.vector_load %arg9[%get3A_875, %get3A_876] {strides = array<i32>} : memref<56x96xf32, #tpu.memory_space<vmem>>, vector<16xf32>,
        %gather3A_878 = tpu.vector_load_idx %arg20[%select_n3A_127] : memref<16xf32, #tpu.memory_space<vmem>>[vector<16xi32>], vector<16xf32>,
        %mul3A_879 = arith.mulf %get3A_877, %gather3A_878 : vector<16xf32>
        %swap3A_880 = arith.index_cast %scan3A_836 : i32 to index
        %swap3A_881 = arith.constant 48 : index
        %swap3A_882 = tpu.vector_load %arg12[%swap3A_880, %swap3A_881] {strides = array<i32>} : memref<56x72xf32, #tpu.memory_space<vmem>>, vector<16xf32>,
        tpu.vector_store %arg12[%swap3A_880, %swap3A_881], %mul3A_879 {strides = array<i32>} : memref<56x72xf32, #tpu.memory_space<vmem>>, vector<16xf32>,
        %get3A_883 = arith.index_cast %scan3A_836 : i32 to index
        %get3A_884 = arith.constant 56 : index
        %get3A_885 = tpu.vector_load %arg9[%get3A_883, %get3A_884] {strides = array<i32>} : memref<56x96xf32, #tpu.memory_space<vmem>>, vector<16xf32>,
        %gather3A_886 = tpu.vector_load_idx %arg20[%select_n3A_161] : memref<16xf32, #tpu.memory_space<vmem>>[vector<16xi32>], vector<16xf32>,
        %mul3A_887 = arith.mulf %get3A_885, %gather3A_886 : vector<16xf32>
        %swap3A_888 = arith.index_cast %scan3A_836 : i32 to index
        %swap3A_889 = arith.constant 56 : index
        %swap3A_890 = tpu.vector_load %arg12[%swap3A_888, %swap3A_889] {strides = array<i32>} : memref<56x72xf32, #tpu.memory_space<vmem>>, vector<16xf32>,
        tpu.vector_store %arg12[%swap3A_888, %swap3A_889], %mul3A_887 {strides = array<i32>} : memref<56x72xf32, #tpu.memory_space<vmem>>, vector<16xf32>,
        %scan3A_891 = arith.constant 2 : i32
        %scan3A_892 = arith.addi %scan3A_783, %scan3A_891 : i32
        %get3A_893 = arith.index_cast %scan3A_892 : i32 to index
        %get3A_894 = arith.constant 72 : index
        %get3A_895 = tpu.vector_load %arg9[%get3A_893, %get3A_894] {strides = array<i32>} : memref<56x96xf32, #tpu.memory_space<vmem>>, vector<16xf32>,
        %get3A_896 = arith.index_cast %scan3A_892 : i32 to index
        %get3A_897 = arith.constant 0 : index
        %get3A_898 = tpu.vector_load %arg11[%get3A_896, %get3A_897] {strides = array<i32>} : memref<56x16xf32, #tpu.memory_space<vmem>>, vector<16xf32>,
        %add3A_899 = arith.addf %get3A_895, %get3A_898 : vector<16xf32>
        %mul3A_900 = arith.constant 2.000000e-01 : f32
        %mul3A_901 = vector.broadcast %mul3A_900 : f32 to vector<16xf32>
        %mul3A_902 = arith.mulf %mul3A_901, %add3A_899 : vector<16xf32>
        %max3A_903 = arith.maximumf %add3A_899, %mul3A_902 : vector<16xf32>
        %exp3A_904 = math.exp %max3A_903 : vector<16xf32>
        %swap3A_905 = arith.constant 0 : index
        %swap3A_906 = tpu.vector_load %arg20[%swap3A_905] {strides = array<i32>} : memref<16xf32, #tpu.memory_space<vmem>>, vector<16xf32>,
        tpu.vector_store %arg20[%swap3A_905], %exp3A_904 {strides = array<i32>} : memref<16xf32, #tpu.memory_space<vmem>>, vector<16xf32>,
        %get3A_907 = arith.index_cast %scan3A_892 : i32 to index
        %get3A_908 = arith.constant 0 : index
        %get3A_909 = tpu.vector_load %arg9[%get3A_907, %get3A_908] {strides = array<i32>} : memref<56x96xf32, #tpu.memory_space<vmem>>, vector<16xf32>,
        %gather3A_910 = tpu.vector_load_idx %arg20[%select_n3A] : memref<16xf32, #tpu.memory_space<vmem>>[vector<16xi32>], vector<16xf32>,
        %mul3A_911 = arith.mulf %get3A_909, %gather3A_910 : vector<16xf32>
        %swap3A_912 = arith.index_cast %scan3A_892 : i32 to index
        %swap3A_913 = arith.constant 0 : index
        %swap3A_914 = tpu.vector_load %arg12[%swap3A_912, %swap3A_913] {strides = array<i32>} : memref<56x72xf32, #tpu.memory_space<vmem>>, vector<16xf32>,
        tpu.vector_store %arg12[%swap3A_912, %swap3A_913], %mul3A_911 {strides = array<i32>} : memref<56x72xf32, #tpu.memory_space<vmem>>, vector<16xf32>,
        %get3A_915 = arith.index_cast %scan3A_892 : i32 to index
        %get3A_916 = arith.constant 16 : index
        %get3A_917 = tpu.vector_load %arg9[%get3A_915, %get3A_916] {strides = array<i32>} : memref<56x96xf32, #tpu.memory_space<vmem>>, vector<16xf32>,
        %gather3A_918 = tpu.vector_load_idx %arg20[%select_n3A_59] : memref<16xf32, #tpu.memory_space<vmem>>[vector<16xi32>], vector<16xf32>,
        %mul3A_919 = arith.mulf %get3A_917, %gather3A_918 : vector<16xf32>
        %swap3A_920 = arith.index_cast %scan3A_892 : i32 to index
        %swap3A_921 = arith.constant 16 : index
        %swap3A_922 = tpu.vector_load %arg12[%swap3A_920, %swap3A_921] {strides = array<i32>} : memref<56x72xf32, #tpu.memory_space<vmem>>, vector<16xf32>,
        tpu.vector_store %arg12[%swap3A_920, %swap3A_921], %mul3A_919 {strides = array<i32>} : memref<56x72xf32, #tpu.memory_space<vmem>>, vector<16xf32>,
        %get3A_923 = arith.index_cast %scan3A_892 : i32 to index
        %get3A_924 = arith.constant 32 : index
        %get3A_925 = tpu.vector_load %arg9[%get3A_923, %get3A_924] {strides = array<i32>} : memref<56x96xf32, #tpu.memory_space<vmem>>, vector<16xf32>,
        %gather3A_926 = tpu.vector_load_idx %arg20[%select_n3A_93] : memref<16xf32, #tpu.memory_space<vmem>>[vector<16xi32>], vector<16xf32>,
        %mul3A_927 = arith.mulf %get3A_925, %gather3A_926 : vector<16xf32>
        %swap3A_928 = arith.index_cast %scan3A_892 : i32 to index
        %swap3A_929 = arith.constant 32 : index
        %swap3A_930 = tpu.vector_load %arg12[%swap3A_928, %swap3A_929] {strides = array<i32>} : memref<56x72xf32, #tpu.memory_space<vmem>>, vector<16xf32>,
        tpu.vector_store %arg12[%swap3A_928, %swap3A_929], %mul3A_927 {strides = array<i32>} : memref<56x72xf32, #tpu.memory_space<vmem>>, vector<16xf32>,
        %get3A_931 = arith.index_cast %scan3A_892 : i32 to index
        %get3A_932 = arith.constant 48 : index
        %get3A_933 = tpu.vector_load %arg9[%get3A_931, %get3A_932] {strides = array<i32>} : memref<56x96xf32, #tpu.memory_space<vmem>>, vector<16xf32>,
        %gather3A_934 = tpu.vector_load_idx %arg20[%select_n3A_127] : memref<16xf32, #tpu.memory_space<vmem>>[vector<16xi32>], vector<16xf32>,
        %mul3A_935 = arith.mulf %get3A_933, %gather3A_934 : vector<16xf32>
        %swap3A_936 = arith.index_cast %scan3A_892 : i32 to index
        %swap3A_937 = arith.constant 48 : index
        %swap3A_938 = tpu.vector_load %arg12[%swap3A_936, %swap3A_937] {strides = array<i32>} : memref<56x72xf32, #tpu.memory_space<vmem>>, vector<16xf32>,
        tpu.vector_store %arg12[%swap3A_936, %swap3A_937], %mul3A_935 {strides = array<i32>} : memref<56x72xf32, #tpu.memory_space<vmem>>, vector<16xf32>,
        %get3A_939 = arith.index_cast %scan3A_892 : i32 to index
        %get3A_940 = arith.constant 56 : index
        %get3A_941 = tpu.vector_load %arg9[%get3A_939, %get3A_940] {strides = array<i32>} : memref<56x96xf32, #tpu.memory_space<vmem>>, vector<16xf32>,
        %gather3A_942 = tpu.vector_load_idx %arg20[%select_n3A_161] : memref<16xf32, #tpu.memory_space<vmem>>[vector<16xi32>], vector<16xf32>,
        %mul3A_943 = arith.mulf %get3A_941, %gather3A_942 : vector<16xf32>
        %swap3A_944 = arith.index_cast %scan3A_892 : i32 to index
        %swap3A_945 = arith.constant 56 : index
        %swap3A_946 = tpu.vector_load %arg12[%swap3A_944, %swap3A_945] {strides = array<i32>} : memref<56x72xf32, #tpu.memory_space<vmem>>, vector<16xf32>,
        tpu.vector_store %arg12[%swap3A_944, %swap3A_945], %mul3A_943 {strides = array<i32>} : memref<56x72xf32, #tpu.memory_space<vmem>>, vector<16xf32>,
        %scan3A_947 = arith.constant 3 : i32
        %scan3A_948 = arith.addi %scan3A_783, %scan3A_947 : i32
        %get3A_949 = arith.index_cast %scan3A_948 : i32 to index
        %get3A_950 = arith.constant 72 : index
        %get3A_951 = tpu.vector_load %arg9[%get3A_949, %get3A_950] {strides = array<i32>} : memref<56x96xf32, #tpu.memory_space<vmem>>, vector<16xf32>,
        %get3A_952 = arith.index_cast %scan3A_948 : i32 to index
        %get3A_953 = arith.constant 0 : index
        %get3A_954 = tpu.vector_load %arg11[%get3A_952, %get3A_953] {strides = array<i32>} : memref<56x16xf32, #tpu.memory_space<vmem>>, vector<16xf32>,
        %add3A_955 = arith.addf %get3A_951, %get3A_954 : vector<16xf32>
        %mul3A_956 = arith.constant 2.000000e-01 : f32
        %mul3A_957 = vector.broadcast %mul3A_956 : f32 to vector<16xf32>
        %mul3A_958 = arith.mulf %mul3A_957, %add3A_955 : vector<16xf32>
        %max3A_959 = arith.maximumf %add3A_955, %mul3A_958 : vector<16xf32>
        %exp3A_960 = math.exp %max3A_959 : vector<16xf32>
        %swap3A_961 = arith.constant 0 : index
        %swap3A_962 = tpu.vector_load %arg20[%swap3A_961] {strides = array<i32>} : memref<16xf32, #tpu.memory_space<vmem>>, vector<16xf32>,
        tpu.vector_store %arg20[%swap3A_961], %exp3A_960 {strides = array<i32>} : memref<16xf32, #tpu.memory_space<vmem>>, vector<16xf32>,
        %get3A_963 = arith.index_cast %scan3A_948 : i32 to index
        %get3A_964 = arith.constant 0 : index
        %get3A_965 = tpu.vector_load %arg9[%get3A_963, %get3A_964] {strides = array<i32>} : memref<56x96xf32, #tpu.memory_space<vmem>>, vector<16xf32>,
        %gather3A_966 = tpu.vector_load_idx %arg20[%select_n3A] : memref<16xf32, #tpu.memory_space<vmem>>[vector<16xi32>], vector<16xf32>,
        %mul3A_967 = arith.mulf %get3A_965, %gather3A_966 : vector<16xf32>
        %swap3A_968 = arith.index_cast %scan3A_948 : i32 to index
        %swap3A_969 = arith.constant 0 : index
        %swap3A_970 = tpu.vector_load %arg12[%swap3A_968, %swap3A_969] {strides = array<i32>} : memref<56x72xf32, #tpu.memory_space<vmem>>, vector<16xf32>,
        tpu.vector_store %arg12[%swap3A_968, %swap3A_969], %mul3A_967 {strides = array<i32>} : memref<56x72xf32, #tpu.memory_space<vmem>>, vector<16xf32>,
        %get3A_971 = arith.index_cast %scan3A_948 : i32 to index
        %get3A_972 = arith.constant 16 : index
        %get3A_973 = tpu.vector_load %arg9[%get3A_971, %get3A_972] {strides = array<i32>} : memref<56x96xf32, #tpu.memory_space<vmem>>, vector<16xf32>,
        %gather3A_974 = tpu.vector_load_idx %arg20[%select_n3A_59] : memref<16xf32, #tpu.memory_space<vmem>>[vector<16xi32>], vector<16xf32>,
        %mul3A_975 = arith.mulf %get3A_973, %gather3A_974 : vector<16xf32>
        %swap3A_976 = arith.index_cast %scan3A_948 : i32 to index
        %swap3A_977 = arith.constant 16 : index
        %swap3A_978 = tpu.vector_load %arg12[%swap3A_976, %swap3A_977] {strides = array<i32>} : memref<56x72xf32, #tpu.memory_space<vmem>>, vector<16xf32>,
        tpu.vector_store %arg12[%swap3A_976, %swap3A_977], %mul3A_975 {strides = array<i32>} : memref<56x72xf32, #tpu.memory_space<vmem>>, vector<16xf32>,
        %get3A_979 = arith.index_cast %scan3A_948 : i32 to index
        %get3A_980 = arith.constant 32 : index
        %get3A_981 = tpu.vector_load %arg9[%get3A_979, %get3A_980] {strides = array<i32>} : memref<56x96xf32, #tpu.memory_space<vmem>>, vector<16xf32>,
        %gather3A_982 = tpu.vector_load_idx %arg20[%select_n3A_93] : memref<16xf32, #tpu.memory_space<vmem>>[vector<16xi32>], vector<16xf32>,
        %mul3A_983 = arith.mulf %get3A_981, %gather3A_982 : vector<16xf32>
        %swap3A_984 = arith.index_cast %scan3A_948 : i32 to index
        %swap3A_985 = arith.constant 32 : index
        %swap3A_986 = tpu.vector_load %arg12[%swap3A_984, %swap3A_985] {strides = array<i32>} : memref<56x72xf32, #tpu.memory_space<vmem>>, vector<16xf32>,
        tpu.vector_store %arg12[%swap3A_984, %swap3A_985], %mul3A_983 {strides = array<i32>} : memref<56x72xf32, #tpu.memory_space<vmem>>, vector<16xf32>,
        %get3A_987 = arith.index_cast %scan3A_948 : i32 to index
        %get3A_988 = arith.constant 48 : index
        %get3A_989 = tpu.vector_load %arg9[%get3A_987, %get3A_988] {strides = array<i32>} : memref<56x96xf32, #tpu.memory_space<vmem>>, vector<16xf32>,
        %gather3A_990 = tpu.vector_load_idx %arg20[%select_n3A_127] : memref<16xf32, #tpu.memory_space<vmem>>[vector<16xi32>], vector<16xf32>,
        %mul3A_991 = arith.mulf %get3A_989, %gather3A_990 : vector<16xf32>
        %swap3A_992 = arith.index_cast %scan3A_948 : i32 to index
        %swap3A_993 = arith.constant 48 : index
        %swap3A_994 = tpu.vector_load %arg12[%swap3A_992, %swap3A_993] {strides = array<i32>} : memref<56x72xf32, #tpu.memory_space<vmem>>, vector<16xf32>,
        tpu.vector_store %arg12[%swap3A_992, %swap3A_993], %mul3A_991 {strides = array<i32>} : memref<56x72xf32, #tpu.memory_space<vmem>>, vector<16xf32>,
        %get3A_995 = arith.index_cast %scan3A_948 : i32 to index
        %get3A_996 = arith.constant 56 : index
        %get3A_997 = tpu.vector_load %arg9[%get3A_995, %get3A_996] {strides = array<i32>} : memref<56x96xf32, #tpu.memory_space<vmem>>, vector<16xf32>,
        %gather3A_998 = tpu.vector_load_idx %arg20[%select_n3A_161] : memref<16xf32, #tpu.memory_space<vmem>>[vector<16xi32>], vector<16xf32>,
        %mul3A_999 = arith.mulf %get3A_997, %gather3A_998 : vector<16xf32>
        %swap3A_1000 = arith.index_cast %scan3A_948 : i32 to index
        %swap3A_1001 = arith.constant 56 : index
        %swap3A_1002 = tpu.vector_load %arg12[%swap3A_1000, %swap3A_1001] {strides = array<i32>} : memref<56x72xf32, #tpu.memory_space<vmem>>, vector<16xf32>,
        tpu.vector_store %arg12[%swap3A_1000, %swap3A_1001], %mul3A_999 {strides = array<i32>} : memref<56x72xf32, #tpu.memory_space<vmem>>, vector<16xf32>,
      }
      %scan3A_781 = arith.constant 56 : i32
      %run_scoped3A_782 = arith.constant 0 : i32
      "tpu.region"() ({
        %run_scoped3A_783 = tpu.sem_alloc : memref<!tpu.dma_semaphore, #tpu.memory_space<semaphore_mem>>
        %dma_start3A_784 = arith.constant 0 : i32
        %dma_start3A_785 = tpu.memref_slice %arg17[%run_scoped3A_782, %dma_start3A_784] : memref<1x56xi32, #tpu.memory_space<vmem>> -> memref<1x56xi32, #tpu.memory_space<vmem>>
        %dma_start3A_786 = tpu.memref_squeeze %dma_start3A_785 : memref<1x56xi32, #tpu.memory_space<vmem>> -> memref<56xi32, #tpu.memory_space<vmem>>
        %dma_start3A_787 = arith.constant 0 : i32
        %dma_start3A_788 = arith.constant 0 : i32
        %dma_start3A_789 = tpu.memref_slice %arg7[%dma_start3A_787, %dma_start3A_788] : memref<25096x72xf32, #tpu.memory_space<vmem_shared>> -> memref<25096x72xf32, #tpu.memory_space<vmem_shared>>
        tpu.enqueue_indirect_dma source(%arg12 : memref<56x72xf32, #tpu.memory_space<vmem>>) target(%dma_start3A_789 : memref<25096x72xf32, #tpu.memory_space<vmem_shared>>) offsets(%dma_start3A_786 : memref<56xi32, #tpu.memory_space<vmem>>) semaphore(%run_scoped3A_783 : memref<!tpu.dma_semaphore, #tpu.memory_space<semaphore_mem>>) {add = true}
        %dma_wait3A_790 = arith.constant 0 : i32
        %dma_wait3A_791 = tpu.memref_slice %arg17[%run_scoped3A_782, %dma_wait3A_790] : memref<1x56xi32, #tpu.memory_space<vmem>> -> memref<1x56xi32, #tpu.memory_space<vmem>>
        %dma_wait3A_792 = tpu.memref_squeeze %dma_wait3A_791 : memref<1x56xi32, #tpu.memory_space<vmem>> -> memref<56xi32, #tpu.memory_space<vmem>>
        %dma_wait3A_793 = arith.constant 0 : i32
        %dma_wait3A_794 = arith.constant 0 : i32
        %dma_wait3A_795 = tpu.memref_slice %arg7[%dma_wait3A_793, %dma_wait3A_794] : memref<25096x72xf32, #tpu.memory_space<vmem_shared>> -> memref<25096x72xf32, #tpu.memory_space<vmem_shared>>
        tpu.wait_indirect_dma semaphore(%run_scoped3A_783 : memref<!tpu.dma_semaphore, #tpu.memory_space<semaphore_mem>>) src(%arg12 : memref<56x72xf32, #tpu.memory_space<vmem>>) dst(%dma_wait3A_795 : memref<25096x72xf32, #tpu.memory_space<vmem_shared>>)
        tpu.yield
      }) : () -> ()
    }
    %scan3A_547 = arith.constant 448 : i32
    %barrier3A_548 = arith.constant 0 : index
    tpu.barrier barrier_id(%barrier3A_548)
    %scan3A_549 = arith.constant 0 : i32
    %scan3A_550 = arith.constant 0 : i32
    %scan3A_551 = arith.constant 4 : i32
    %scan3A_552 = arith.addi %scan3A_550, %scan3A_551 : i32
    %scan3A_553 = arith.constant 1 : i32
    scf.for %scan3A_561 = %scan3A_550 to %scan3A_552 step %scan3A_553  : i32 {
      %swap3A = arith.index_cast %scan3A_561 : i32 to index
      %swap3A_562 = arith.constant 0 : index
      %swap3A_563 = tpu.vector_load %arg19[%swap3A, %swap3A_562] {strides = array<i32>} : memref<4x128xf32, #tpu.memory_space<vmem>>, vector<16xf32>,
      tpu.vector_store %arg19[%swap3A, %swap3A_562], %broadcast_in_dim3A_0 {strides = array<i32>} : memref<4x128xf32, #tpu.memory_space<vmem>>, vector<16xf32>,
      %swap3A_564 = arith.index_cast %scan3A_561 : i32 to index
      %swap3A_565 = arith.constant 16 : index
      %swap3A_566 = tpu.vector_load %arg19[%swap3A_564, %swap3A_565] {strides = array<i32>} : memref<4x128xf32, #tpu.memory_space<vmem>>, vector<16xf32>,
      tpu.vector_store %arg19[%swap3A_564, %swap3A_565], %broadcast_in_dim3A_0 {strides = array<i32>} : memref<4x128xf32, #tpu.memory_space<vmem>>, vector<16xf32>,
      %swap3A_567 = arith.index_cast %scan3A_561 : i32 to index
      %swap3A_568 = arith.constant 32 : index
      %swap3A_569 = tpu.vector_load %arg19[%swap3A_567, %swap3A_568] {strides = array<i32>} : memref<4x128xf32, #tpu.memory_space<vmem>>, vector<16xf32>,
      tpu.vector_store %arg19[%swap3A_567, %swap3A_568], %broadcast_in_dim3A_0 {strides = array<i32>} : memref<4x128xf32, #tpu.memory_space<vmem>>, vector<16xf32>,
      %swap3A_570 = arith.index_cast %scan3A_561 : i32 to index
      %swap3A_571 = arith.constant 48 : index
      %swap3A_572 = tpu.vector_load %arg19[%swap3A_570, %swap3A_571] {strides = array<i32>} : memref<4x128xf32, #tpu.memory_space<vmem>>, vector<16xf32>,
      tpu.vector_store %arg19[%swap3A_570, %swap3A_571], %broadcast_in_dim3A_0 {strides = array<i32>} : memref<4x128xf32, #tpu.memory_space<vmem>>, vector<16xf32>,
      %swap3A_573 = arith.index_cast %scan3A_561 : i32 to index
      %swap3A_574 = arith.constant 64 : index
      %swap3A_575 = tpu.vector_load %arg19[%swap3A_573, %swap3A_574] {strides = array<i32>} : memref<4x128xf32, #tpu.memory_space<vmem>>, vector<16xf32>,
      tpu.vector_store %arg19[%swap3A_573, %swap3A_574], %broadcast_in_dim3A_0 {strides = array<i32>} : memref<4x128xf32, #tpu.memory_space<vmem>>, vector<16xf32>,
      %swap3A_576 = arith.index_cast %scan3A_561 : i32 to index
      %swap3A_577 = arith.constant 80 : index
      %swap3A_578 = tpu.vector_load %arg19[%swap3A_576, %swap3A_577] {strides = array<i32>} : memref<4x128xf32, #tpu.memory_space<vmem>>, vector<16xf32>,
      tpu.vector_store %arg19[%swap3A_576, %swap3A_577], %broadcast_in_dim3A_0 {strides = array<i32>} : memref<4x128xf32, #tpu.memory_space<vmem>>, vector<16xf32>,
      %swap3A_579 = arith.index_cast %scan3A_561 : i32 to index
      %swap3A_580 = arith.constant 96 : index
      %swap3A_581 = tpu.vector_load %arg19[%swap3A_579, %swap3A_580] {strides = array<i32>} : memref<4x128xf32, #tpu.memory_space<vmem>>, vector<16xf32>,
      tpu.vector_store %arg19[%swap3A_579, %swap3A_580], %broadcast_in_dim3A_0 {strides = array<i32>} : memref<4x128xf32, #tpu.memory_space<vmem>>, vector<16xf32>,
      %swap3A_582 = arith.index_cast %scan3A_561 : i32 to index
      %swap3A_583 = arith.constant 112 : index
      %swap3A_584 = tpu.vector_load %arg19[%swap3A_582, %swap3A_583] {strides = array<i32>} : memref<4x128xf32, #tpu.memory_space<vmem>>, vector<16xf32>,
      tpu.vector_store %arg19[%swap3A_582, %swap3A_583], %broadcast_in_dim3A_0 {strides = array<i32>} : memref<4x128xf32, #tpu.memory_space<vmem>>, vector<16xf32>,
    }
    %scan3A_554 = arith.constant 4 : i32
    %scan3A_555 = arith.constant 0 : i32
    %scan3A_556 = arith.constant 0 : i32
    %scan3A_557 = arith.constant 392 : i32
    %scan3A_558 = arith.addi %scan3A_556, %scan3A_557 : i32
    %scan3A_559 = arith.constant 1 : i32
    scf.for %scan3A_561 = %scan3A_556 to %scan3A_558 step %scan3A_559  : i32 {
      %mul3A_562 = arith.constant 1568 : i32
      %mul3A_563 = arith.muli %arg1, %mul3A_562 : i32
      %mul3A_564 = arith.constant 4 : i32
      %mul3A_565 = arith.muli %scan3A_561, %mul3A_564 : i32
      %add3A_566 = arith.addi %mul3A_563, %mul3A_565 : i32
      "tpu.region"() ({
        %run_scoped3A = tpu.sem_alloc : memref<!tpu.dma_semaphore, #tpu.memory_space<semaphore_mem>>
        %dma_start3A_573 = arith.constant 0 : i32
        %dma_start3A_574 = tpu.memref_slice %arg7[%add3A_566, %dma_start3A_573] : memref<25096x72xf32, #tpu.memory_space<vmem_shared>> -> memref<4x72xf32, #tpu.memory_space<vmem_shared>>
        %dma_start3A_575 = arith.constant 0 : i32
        %dma_start3A_576 = tpu.memref_slice %arg7[%add3A_566, %dma_start3A_575] : memref<25096x72xf32, #tpu.memory_space<vmem_shared>> -> memref<4x72xf32, #tpu.memory_space<vmem_shared>>
        tpu.enqueue_dma source(%dma_start3A_576 : memref<4x72xf32, #tpu.memory_space<vmem_shared>>) target(%arg18 : memref<4x72xf32, #tpu.memory_space<vmem>>) target_semaphore(%run_scoped3A : memref<!tpu.dma_semaphore, #tpu.memory_space<semaphore_mem>>)
        %dma_wait3A_577 = arith.constant 0 : i32
        %dma_wait3A_578 = tpu.memref_slice %arg7[%add3A_566, %dma_wait3A_577] : memref<25096x72xf32, #tpu.memory_space<vmem_shared>> -> memref<4x72xf32, #tpu.memory_space<vmem_shared>>
        %dma_wait3A_579 = arith.constant 0 : i32
        %dma_wait3A_580 = tpu.memref_slice %arg7[%add3A_566, %dma_wait3A_579] : memref<25096x72xf32, #tpu.memory_space<vmem_shared>> -> memref<4x72xf32, #tpu.memory_space<vmem_shared>>
        tpu.wait_dma2 semaphore(%run_scoped3A : memref<!tpu.dma_semaphore, #tpu.memory_space<semaphore_mem>>) src(%dma_wait3A_580 : memref<4x72xf32, #tpu.memory_space<vmem_shared>>) dst(%arg18 : memref<4x72xf32, #tpu.memory_space<vmem>>)
        tpu.yield
      }) : () -> ()
      %scan3A_567 = arith.constant 0 : i32
      %scan3A_568 = arith.constant 0 : i32
      %scan3A_569 = arith.constant 4 : i32
      %scan3A_570 = arith.addi %scan3A_568, %scan3A_569 : i32
      %scan3A_571 = arith.constant 1 : i32
      scf.for %scan3A_573 = %scan3A_568 to %scan3A_570 step %scan3A_571  : i32 {
        %broadcast_in_dim3A_574 = vector.broadcast %scan3A_573 : i32 to vector<16xi32>
        %gather3A = tpu.vector_load_idx %arg18[%broadcast_in_dim3A_574, %add3A_199] : memref<4x72xf32, #tpu.memory_space<vmem>>[vector<16xi32>, vector<16xi32>], vector<16xf32>,
        %gather3A_575 = tpu.vector_load_idx %arg18[%broadcast_in_dim3A_574, %add3A_352] : memref<4x72xf32, #tpu.memory_space<vmem>>[vector<16xi32>, vector<16xi32>], vector<16xf32>,
        %add3A_576 = arith.constant 1.000000e-16 : f32
        %add3A_577 = vector.broadcast %add3A_576 : f32 to vector<16xf32>
        %add3A_578 = arith.addf %gather3A_575, %add3A_577 : vector<16xf32>
        %div3A_579 = arith.divf %gather3A, %add3A_578 : vector<16xf32>
        %max3A = arith.constant 0.000000e+00 : f32
        %max3A_580 = vector.broadcast %max3A : f32 to vector<16xf32>
        %max3A_581 = arith.maximumf %div3A_579, %max3A_580 : vector<16xf32>
        %swap3A = arith.index_cast %scan3A_573 : i32 to index
        %swap3A_582 = arith.constant 0 : index
        %swap3A_583 = tpu.vector_load %arg19[%swap3A, %swap3A_582] {strides = array<i32>} : memref<4x128xf32, #tpu.memory_space<vmem>>, vector<16xf32>,
        tpu.vector_store %arg19[%swap3A, %swap3A_582], %max3A_581 {strides = array<i32>} : memref<4x128xf32, #tpu.memory_space<vmem>>, vector<16xf32>,
        %gather3A_584 = tpu.vector_load_idx %arg18[%broadcast_in_dim3A_574, %add3A_237] : memref<4x72xf32, #tpu.memory_space<vmem>>[vector<16xi32>, vector<16xi32>], vector<16xf32>,
        %gather3A_585 = tpu.vector_load_idx %arg18[%broadcast_in_dim3A_574, %add3A_392] : memref<4x72xf32, #tpu.memory_space<vmem>>[vector<16xi32>, vector<16xi32>], vector<16xf32>,
        %add3A_586 = arith.constant 1.000000e-16 : f32
        %add3A_587 = vector.broadcast %add3A_586 : f32 to vector<16xf32>
        %add3A_588 = arith.addf %gather3A_585, %add3A_587 : vector<16xf32>
        %div3A_589 = arith.divf %gather3A_584, %add3A_588 : vector<16xf32>
        %max3A_590 = arith.constant 0.000000e+00 : f32
        %max3A_591 = vector.broadcast %max3A_590 : f32 to vector<16xf32>
        %max3A_592 = arith.maximumf %div3A_589, %max3A_591 : vector<16xf32>
        %swap3A_593 = arith.index_cast %scan3A_573 : i32 to index
        %swap3A_594 = arith.constant 16 : index
        %swap3A_595 = tpu.vector_load %arg19[%swap3A_593, %swap3A_594] {strides = array<i32>} : memref<4x128xf32, #tpu.memory_space<vmem>>, vector<16xf32>,
        tpu.vector_store %arg19[%swap3A_593, %swap3A_594], %max3A_592 {strides = array<i32>} : memref<4x128xf32, #tpu.memory_space<vmem>>, vector<16xf32>,
        %gather3A_596 = tpu.vector_load_idx %arg18[%broadcast_in_dim3A_574, %add3A_275] : memref<4x72xf32, #tpu.memory_space<vmem>>[vector<16xi32>, vector<16xi32>], vector<16xf32>,
        %gather3A_597 = tpu.vector_load_idx %arg18[%broadcast_in_dim3A_574, %add3A_432] : memref<4x72xf32, #tpu.memory_space<vmem>>[vector<16xi32>, vector<16xi32>], vector<16xf32>,
        %add3A_598 = arith.constant 1.000000e-16 : f32
        %add3A_599 = vector.broadcast %add3A_598 : f32 to vector<16xf32>
        %add3A_600 = arith.addf %gather3A_597, %add3A_599 : vector<16xf32>
        %div3A_601 = arith.divf %gather3A_596, %add3A_600 : vector<16xf32>
        %max3A_602 = arith.constant 0.000000e+00 : f32
        %max3A_603 = vector.broadcast %max3A_602 : f32 to vector<16xf32>
        %max3A_604 = arith.maximumf %div3A_601, %max3A_603 : vector<16xf32>
        %swap3A_605 = arith.index_cast %scan3A_573 : i32 to index
        %swap3A_606 = arith.constant 32 : index
        %swap3A_607 = tpu.vector_load %arg19[%swap3A_605, %swap3A_606] {strides = array<i32>} : memref<4x128xf32, #tpu.memory_space<vmem>>, vector<16xf32>,
        tpu.vector_store %arg19[%swap3A_605, %swap3A_606], %max3A_604 {strides = array<i32>} : memref<4x128xf32, #tpu.memory_space<vmem>>, vector<16xf32>,
        %gather3A_608 = tpu.vector_load_idx %arg18[%broadcast_in_dim3A_574, %add3A_313] : memref<4x72xf32, #tpu.memory_space<vmem>>[vector<16xi32>, vector<16xi32>], vector<16xf32>,
        %gather3A_609 = tpu.vector_load_idx %arg18[%broadcast_in_dim3A_574, %add3A_472] : memref<4x72xf32, #tpu.memory_space<vmem>>[vector<16xi32>, vector<16xi32>], vector<16xf32>,
        %add3A_610 = arith.constant 1.000000e-16 : f32
        %add3A_611 = vector.broadcast %add3A_610 : f32 to vector<16xf32>
        %add3A_612 = arith.addf %gather3A_609, %add3A_611 : vector<16xf32>
        %div3A_613 = arith.divf %gather3A_608, %add3A_612 : vector<16xf32>
        %max3A_614 = arith.constant 0.000000e+00 : f32
        %max3A_615 = vector.broadcast %max3A_614 : f32 to vector<16xf32>
        %max3A_616 = arith.maximumf %div3A_613, %max3A_615 : vector<16xf32>
        %swap3A_617 = arith.index_cast %scan3A_573 : i32 to index
        %swap3A_618 = arith.constant 48 : index
        %swap3A_619 = tpu.vector_load %arg19[%swap3A_617, %swap3A_618] {strides = array<i32>} : memref<4x128xf32, #tpu.memory_space<vmem>>, vector<16xf32>,
        tpu.vector_store %arg19[%swap3A_617, %swap3A_618], %max3A_616 {strides = array<i32>} : memref<4x128xf32, #tpu.memory_space<vmem>>, vector<16xf32>,
      }
      %scan3A_572 = arith.constant 4 : i32
      "tpu.region"() ({
        %run_scoped3A = tpu.sem_alloc : memref<!tpu.dma_semaphore, #tpu.memory_space<semaphore_mem>>
        %dma_start3A_573 = arith.constant 0 : i32
        %dma_start3A_574 = arith.constant 0 : i32
        %dma_start3A_575 = tpu.memref_slice %arg6[%arg0, %dma_start3A_573, %dma_start3A_574] : memref<2x25088x128xf32, #tpu.memory_space<hbm>> -> memref<1x25088x128xf32, #tpu.memory_space<hbm>>
        %dma_start3A_576 = tpu.memref_squeeze %dma_start3A_575 : memref<1x25088x128xf32, #tpu.memory_space<hbm>> -> memref<25088x128xf32, #tpu.memory_space<hbm>>
        %dma_start3A_577 = arith.constant 0 : i32
        %dma_start3A_578 = tpu.memref_slice %dma_start3A_576[%add3A_566, %dma_start3A_577] : memref<25088x128xf32, #tpu.memory_space<hbm>> -> memref<4x128xf32, #tpu.memory_space<hbm>>
        %dma_start3A_579 = arith.constant 0 : i32
        %dma_start3A_580 = arith.constant 0 : i32
        %dma_start3A_581 = tpu.memref_slice %arg6[%arg0, %dma_start3A_579, %dma_start3A_580] : memref<2x25088x128xf32, #tpu.memory_space<hbm>> -> memref<1x25088x128xf32, #tpu.memory_space<hbm>>
        %dma_start3A_582 = tpu.memref_squeeze %dma_start3A_581 : memref<1x25088x128xf32, #tpu.memory_space<hbm>> -> memref<25088x128xf32, #tpu.memory_space<hbm>>
        %dma_start3A_583 = arith.constant 0 : i32
        %dma_start3A_584 = tpu.memref_slice %dma_start3A_582[%add3A_566, %dma_start3A_583] : memref<25088x128xf32, #tpu.memory_space<hbm>> -> memref<4x128xf32, #tpu.memory_space<hbm>>
        tpu.enqueue_dma source(%arg19 : memref<4x128xf32, #tpu.memory_space<vmem>>) target(%dma_start3A_584 : memref<4x128xf32, #tpu.memory_space<hbm>>) target_semaphore(%run_scoped3A : memref<!tpu.dma_semaphore, #tpu.memory_space<semaphore_mem>>)
        %dma_wait3A_585 = arith.constant 0 : i32
        %dma_wait3A_586 = arith.constant 0 : i32
        %dma_wait3A_587 = tpu.memref_slice %arg6[%arg0, %dma_wait3A_585, %dma_wait3A_586] : memref<2x25088x128xf32, #tpu.memory_space<hbm>> -> memref<1x25088x128xf32, #tpu.memory_space<hbm>>
        %dma_wait3A_588 = tpu.memref_squeeze %dma_wait3A_587 : memref<1x25088x128xf32, #tpu.memory_space<hbm>> -> memref<25088x128xf32, #tpu.memory_space<hbm>>
        %dma_wait3A_589 = arith.constant 0 : i32
        %dma_wait3A_590 = tpu.memref_slice %dma_wait3A_588[%add3A_566, %dma_wait3A_589] : memref<25088x128xf32, #tpu.memory_space<hbm>> -> memref<4x128xf32, #tpu.memory_space<hbm>>
        %dma_wait3A_591 = arith.constant 0 : i32
        %dma_wait3A_592 = arith.constant 0 : i32
        %dma_wait3A_593 = tpu.memref_slice %arg6[%arg0, %dma_wait3A_591, %dma_wait3A_592] : memref<2x25088x128xf32, #tpu.memory_space<hbm>> -> memref<1x25088x128xf32, #tpu.memory_space<hbm>>
        %dma_wait3A_594 = tpu.memref_squeeze %dma_wait3A_593 : memref<1x25088x128xf32, #tpu.memory_space<hbm>> -> memref<25088x128xf32, #tpu.memory_space<hbm>>
        %dma_wait3A_595 = arith.constant 0 : i32
        %dma_wait3A_596 = tpu.memref_slice %dma_wait3A_594[%add3A_566, %dma_wait3A_595] : memref<25088x128xf32, #tpu.memory_space<hbm>> -> memref<4x128xf32, #tpu.memory_space<hbm>>
        tpu.wait_dma2 semaphore(%run_scoped3A : memref<!tpu.dma_semaphore, #tpu.memory_space<semaphore_mem>>) src(%arg19 : memref<4x128xf32, #tpu.memory_space<vmem>>) dst(%dma_wait3A_596 : memref<4x128xf32, #tpu.memory_space<hbm>>)
        tpu.yield
      }) : () -> ()
    }
    %scan3A_560 = arith.constant 392 : i32
    return
  }
}

module attributes {stable_mosaic.version = 14 : i64} {
  func.func @_prologue_body(%arg0: i32, %arg1: memref<1000x128xf32, #tpu.memory_space<vmem>>, %arg2: memref<1000x128xf32, #tpu.memory_space<vmem>>, %arg3: memref<128x64xf32, #tpu.memory_space<vmem>>, %arg4: memref<1x64xf32, #tpu.memory_space<vmem>>, %arg5: memref<128x64xf32, #tpu.memory_space<vmem>>, %arg6: memref<1x64xf32, #tpu.memory_space<vmem>>, %arg7: memref<64x128xf32, #tpu.memory_space<vmem>>, %arg8: memref<64x128xf32, #tpu.memory_space<vmem>>, %arg9: memref<1000x96xf32, #tpu.memory_space<vmem>>, %arg10: memref<1000x16xf32, #tpu.memory_space<vmem>>) attributes {dimension_semantics = [#tpu.dimension_semantics<arbitrary>], iteration_bounds = array<i64: 50>, scalar_prefetch = 0 : i64, scratch_operands = 0 : i64, tpu.core_type = #tpu.core_type<tc>, window_params = [{transform_indices = @transform_0, window_bounds = array<i64: 1000, 128>}, {transform_indices = @transform_1, window_bounds = array<i64: 1000, 128>}, {pipeline_mode = #tpu.pipeline_mode<synchronous>, transform_indices = @transform_2, window_bounds = array<i64: 128, 64>}, {pipeline_mode = #tpu.pipeline_mode<synchronous>, transform_indices = @transform_3, window_bounds = array<i64: 1, 64>}, {pipeline_mode = #tpu.pipeline_mode<synchronous>, transform_indices = @transform_4, window_bounds = array<i64: 128, 64>}, {pipeline_mode = #tpu.pipeline_mode<synchronous>, transform_indices = @transform_5, window_bounds = array<i64: 1, 64>}, {pipeline_mode = #tpu.pipeline_mode<synchronous>, transform_indices = @transform_6, window_bounds = array<i64: 64, 128>}, {pipeline_mode = #tpu.pipeline_mode<synchronous>, transform_indices = @transform_7, window_bounds = array<i64: 64, 128>}, {transform_indices = @transform_8, window_bounds = array<i64: 1000, 96>}, {transform_indices = @transform_9, window_bounds = array<i64: 1000, 16>}]} {
    %get3A = arith.constant 0 : index
    %get3A_0 = arith.constant 0 : index
    %get3A_1 = vector.load %arg1[%get3A, %get3A_0] : memref<1000x128xf32, #tpu.memory_space<vmem>>, vector<1000x128xf32>
    %get3A_2 = arith.constant 0 : index
    %get3A_3 = arith.constant 0 : index
    %get3A_4 = vector.load %arg3[%get3A_2, %get3A_3] : memref<128x64xf32, #tpu.memory_space<vmem>>, vector<128x64xf32>
    %dot_general3A = arith.constant dense<0.000000e+00> : vector<1000x64xf32>
    %dot_general3A_5 = tpu.matmul %get3A_1, %get3A_4, %dot_general3A {dimension_numbers = #tpu.dot_dimension_numbers<[1], [0], [0], [1], [0, 0, 1, 1], [], []>, transpose_lhs_hint = false} : vector<1000x128xf32>, vector<128x64xf32>, vector<1000x64xf32> -> vector<1000x64xf32>
    %get3A_6 = arith.constant 0 : index
    %get3A_7 = arith.constant 0 : index
    %get3A_8 = vector.load %arg4[%get3A_6, %get3A_7] : memref<1x64xf32, #tpu.memory_space<vmem>>, vector<1x64xf32>
    %add3A = vector.broadcast %get3A_8 : vector<1x64xf32> to vector<1000x64xf32>
    %add3A_9 = arith.addf %dot_general3A_5, %add3A : vector<1000x64xf32>
    %get3A_10 = arith.constant 0 : index
    %get3A_11 = arith.constant 0 : index
    %get3A_12 = vector.load %arg2[%get3A_10, %get3A_11] : memref<1000x128xf32, #tpu.memory_space<vmem>>, vector<1000x128xf32>
    %get3A_13 = arith.constant 0 : index
    %get3A_14 = arith.constant 0 : index
    %get3A_15 = vector.load %arg5[%get3A_13, %get3A_14] : memref<128x64xf32, #tpu.memory_space<vmem>>, vector<128x64xf32>
    %dot_general3A_16 = arith.constant dense<0.000000e+00> : vector<1000x64xf32>
    %dot_general3A_17 = tpu.matmul %get3A_12, %get3A_15, %dot_general3A_16 {dimension_numbers = #tpu.dot_dimension_numbers<[1], [0], [0], [1], [0, 0, 1, 1], [], []>, transpose_lhs_hint = false} : vector<1000x128xf32>, vector<128x64xf32>, vector<1000x64xf32> -> vector<1000x64xf32>
    %get3A_18 = arith.constant 0 : index
    %get3A_19 = arith.constant 0 : index
    %get3A_20 = vector.load %arg6[%get3A_18, %get3A_19] : memref<1x64xf32, #tpu.memory_space<vmem>>, vector<1x64xf32>
    %add3A_21 = vector.broadcast %get3A_20 : vector<1x64xf32> to vector<1000x64xf32>
    %add3A_22 = arith.addf %dot_general3A_17, %add3A_21 : vector<1000x64xf32>
    %get3A_23 = arith.constant 0 : index
    %get3A_24 = arith.constant 0 : index
    %get3A_25 = vector.load %arg7[%get3A_23, %get3A_24] : memref<64x128xf32, #tpu.memory_space<vmem>>, vector<64x128xf32>
    %dot_general3A_26 = arith.constant dense<0.000000e+00> : vector<1000x128xf32>
    %dot_general3A_27 = tpu.matmul %add3A_22, %get3A_25, %dot_general3A_26 {dimension_numbers = #tpu.dot_dimension_numbers<[1], [0], [0], [1], [0, 0, 1, 1], [], []>, transpose_lhs_hint = false} : vector<1000x64xf32>, vector<64x128xf32>, vector<1000x128xf32> -> vector<1000x128xf32>
    %get3A_28 = arith.constant 0 : index
    %get3A_29 = arith.constant 0 : index
    %get3A_30 = vector.load %arg8[%get3A_28, %get3A_29] : memref<64x128xf32, #tpu.memory_space<vmem>>, vector<64x128xf32>
    %dot_general3A_31 = arith.constant dense<0.000000e+00> : vector<1000x128xf32>
    %dot_general3A_32 = tpu.matmul %add3A_9, %get3A_30, %dot_general3A_31 {dimension_numbers = #tpu.dot_dimension_numbers<[1], [0], [0], [1], [0, 0, 1, 1], [], []>, transpose_lhs_hint = false} : vector<1000x64xf32>, vector<64x128xf32>, vector<1000x128xf32> -> vector<1000x128xf32>
    %broadcast_in_dim3A = arith.constant 1.000000e+00 : f32
    %broadcast_in_dim3A_33 = vector.broadcast %broadcast_in_dim3A : f32 to vector<1000x1xf32>
    %slice3A = vector.extract_strided_slice %add3A_22 {offsets = [0, 0], sizes = [1000, 8], strides = [1, 1]} : vector<1000x64xf32> to vector<1000x8xf32>
    %slice3A_34 = vector.extract_strided_slice %add3A_22 {offsets = [0, 8], sizes = [1000, 8], strides = [1, 1]} : vector<1000x64xf32> to vector<1000x8xf32>
    %slice3A_35 = vector.extract_strided_slice %add3A_22 {offsets = [0, 16], sizes = [1000, 8], strides = [1, 1]} : vector<1000x64xf32> to vector<1000x8xf32>
    %slice3A_36 = vector.extract_strided_slice %add3A_22 {offsets = [0, 24], sizes = [1000, 8], strides = [1, 1]} : vector<1000x64xf32> to vector<1000x8xf32>
    %slice3A_37 = vector.extract_strided_slice %add3A_22 {offsets = [0, 32], sizes = [1000, 8], strides = [1, 1]} : vector<1000x64xf32> to vector<1000x8xf32>
    %slice3A_38 = vector.extract_strided_slice %add3A_22 {offsets = [0, 40], sizes = [1000, 8], strides = [1, 1]} : vector<1000x64xf32> to vector<1000x8xf32>
    %slice3A_39 = vector.extract_strided_slice %add3A_22 {offsets = [0, 48], sizes = [1000, 8], strides = [1, 1]} : vector<1000x64xf32> to vector<1000x8xf32>
    %slice3A_40 = vector.extract_strided_slice %add3A_22 {offsets = [0, 56], sizes = [1000, 8], strides = [1, 1]} : vector<1000x64xf32> to vector<1000x8xf32>
    %slice3A_41 = vector.extract_strided_slice %dot_general3A_27 {offsets = [0, 0], sizes = [1000, 8], strides = [1, 1]} : vector<1000x128xf32> to vector<1000x8xf32>
    %broadcast_in_dim3A_42 = arith.constant 0.000000e+00 : f32
    %broadcast_in_dim3A_43 = vector.broadcast %broadcast_in_dim3A_42 : f32 to vector<1000x16xf32>
    %concatenate3A = tpu.concatenate %slice3A, %broadcast_in_dim3A_33, %slice3A_34, %broadcast_in_dim3A_33, %slice3A_35, %broadcast_in_dim3A_33, %slice3A_36, %broadcast_in_dim3A_33, %slice3A_37, %broadcast_in_dim3A_33, %slice3A_38, %broadcast_in_dim3A_33, %slice3A_39, %broadcast_in_dim3A_33, %slice3A_40, %broadcast_in_dim3A_33, %slice3A_41, %broadcast_in_dim3A_43 in 1 : vector<1000x8xf32>, vector<1000x1xf32>, vector<1000x8xf32>, vector<1000x1xf32>, vector<1000x8xf32>, vector<1000x1xf32>, vector<1000x8xf32>, vector<1000x1xf32>, vector<1000x8xf32>, vector<1000x1xf32>, vector<1000x8xf32>, vector<1000x1xf32>, vector<1000x8xf32>, vector<1000x1xf32>, vector<1000x8xf32>, vector<1000x1xf32>, vector<1000x8xf32>, vector<1000x16xf32> -> vector<1000x96xf32>
    %swap3A = arith.constant 0 : index
    %swap3A_44 = arith.constant 0 : index
    %swap3A_45 = vector.load %arg9[%swap3A, %swap3A_44] : memref<1000x96xf32, #tpu.memory_space<vmem>>, vector<1000x96xf32>
    tpu.vector_store %arg9[%swap3A, %swap3A_44], %concatenate3A {strides = array<i32>} : memref<1000x96xf32, #tpu.memory_space<vmem>>, vector<1000x96xf32>,
    %slice3A_46 = vector.extract_strided_slice %dot_general3A_32 {offsets = [0, 0], sizes = [1000, 8], strides = [1, 1]} : vector<1000x128xf32> to vector<1000x8xf32>
    %broadcast_in_dim3A_47 = arith.constant 0.000000e+00 : f32
    %broadcast_in_dim3A_48 = vector.broadcast %broadcast_in_dim3A_47 : f32 to vector<1000x8xf32>
    %concatenate3A_49 = tpu.concatenate %slice3A_46, %broadcast_in_dim3A_48 in 1 : vector<1000x8xf32>, vector<1000x8xf32> -> vector<1000x16xf32>
    %swap3A_50 = arith.constant 0 : index
    %swap3A_51 = arith.constant 0 : index
    %swap3A_52 = vector.load %arg10[%swap3A_50, %swap3A_51] : memref<1000x16xf32, #tpu.memory_space<vmem>>, vector<1000x16xf32>
    tpu.vector_store %arg10[%swap3A_50, %swap3A_51], %concatenate3A_49 {strides = array<i32>} : memref<1000x16xf32, #tpu.memory_space<vmem>>, vector<1000x16xf32>,
    return
  }
  func.func @transform_0(%arg0: i32) -> (i32, i32) {
    %c0_i32 = arith.constant 0 : i32
    %c0_i32_0 = arith.constant 0 : i32
    return %arg0, %c0_i32 : i32, i32
  }
  func.func @transform_1(%arg0: i32) -> (i32, i32) {
    %c0_i32 = arith.constant 0 : i32
    %c0_i32_0 = arith.constant 0 : i32
    return %arg0, %c0_i32 : i32, i32
  }
  func.func @transform_2(%arg0: i32) -> (i32, i32) {
    %c0_i32 = arith.constant 0 : i32
    %c0_i32_0 = arith.constant 0 : i32
    %c0_i32_1 = arith.constant 0 : i32
    return %c0_i32, %c0_i32_0 : i32, i32
  }
  func.func @transform_3(%arg0: i32) -> (i32, i32) {
    %c0_i32 = arith.constant 0 : i32
    %c0_i32_0 = arith.constant 0 : i32
    %c0_i32_1 = arith.constant 0 : i32
    return %c0_i32, %c0_i32_0 : i32, i32
  }
  func.func @transform_4(%arg0: i32) -> (i32, i32) {
    %c0_i32 = arith.constant 0 : i32
    %c0_i32_0 = arith.constant 0 : i32
    %c0_i32_1 = arith.constant 0 : i32
    return %c0_i32, %c0_i32_0 : i32, i32
  }
  func.func @transform_5(%arg0: i32) -> (i32, i32) {
    %c0_i32 = arith.constant 0 : i32
    %c0_i32_0 = arith.constant 0 : i32
    %c0_i32_1 = arith.constant 0 : i32
    return %c0_i32, %c0_i32_0 : i32, i32
  }
  func.func @transform_6(%arg0: i32) -> (i32, i32) {
    %c0_i32 = arith.constant 0 : i32
    %c0_i32_0 = arith.constant 0 : i32
    %c0_i32_1 = arith.constant 0 : i32
    return %c0_i32, %c0_i32_0 : i32, i32
  }
  func.func @transform_7(%arg0: i32) -> (i32, i32) {
    %c0_i32 = arith.constant 0 : i32
    %c0_i32_0 = arith.constant 0 : i32
    %c0_i32_1 = arith.constant 0 : i32
    return %c0_i32, %c0_i32_0 : i32, i32
  }
  func.func @transform_8(%arg0: i32) -> (i32, i32) {
    %c0_i32 = arith.constant 0 : i32
    %c0_i32_0 = arith.constant 0 : i32
    return %arg0, %c0_i32 : i32, i32
  }
  func.func @transform_9(%arg0: i32) -> (i32, i32) {
    %c0_i32 = arith.constant 0 : i32
    %c0_i32_0 = arith.constant 0 : i32
    return %arg0, %c0_i32 : i32, i32
  }
}

module attributes {stable_mosaic.version = 14 : i64} {
  func.func @_epilogue_body(%arg0: i32, %arg1: memref<512x128xf32, #tpu.memory_space<vmem>>, %arg2: memref<128x128xf32, #tpu.memory_space<vmem>>, %arg3: memref<1x128xf32, #tpu.memory_space<vmem>>, %arg4: memref<512x128xf32, #tpu.memory_space<vmem>>) attributes {dimension_semantics = [#tpu.dimension_semantics<arbitrary>], iteration_bounds = array<i64: 49>, scalar_prefetch = 0 : i64, scratch_operands = 0 : i64, tpu.core_type = #tpu.core_type<tc>, window_params = [{transform_indices = @transform_0, window_bounds = array<i64: 512, 128>}, {pipeline_mode = #tpu.pipeline_mode<synchronous>, transform_indices = @transform_1, window_bounds = array<i64: 128, 128>}, {pipeline_mode = #tpu.pipeline_mode<synchronous>, transform_indices = @transform_2, window_bounds = array<i64: 1, 128>}, {transform_indices = @transform_3, window_bounds = array<i64: 512, 128>}]} {
    %get3A = arith.constant 0 : index
    %get3A_0 = arith.constant 0 : index
    %get3A_1 = vector.load %arg1[%get3A, %get3A_0] : memref<512x128xf32, #tpu.memory_space<vmem>>, vector<512x128xf32>
    %get3A_2 = arith.constant 0 : index
    %get3A_3 = arith.constant 0 : index
    %get3A_4 = vector.load %arg2[%get3A_2, %get3A_3] : memref<128x128xf32, #tpu.memory_space<vmem>>, vector<128x128xf32>
    %dot_general3A = arith.constant dense<0.000000e+00> : vector<512x128xf32>
    %dot_general3A_5 = tpu.matmul %get3A_1, %get3A_4, %dot_general3A {dimension_numbers = #tpu.dot_dimension_numbers<[1], [0], [0], [1], [0, 0, 1, 1], [], []>, transpose_lhs_hint = false} : vector<512x128xf32>, vector<128x128xf32>, vector<512x128xf32> -> vector<512x128xf32>
    %get3A_6 = arith.constant 0 : index
    %get3A_7 = arith.constant 0 : index
    %get3A_8 = vector.load %arg3[%get3A_6, %get3A_7] : memref<1x128xf32, #tpu.memory_space<vmem>>, vector<1x128xf32>
    %add3A = vector.broadcast %get3A_8 : vector<1x128xf32> to vector<512x128xf32>
    %add3A_9 = arith.addf %dot_general3A_5, %add3A : vector<512x128xf32>
    %swap3A = arith.constant 0 : index
    %swap3A_10 = arith.constant 0 : index
    %swap3A_11 = vector.load %arg4[%swap3A, %swap3A_10] : memref<512x128xf32, #tpu.memory_space<vmem>>, vector<512x128xf32>
    tpu.vector_store %arg4[%swap3A, %swap3A_10], %add3A_9 {strides = array<i32>} : memref<512x128xf32, #tpu.memory_space<vmem>>, vector<512x128xf32>,
    return
  }
  func.func @transform_0(%arg0: i32) -> (i32, i32) {
    %c0_i32 = arith.constant 0 : i32
    %c0_i32_0 = arith.constant 0 : i32
    return %arg0, %c0_i32 : i32, i32
  }
  func.func @transform_1(%arg0: i32) -> (i32, i32) {
    %c0_i32 = arith.constant 0 : i32
    %c0_i32_0 = arith.constant 0 : i32
    %c0_i32_1 = arith.constant 0 : i32
    return %c0_i32, %c0_i32_0 : i32, i32
  }
  func.func @transform_2(%arg0: i32) -> (i32, i32) {
    %c0_i32 = arith.constant 0 : i32
    %c0_i32_0 = arith.constant 0 : i32
    %c0_i32_1 = arith.constant 0 : i32
    return %c0_i32, %c0_i32_0 : i32, i32
  }
  func.func @transform_3(%arg0: i32) -> (i32, i32) {
    %c0_i32 = arith.constant 0 : i32
    %c0_i32_0 = arith.constant 0 : i32
    return %arg0, %c0_i32 : i32, i32
  }
}

</mosaic_0001>

<sc_bundles>
// kernel: kernel.6.cloned.1.call-start
scs
__scs_entry_jumppad:
0x0: {  	(pc) =	sbr.rel $0x88, $3  }
0x1: {  	(tag) =	ssettag $0x0;
	lr =	simm.s32 $0x1  }
0x2: {  	[smem:$0x3F96] =	sst lr;
	_ =	strace $0xD0000000  }
0x3: {  	_ = 	snop  }
0x4: {  	_ = 	snop  }
0x5: {  	_ = 	snop  }
0x6: {  	_ = 	snop  }
0x7: {  	_ = 	snop  }
__scs_overlays_trampoline_lowered:
0x8: {  	[smem:$0x3FA5] =	sst s0  }
0x9: {  	[smem:$0x3FA6] =	sst s1  }
0xa: {  	[smem:$0x3FA7] =	sst s2  }
0xb: {  	[smem:$0x3FA8] =	sst s3  }
0xc: {  	[smem:$0x3FA9] =	sst s4  }
0xd: {  	[smem:$0x3FAA] =	sst s5  }
0xe: {  	[smem:$0x3FAB] =	sst s6  }
0xf: {  	[smem:$0x3FAC] =	sst s7  }
0x10: {  	[smem:$0x3FAD] =	sst s8  }
0x11: {  	[smem:$0x3FAE] =	sst s9;
	s0 =	simm.s32 @!p0 $0x0  }
0x12: {  	s1 =	sld [smem:$0x3F94];
	s0 =	simm.s32 @p0 $0x1  }
0x13: {  	[smem:$0x3FAF] =	sst s0;
	s0 =	simm.s32 @!p1 $0x0  }
0x14: {  	s2 =	sld [smem:$0x3F93];
	s0 =	simm.s32 @p1 $0x1  }
0x15: {  	[smem:$0x3FB0] =	sst s0;
	s0 =	simm.s32 @!p2 $0x0  }
0x16: {  	s3 =	sld [smem:$0x3FDB];
	s0 =	simm.s32 @p2 $0x1  }
0x17: {  	s4 =	simm.s32 $0x1BF5;
	[smem:$0x3FB2] =	sst s0  }
0x18: {  	s0 =	sld [smem:$0x3F95];
	_ =	swait.ge [sflag:s4], $0x0  }
0x19: {  	s7 =	sld [smem:$0x3F96]  }
0x1a: {  	s8 =	sadd.s32 $0xFFFFE003, lr  }
0x1b: {  	s9 =	sadd.s32 $0xFFFFFEF7, lr;
	s5 =	simm.s32 $0xFFFFFFFF;
	p2 =	slt.u32 s8, $0xFFFFF086  }
0x1c: {  	p1 =	slt.u32 s9, $0xF7A;
	s5 =	simm.s32 @!p2 $0x0  }
0x1d: {  	s5 =	simm.s32 @p1 $0x1;
	p0 =	seq.s32 s7, s2  }
0x1e: {  	s7 =	smul.u32 @!p0 $0xF7A, s2;
	p2 =	seq.s32 @!p0 s5, $0x0  }
0x1f: {  	s9 =	smul.u32 $0xF7A, s1;
	s8 =	simm.s32 @!p0 $0x1BF5;
	p2 =	por !p2, p0  }
0x20: {  	[sflag:s8] =	ssyncset.s32 @!p0 $0xFFFFF086;
	s6 =	sadd.s32 @!p0 s3, s7;
	s7 =	simm.s32 @!p0 $0x108  }
0x21: {  	s3 =	sadd.s32 s3, s9;
	s6 =	sadd.s32 @!p0 $0x88, s6;
	s7 =	simm.s32 @p2 $0x1082  }
0x22: {  	[simem:s7], [sflag:s8] =	dma.local @!p0 [hbm:s6], $0xF7A  }
0x23: {  	s9 =	sor.u32 $0xD0000000, s2;
	s6 =	simm.s32 $0x108;
	_ =	swait.ge @!p0 [sflag:s8], $0x0  }
0x24: {  	s3 =	sadd.s32 $0x88, s3;
	s6 =	simm.s32 @!p1 $0x1082;
	[sflag:s4] =	ssyncset.s32 $0xFFFFF086  }
0x25: {  	[simem:s6], [sflag:s4] =	dma.local [hbm:s3], $0xF7A  }
0x26: {  	[smem:$0x3F96] =	sst s1;
	(tag) =	ssettag s2;
	_ =	strace s9  }
0x27: {  	s1 =	sld [smem:$0x3FA6]  }
0x28: {  	s2 =	sld [smem:$0x3FA7]  }
0x29: {  	s4 =	sld [smem:$0x3FA9]  }
0x2a: {  	p0 =	seq.s32 s5, $0x0;
	s5 =	sld [smem:$0x3FAA]  }
0x2b: {  	s6 =	sld [smem:$0x3FAB]  }
0x2c: {  	s7 =	sld [smem:$0x3FAC]  }
0x2d: {  	s3 =	simm.s32 $0x108;
	s8 =	sld [smem:$0x3FAD]  }
0x2e: {  	s3 =	simm.s32 @!p0 $0x1082;
	s9 =	sld [smem:$0x3FAE]  }
0x2f: {  	lr =	sadd.s32 s0, s3;
	s0 =	sld [smem:$0x3FA5]  }
0x30: {  	s3 =	sld [smem:$0x3FA8]  }
0x31: {  	[smem:$0x3FB1] =	sst s10  }
0x32: {  	s10 =	sld [smem:$0x3FAF];
	_ =	sdelay $0x3  }
0x33: {  	p0 =	seq.s32 s10, $0x1;
	s10 =	sld [smem:$0x3FB1];
	_ =	sdelay $0x3  }
0x34: {  	[smem:$0x3FB1] =	sst s10  }
0x35: {  	s10 =	sld [smem:$0x3FB0];
	_ =	sdelay $0x3  }
0x36: {  	p1 =	seq.s32 s10, $0x1;
	s10 =	sld [smem:$0x3FB1];
	_ =	sdelay $0x3  }
0x37: {  	[smem:$0x3FB1] =	sst s10  }
0x38: {  	s10 =	sld [smem:$0x3FB2]  }
0x39: {  	_ = 	snop;
	(pc) =	sbr.ind lr, $3  }
0x3a: {  	_ = 	snop  }
0x3b: {  	_ = 	snop  }
0x3c: {  	p2 =	seq.s32 s10, $0x1;
	s10 =	sld [smem:$0x3FB1]  }
0x3d: {  	_ =	shalt  }
0x3e: {  	_ =	shalt  }
0x3f: {  	_ =	shalt  }
0x40: {  	_ =	shalt  }
0x41: {  	_ =	shalt  }
0x42: {  	_ =	shalt  }
0x43: {  	_ =	shalt  }
0x44: {  	_ =	shalt  }
0x45: {  	_ =	shalt  }
0x46: {  	_ =	shalt  }
0x47: {  	_ =	shalt  }
0x48: {  	_ =	shalt  }
0x49: {  	_ =	shalt  }
0x4a: {  	_ =	shalt  }
0x4b: {  	_ =	shalt  }
0x4c: {  	_ =	shalt  }
0x4d: {  	_ =	shalt  }
0x4e: {  	_ =	shalt  }
0x4f: {  	_ =	shalt  }
0x50: {  	_ =	shalt  }
0x51: {  	_ =	shalt  }
0x52: {  	_ =	shalt  }
0x53: {  	_ =	shalt  }
0x54: {  	_ =	shalt  }
0x55: {  	_ =	shalt  }
0x56: {  	_ =	shalt  }
0x57: {  	_ =	shalt  }
0x58: {  	_ =	shalt  }
0x59: {  	_ =	shalt  }
0x5a: {  	_ =	shalt  }
0x5b: {  	_ =	shalt  }
0x5c: {  	_ =	shalt  }
0x5d: {  	_ =	shalt  }
0x5e: {  	_ =	shalt  }
0x5f: {  	_ =	shalt  }
0x60: {  	_ =	shalt  }
0x61: {  	_ =	shalt  }
0x62: {  	_ =	shalt  }
0x63: {  	_ =	shalt  }
0x64: {  	_ =	shalt  }
0x65: {  	_ =	shalt  }
0x66: {  	_ =	shalt  }
0x67: {  	_ =	shalt  }
0x68: {  	_ =	shalt  }
0x69: {  	_ =	shalt  }
0x6a: {  	_ =	shalt  }
0x6b: {  	_ =	shalt  }
0x6c: {  	_ =	shalt  }
0x6d: {  	_ =	shalt  }
0x6e: {  	_ =	shalt  }
0x6f: {  	_ =	shalt  }
0x70: {  	_ =	shalt  }
0x71: {  	_ =	shalt  }
0x72: {  	_ =	shalt  }
0x73: {  	_ =	shalt  }
0x74: {  	_ =	shalt  }
0x75: {  	_ =	shalt  }
0x76: {  	_ =	shalt  }
0x77: {  	_ =	shalt  }
0x78: {  	_ =	shalt  }
0x79: {  	_ =	shalt  }
0x7a: {  	_ =	shalt  }
0x7b: {  	_ =	shalt  }
0x7c: {  	_ =	shalt  }
0x7d: {  	_ =	shalt  }
0x7e: {  	_ =	shalt  }
0x7f: {  	_ =	shalt  }
0x80: {  	_ =	shalt  }
0x81: {  	_ =	shalt  }
0x82: {  	_ =	shalt  }
0x83: {  	_ =	shalt  }
0x84: {  	_ =	shalt  }
0x85: {  	_ =	shalt  }
0x86: {  	_ =	shalt  }
0x87: {  	_ =	shalt  }
.Lfunc_end0:
.L_simem_size_0:
called_computation_lowered:
.L_overlay_start_0:
0x88: {  	s2 =	sld [smem:$0x3FD9]  }
0x89: {  	s3 =	sld [smem:$0x3FFE];
	_ =	sdelay $0x1  }
0x8a: {  	s1 =	srdreg.scid  }
0x8b: {  	s0 =	sand.u32 $0x1, s1  }
0x8c: {  	s16 =	sshll.u32 s0, $0xA;
	s2 =	sadd.s32 s3, s2  }
0x8d: {  	s2 =	sadd.s32 s2, s16  }
0x8e: {  	[smem:$0x3FBD] =	sst s2  }
0x8f: {  	_ = 	snop  }
0x90: {  	(tm) =	ssettm $0x1  }
0x91: {  	s17 =	sld [smem:$0x3FFB];
	_ =	sdelay $0x3  }
0x92: {  	_ =	strace s17  }
0x93: {  	s2 =	sld [smem:$0x3FFC];
	_ =	sdelay $0x3  }
0x94: {  	_ =	strace s2  }
0x95: {  	s2 =	sld [smem:$0x3FFD];
	_ =	sdelay $0x3  }
0x96: {  	_ =	strace s2  }
0x97: {  	_ =	strace $0x8FFFFFFF  }
0x98: {  	s18 =	sld [smem:$0x3FDB];
	_ =	sdelay $0x1  }
0x99: {  	s19 =	simm.s32 $_scs_section_size  }
0x9a: {  	s4 =	simm.s32 $_size__tile_overlayer_lowered;
	s5 =	simm.s32 $_tile_overlayer_lowered  }
0x9b: {  	s22 =	simm.s32 $0x1BFF;
	s21 =	sshll.u32 s5, $0x1;
	s2 =	sadd.s32 s19, s18  }
0x9c: {  	s6 =	simm.s32 $0x0;
	s20 =	sshll.u32 s4, $0x1;
	s4 =	sadd.s32 s21, s2  }
0x9d: {  	[timem:s6], [sflag:s22] =	dma.local [hbm:s4], s20  }
0x9e: {  	_ =	swait.ge [sflag:s22], s20  }
0x9f: {  	s3 =	ssub.s32 $0x0, s20;
	[sflag:s22] =	ssyncset.done $0x0  }
0xa0: {  	[sflag:s22] =	ssyncadd.s32 s3;
	_ =	sdelay $0x1  }
0xa1: {  	s23 =	simm.s32 $0x1B8B  }
0xa2: {  	_ =	swait.ge [sflag:s23], $0x1  }
0xa3: {  	[sflag:s23] =	ssyncset.done $0x0  }
0xa4: {  	s25 =	simm.s32 $0x1B8E;
	s24 =	sld [smem:$0x3FFE];
	[sflag:s23] =	ssyncadd.s32 $0xFFFFFFFF  }
0xa5: {  	s26 =	simm.s32 $execute0_lowered;
	[smem:$0x3FD2] =	sst s25  }
0xa6: {  	s4 =	sshll.u32 s26, $0x1;
	_ =	strace $0x80000046;
	[dreg:$0x1] =	wrdreg $0xFFFFFFFF  }
0xa7: {  	s28 =	simm.s32 $_size_execute0_lowered;
	s2 =	sadd.s32 s2, s4;
	[dreg:$0x0] =	wrdreg $0x0  }
0xa8: {  	s4 =	sshll.u32 s28, $0x1;
	[dreg:$0x2] =	wrdreg s2  }
0xa9: {  	[dreg:$0x3] =	wrdreg s4  }
0xaa: {  	[dreg:$0x4] =	wrdreg $0xC0  }
0xab: {  	_ =	task [dreg:s6], $0x5FFFF  }
0xac: {  	[dreg:$0x1] =	wrdreg $0xFFFFFFFF  }
0xad: {  	[dreg:$0x0] =	wrdreg $0x60  }
0xae: {  	[dreg:$0x2] =	wrdreg s24  }
0xaf: {  	[dreg:$0x3] =	wrdreg $0x0  }
0xb0: {  	[dreg:$0x4] =	wrdreg $0x9  }
0xb1: {  	_ =	task.clear_ibuf [dreg:s6], $0x5FFFF;
	_ =	strace $0x90000046  }
0xb2: {  	s29 =	simm.s32 $0x9;
	_ =	strace $0x80000048  }
0xb3: {  	_ =	swait.ge [sflag:s29], $0x1  }
0xb4: {  	[sflag:s29] =	ssyncadd.s32 $0xFFFFFFFF  }
0xb5: {  	_ =	strace $0x90000048  }
0xb6: {  	_ =	sfence  }
0xb7: {  	s30 =	sld [smem:$0x0];
	_ =	sdelay $0x2  }
0xb8: {  	s31 =	sshll.u32 s1, $0xD;
	s1 =	sshrl.u32 s1, $0x2  }
0xb9: {  	s3 =	sand.u32 $0x4000, s31;
	s1 =	sadd.s32 s1, s30  }
0xba: {  	s0 =	sor.u32 s3, s0;
	s1 =	sshll.u32 s1, $0x11  }
0xbb: {  	s0 =	sor.u32 s1, s0  }
0xbc: {  	s0 =	sadd.s32 $0x8F2B, s0  }
0xbd: {  	[sflag:s0] =	ssyncadd.remote.s32 $0x1  }
0xbe: {  	_ =	sfence.sel $0xFFFF  }
0xbf: {  	[dreg:$0x0] =	wrdreg $0xFFFFFFFF;
	(pc) =	sbr.abs _section_cstart, $3  }
0xc0: {  	[dreg:$0x1] =	wrdreg $0xFFFFFFFF  }
0xc1: {  	_ =	task.clear_ibuf [dreg:s6], $0x2FFFF;
	_ =	strace $0x9FFFFFFF  }
0xc2: {  	(tm) =	ssettm $0x7FFFFFFF  }
0xc3: {  	_ =	shalt  }
tec
execute0_lowered:
.L_overlay_start_1:
0x0: {  	(tag) =	ssettag $0x1  }
0x1: {  	v2 =	vimm.s32 $0x2020101  }
0x2: {  	v3 =	vimm.s32 $0x1;
	vm0 =	vcmask $0x2300;
	vm1 =	vcmask $0xF00  }
0x3: {  	vm8 =	vcmask $0x2B10;
	v5 =	vimm.s32 $0x5;
	v6 =	vimm.s32 $0x76543210  }
0x4: {  	vm9 =	vcmask $0x3310;
	vm10 =	vcmask $0x1700;
	v7 =	vimm.s32 $0xFEDCBA9  }
0x5: {  	v8 =	vimm.s32 $0x7;
	vm11 =	vcmask $0x3B18;
	vm12 =	vcmask $0x1F00  }
0x6: {  	vm13 =	vcmask $0x1B00;
	vm14 =	vcmask $0x3B20;
	v11 =	vlaneseq.u32  }
0x7: {  	s0 =	srdreg.scid;
	vm15 =	vcmask $0x1F10;
	v12 =	vimm.s32 $0x19181716;
	v13 =	vimm.s32 $0x302F2E2D  }
0x8: {  	s16 =	stileid.u32;
	s8 =	rddreg [dreg:$0x0];
	s19 =	simm.s32 $0x0;
	v14 =	vimm.s32 $0x34333231;
	v16 =	vimm.s32 $0x27262524;
	v17 =	vimm.s32 $0x2B2A2928  }
0x9: {  	s18 =	simm.s32 $0x1EA28;
	s28 =	simm.s32 $0x1FA90;
	s29 =	simm.s32 $0x1;
	v4 =	vunpack.c.0.s8.s32 v2;
	v2 =	vimm.f32 $0.0e+00;
	v3 =	vsel vm0, $0x0, v3  }
0xa: {  	s30 =	simm.s32 $0x4;
	s31 =	simm.s32 $0x1CE28;
	v5 =	vsel vm1, $0x3, v5;
	v6 =	vunpack.c.l.s4.s8 v6;
	v7 =	vunpack.c.l.s4.s8 v7;
	s5 =	smul.u32 $0x620, s16  }
0xb: {  	s2 =	sand.u32 $0x1, s0;
	s3 =	sand.u32 $0x7, s16;
	v9 =	vsel vm10, $0x5, v8;
	s10 =	smul.u32 $0x380, s16;
	v12 =	vunpack.c.0.s8.s32 v12;
	v13 =	vunpack.c.0.s8.s32 v13  }
0xc: {  	[smem:$0x7FF] =	sst s19;
	s20 =	smul.u32 $0x1880, s16;
	v14 =	vunpack.c.0.s8.s32 v14;
	v16 =	vunpack.c.0.s8.s32 v16;
	s3 =	sor.u32 $0x6200, s3;
	v6 =	vunpack.c.0.s8.s32 v6  }
0xd: {  	s4 =	sadd.s32 $0x800, s8;
	s6 =	sadd.s32 $0xC4000, s8;
	s21 =	smul.u32 $0x6E400, s16;
	v17 =	vunpack.c.0.s8.s32 v17;
	v1 =	vmov s3;
	v7 =	vunpack.c.0.s8.s32 v7  }
0xe: {  	s7 =	sadd.s32 $0xAB800, s8;
	p0 =	sne.s32 s16, $0x0;
	s1 =	smul.u32 $0x61A8, s2;
	v4 =	vnsel vm1, $0x3, v4;
	v10 =	vand.u32 $0xF, v6;
	v6 =	vsel vm11, $0x6, v9  }
0xf: {  	s0 =	simm.s32 $0x1E6A8;
	s9 =	smul.u32 $0x62000, s2;
	s2 =	ssub.s32 $0x2, s2;
	v9 =	vnsel vm12, $0x10, v10;
	v10 =	vand.u32 $0xF, v7;
	v7 =	vsel vm13, $0x6, v8  }
0x10: {  	s19 =	simm.s32 $0x1FB00;
	s3 =	sadd.s32 $0x19000, s8;
	s11 =	sshrl.u32 s2, $0x1;
	v8 =	vsel vm14, v10, v9;
	v9 =	vshrl.u32 v11, $0x3;
	v10 =	vimm.s32 $0x2221201F  }
0x11: {  	s22 =	sadd.s32 s6, s20;
	s23 =	sor.u32 $0x7, s20;
	s13 =	sor.u32 $0x2, s10;
	v11 =	vimm.s32 $0x15141312;
	v15 =	vmul.u32 $0x9, v9;
	v9 =	vimm.s32 $0x1E1D1C1B  }
0x12: {  	s14 =	sor.u32 $0x3, s10;
	s26 =	sshrl.u32 s21, $0x2;
	s21 =	simm.s32 $0x38;
	v10 =	vunpack.c.0.s8.s32 v10;
	v11 =	vunpack.c.0.s8.s32 v11;
	v9 =	vunpack.c.0.s8.s32 v9  }
0x13: {  	v5 =	vsel vm9, $0x4, v5;
	s10 =	simm.s32 $0x0;
	v0 =	vmov s1;
	v4 =	vsel vm8, $0x2, v4;
	s1 =	rddreg [dreg:$0x1];
	_ =	strace $0x80000047  }
0x14: {  	s8 =	sadd.s32 s9, s8;
	[dreg:$0x4] =	wrdreg s22;
	s9 =	sadd.s32 s7, s20;
	v9 =	vsel vm15, v10, v9;
	v10 =	vsel vm15, v12, v11;
	v11 =	vimm.s32 $0x4241403F  }
0x15: {  	s2 =	ssub.s32 s2, s11;
	s24 =	sadd.s32 s6, s23;
	[dreg:$0x5] =	wrdreg s9;
	v12 =	vsel vm15, v14, v13;
	v13 =	vsel vm15, v17, v16;
	v16 =	vimm.s32 $0x39383736  }
0x16: {  	s25 =	sadd.s32 s7, s23;
	s22 =	simm.s32 $0x1FE20;
	[dreg:$0x6] =	wrdreg s24;
	v17 =	vimm.s32 $0x3D3C3B3A;
	v14 =	vunpack.c.0.s8.s32 v11;
	v11 =	vimm.s32 $0x46454443  }
0x17: {  	s23 =	simm.s32 $0x1FAC8;
	s12 =	sadd.s32 $0x1B9000, s1;
	[dreg:$0x7] =	wrdreg s25;
	v16 =	vunpack.c.0.s8.s32 v16;
	v17 =	vunpack.c.0.s8.s32 v17;
	v18 =	vunpack.c.0.s8.s32 v11  }
0x18: {  	s15 =	sadd.s32 $0xDC800, s8;
	s2 =	smax.u32 s2, $0x1;
	s17 =	sadd.s32 s26, s1;
	v9 =	vcombine.low v10, v9;
	v10 =	vadd.s32 $0x8, v15;
	v11 =	vcombine.low v13, v12  }
0x19: {  	s24 =	simm.s32 $0x5;
	s26 =	simm.s32 $0x1FA20;
	[dreg:$0x3] =	wrdreg s12;
	v12 =	vadd.s32 $0x1A, v15;
	v16 =	vsel vm15, v17, v16;
	v14 =	vsel vm15, v18, v14  }
0x1a: {  	s8 =	simm.s32 $0x2;
	s9 =	simm.s32 $0x1FC20;
	[dreg:$0x8] =	wrdreg s2;
	v13 =	vadd.s32 $0x2C, v15;
	v15 =	vadd.s32 $0x3E, v15;
	v14 =	vcombine.low v16, v14  }
.LBB2_1:
0x1b: {  	s2 =	simm.s32 $0x0  }
0x1c: {  	[dreg:$0x9] =	wrdreg s10;
	s10 =	simm.s32 $0x120;
	[tilespmem:s2+$0x1EA48] =	vst v2  }
.LBB2_2:
0x1d: {  	p1 =	sne.s32 s10, $0x3DE0;
	[tilespmem:s2+$0x1EA38] =	vst v2;
	s11 =	smov.u32 s10;
	s10 =	sadd.s32 $0x120, s10  }
.Ltmp0:
0x1e: {  	[tilespmem:s2+$0x1EA58] =	vst v2;
	(pc) =	sbr.rel @p1 .LBB2_2-.Ltmp0, $4  }
0x1f: {  	[tilespmem:s2+$0x1EA60] =	vst v2  }
0x20: {  	[tilespmem:s2+$0x1EA28] =	vst v2  }
0x21: {  	s2 =	sshra.s32 s11, $0x2  }
0x22: {  	[tilespmem:s2+$0x1EA48] =	vst v2  }
0x23: {  	[tilespmem:s2+$0x1EA38] =	vst v2  }
0x24: {  	[tilespmem:s2+$0x1EA58] =	vst v2  }
0x25: {  	[tilespmem:s2+$0x1EA28] =	vst v2  }
0x26: {  	s25 =	sadd.s32 $0x0, s17;
	[tilespmem:s2+$0x1EA60] =	vst v2  }
0x27: {  	[spmem:s25] =	stream.linear.scatter [tilespmem:s18], [sflag:$0x5], $0xFC0, $0x38;
	[tilespmem:$0x1FE30] =	vst v63  }
0x28: {  	s2 =	simm.s32 $0x3F00;
	_ =	swait.ge [sflag:s24], $0xFC0  }
.LBB2_4:
0x29: {  	s10 =	sshra.s32 s2, $0x2;
	[sflag:s24] =	ssyncset.done $0x0;
	p1 =	sne.s32 s2, $0x6A500  }
.Ltmp1:
0x2a: {  	s10 =	sadd.s32 s10, s17;
	[sflag:s24] =	ssyncadd.s32 $0xFFFFF040;
	(pc) =	sbr.rel @p1 .LBB2_4-.Ltmp1, $3  }
0x2b: {  	[spmem:s10] =	stream.linear.scatter [tilespmem:s18], [sflag:$0x5], $0xFC0, $0x38;
	[tilespmem:$0x1FE30] =	vst v63  }
0x2c: {  	s2 =	sadd.s32 $0x3F00, s2;
	_ =	sdelay $0x1  }
0x2d: {  	_ =	swait.ge [sflag:s24], $0xFC0  }
0x2e: {  	[sflag:s24] =	ssyncset.done $0x0  }
0x2f: {  	s2 =	simm.s32 @!p0 $0x1EA28;
	s10 =	rddreg [dreg:$0x3];
	[sflag:s24] =	ssyncadd.s32 $0xFFFFF040  }
0x30: {  	[spmem:s10] =	stream.linear.scatter @!p0 [tilespmem:s2], [sflag:$0x5], $0x240, $0x38;
	[tilespmem:$0x1FE30] =	vst v63  }
0x31: {  	s2 =	simm.s32 @!p0 $0x5  }
0x32: {  	_ =	swait.ge @!p0 [sflag:s2], $0x240  }
0x33: {  	[sflag:s2] =	ssyncset.done @!p0 $0x0  }
0x34: {  	[sflag:s2] =	ssyncadd.s32 @!p0 $0xFFFFFDC0  }
0x35: {  	[bflag:$0x0] =	sbarrier.arrive $0xFFFF  }
0x36: {  	s11 =	simm.s32 $0x1F9E8;
	s10 =	simm.s32 $0x0;
	s12 =	rddreg [dreg:$0x4]  }
0x37: {  	[tilespmem:s11], [sflag:$0x3] =	stream.linear.gather [hbm4b:s12+s10], $0x38, $0x38;
	[tilespmem:$0x1FE30] =	vst v63  }
0x38: {  	s20 =	simm.s32 $0x3;
	s16 =	rddreg [dreg:$0x5];
	s12 =	simm.s32 $0x1FA58  }
0x39: {  	[tilespmem:s12], [sflag:$0x3] =	stream.linear.gather [hbm4b:s16+s10], $0x38, $0x38;
	[tilespmem:$0x1FE30] =	vst v63  }
0x3a: {  	_ =	swait.ge [sflag:s20], $0x38  }
0x3b: {  	[sflag:s20] =	ssyncset.done $0x0  }
0x3c: {  	[sflag:s20] =	ssyncadd.s32 $0xFFFFFFC8  }
0x3d: {  	_ =	swait.ge [sflag:s20], $0x38  }
0x3e: {  	[sflag:s20] =	ssyncset.done $0x0  }
0x3f: {  	s25 =	simm.s32 $0x1B928;
	[sflag:s20] =	ssyncadd.s32 $0xFFFFFFC8  }
0x40: {  	[tilespmem:s25], [sflag:$0x1] =	stream.indirect.gather [hbm4b:s3+s21], $0x60, s11, s21, $0xb8;
	[tilespmem:$0x1FE30] =	vst v63  }
0x41: {  	s16 =	simm.s32 $0x1E328  }
0x42: {  	[tilespmem:s16], [sflag:$0x1] =	stream.indirect.gather [hbm4b:s4+s21], $0x10, s12, s21, $0xb8;
	[tilespmem:$0x1FE30] =	vst v63  }
0x43: {  	s20 =	rddreg [dreg:$0x6]  }
0x44: {  	[tilespmem:s26], [sflag:$0x4] =	stream.linear.gather [hbm4b:s20+s10], $0x38, $0x38;
	[tilespmem:$0x1FE30] =	vst v63  }
0x45: {  	s25 =	rddreg [dreg:$0x7]  }
0x46: {  	[tilespmem:s28], [sflag:$0x4] =	stream.linear.gather [hbm4b:s25+s10], $0x38, $0x38;
	[tilespmem:$0x1FE30] =	vst v63  }
.LBB2_6:
0x47: {  	_ =	swait.ge [sflag:s29], $0x1500  }
0x48: {  	[sflag:s29] =	ssyncset.done $0x0  }
0x49: {  	[sflag:s29] =	ssyncadd.s32 $0xFFFFEB00  }
0x4a: {  	_ =	swait.ge [sflag:s29], $0x380  }
0x4b: {  	[sflag:s29] =	ssyncset.done $0x0  }
0x4c: {  	[sflag:s29] =	ssyncadd.s32 $0xFFFFFC80  }
0x4d: {  	v16 =	vld [tilespmem:$0x1FA58]  }
0x4e: {  	v17 =	vld [tilespmem:$0x1FA68]  }
0x4f: {  	v18 =	vld [tilespmem:$0x1FA78]  }
0x50: {  	v19 =	vld [tilespmem:$0x1FA80];
	_ =	sdelay $0x1  }
0x51: {  	v16 =	vsub.s32 v16, v0  }
0x52: {  	v17 =	vsub.s32 v17, v0;
	vm0 =	vlt.u32 v16, $0x61A8  }
0x53: {  	s11 =	sshll.u32 s10, $0x1;
	p1 =	seq.s32 s10, $0x1BF;
	v18 =	vsub.s32 v18, v0;
	vm13 =	vlt.u32 v17, $0x61A8;
	v16 =	vsel vm0, v16, v1  }
0x54: {  	s2 =	sadd.s32 @!p1 s11, s13;
	vm14 =	vlt.u32 v18, $0x61A8;
	[tilespmem:$0x1FAC8] =	vst v16;
	v16 =	vsel vm13, v17, v1;
	v17 =	vsub.s32 v19, v0  }
0x55: {  	s2 =	smul.u32 @!p1 $0x7, s2;
	[tilespmem:$0x1FAD8] =	vst v16;
	v16 =	vsel vm14, v18, v1;
	vm15 =	vlt.u32 v17, $0x61A8  }
0x56: {  	[tilespmem:$0x1FAE8] =	vst v16;
	v16 =	vsel vm15, v17, v1  }
0x57: {  	s16 =	simm.s32 @!p1 $0x0;
	s20 =	simm.s32 @!p1 $0x1F9E8;
	s12 =	sadd.s32 @!p1 s6, s2;
	[tilespmem:$0x1FAF0] =	vst v16  }
0x58: {  	[tilespmem:s20], [sflag:$0x3] =	stream.linear.gather @!p1 [hbm4b:s12+s16], $0x38, $0x38;
	[tilespmem:$0x1FE30] =	vst v63  }
0x59: {  	s2 =	sadd.s32 @!p1 s7, s2;
	s12 =	simm.s32 @!p1 $0x1FA58  }
0x5a: {  	[tilespmem:s12], [sflag:$0x3] =	stream.linear.gather @!p1 [hbm4b:s2+s16], $0x38, $0x38;
	[tilespmem:$0x1FE30] =	vst v63  }
0x5b: {  	_ =	swait.ge [sflag:s30], $0x38  }
0x5c: {  	[sflag:s30] =	ssyncset.done $0x0  }
0x5d: {  	[sflag:s30] =	ssyncadd.s32 $0xFFFFFFC8  }
0x5e: {  	_ =	swait.ge [sflag:s30], $0x38  }
0x5f: {  	[sflag:s30] =	ssyncset.done $0x0  }
0x60: {  	[sflag:s30] =	ssyncadd.s32 $0xFFFFFFC8  }
0x61: {  	[tilespmem:s31], [sflag:$0x2] =	stream.indirect.gather [hbm4b:s3+s21], $0x60, s26, s21, $0xb8;
	[tilespmem:$0x1FE30] =	vst v63  }
0x62: {  	s12 =	simm.s32 $0x1B9E8  }
0x63: {  	[tilespmem:s0], [sflag:$0x2] =	stream.indirect.gather [hbm4b:s4+s21], $0x10, s28, s21, $0xb8;
	[tilespmem:$0x1FE30] =	vst v63  }
0x64: {  	s16 =	simm.s32 $0x1E348;
	v16 =	vld [tilespmem:s12+$0xFFFFFF88]  }
0x65: {  	v17 =	vld [tilespmem:s16+$0xFFFFFFE0];
	_ =	sdelay $0x4  }
0x66: {  	v16 =	vadd.f32 v17, v16;
	_ =	sdelay $0x1  }
0x67: {  	v17 =	vmul.f32 $2.000000030e-01, v16;
	_ =	sdelay $0x1  }
0x68: {  	v16 =	vmax.f32 v16, v17  }
0x69: {  	v16 =	vmul.f32 $1.442695020e+00, v16;
	_ =	sdelay $0x1  }
0x6a: {  	(erf) = vpow2.f32 v16;
	_ =	sdelay $0x8  }
0x6b: {  	v16 =	vpop (erf)  }
0x6c: {  	[tilespmem:$0x1FE20] =	vst v16  }
0x6d: {  	v16 =	vld.idx.msk [tilespmem:v3+s22+$0x0], $0xffff  }
0x6e: {  	v17 =	vld [tilespmem:s12+$0xFFFFFF40];
	_ =	sdelay $0x4  }
0x6f: {  	v16 =	vmul.f32 v16, v17  }
0x70: {  	s25 =	simm.s32 $0x1EAB8  }
0x71: {  	[tilespmem:s25+$0xFFFFFF70] =	vst v16  }
0x72: {  	v16 =	vld.idx.msk [tilespmem:v4+s22+$0x0], $0xffff  }
0x73: {  	v17 =	vld [tilespmem:s12+$0xFFFFFF50];
	_ =	sdelay $0x4  }
0x74: {  	v16 =	vmul.f32 v16, v17;
	_ =	sdelay $0x1  }
0x75: {  	[tilespmem:s25+$0xFFFFFF80] =	vst v16  }
0x76: {  	v16 =	vld.idx.msk [tilespmem:v5+s22+$0x0], $0xffff  }
0x77: {  	v17 =	vld [tilespmem:s12+$0xFFFFFF60];
	_ =	sdelay $0x4  }
0x78: {  	v16 =	vmul.f32 v16, v17;
	_ =	sdelay $0x1  }
0x79: {  	[tilespmem:s25+$0xFFFFFF90] =	vst v16  }
0x7a: {  	v16 =	vld.idx.msk [tilespmem:v6+s22+$0x0], $0xffff  }
0x7b: {  	v17 =	vld [tilespmem:s12+$0xFFFFFF70];
	_ =	sdelay $0x4  }
0x7c: {  	v16 =	vmul.f32 v16, v17;
	_ =	sdelay $0x1  }
0x7d: {  	[tilespmem:s25+$0xFFFFFFA0] =	vst v16  }
0x7e: {  	v16 =	vld.idx.msk [tilespmem:v7+s22+$0x0], $0xffff  }
0x7f: {  	v17 =	vld [tilespmem:s12+$0xFFFFFF78];
	_ =	sdelay $0x4  }
0x80: {  	v16 =	vmul.f32 v16, v17;
	_ =	sdelay $0x1  }
0x81: {  	[tilespmem:s25+$0xFFFFFFA8] =	vst v16  }
0x82: {  	v16 =	vld [tilespmem:s12+$0xFFFFFFE8]  }
0x83: {  	v17 =	vld [tilespmem:s16+$0xFFFFFFF0];
	_ =	sdelay $0x4  }
0x84: {  	v16 =	vadd.f32 v17, v16;
	_ =	sdelay $0x1  }
0x85: {  	v17 =	vmul.f32 $2.000000030e-01, v16;
	_ =	sdelay $0x1  }
0x86: {  	v16 =	vmax.f32 v16, v17  }
0x87: {  	v16 =	vmul.f32 $1.442695020e+00, v16;
	_ =	sdelay $0x1  }
0x88: {  	(erf) = vpow2.f32 v16;
	_ =	sdelay $0x8  }
0x89: {  	v16 =	vpop (erf)  }
0x8a: {  	[tilespmem:$0x1FE20] =	vst v16  }
0x8b: {  	v16 =	vld.idx.msk [tilespmem:v3+s22+$0x0], $0xffff  }
0x8c: {  	v17 =	vld [tilespmem:s12+$0xFFFFFFA0];
	_ =	sdelay $0x4  }
0x8d: {  	v16 =	vmul.f32 v16, v17;
	_ =	sdelay $0x1  }
0x8e: {  	[tilespmem:s25+$0xFFFFFFB8] =	vst v16  }
0x8f: {  	v16 =	vld.idx.msk [tilespmem:v4+s22+$0x0], $0xffff  }
0x90: {  	v17 =	vld [tilespmem:s12+$0xFFFFFFB0];
	_ =	sdelay $0x4  }
0x91: {  	v16 =	vmul.f32 v16, v17;
	_ =	sdelay $0x1  }
0x92: {  	[tilespmem:s25+$0xFFFFFFC8] =	vst v16  }
0x93: {  	v16 =	vld.idx.msk [tilespmem:v5+s22+$0x0], $0xffff  }
0x94: {  	v17 =	vld [tilespmem:s12+$0xFFFFFFC0];
	_ =	sdelay $0x4  }
0x95: {  	v16 =	vmul.f32 v16, v17;
	_ =	sdelay $0x1  }
0x96: {  	[tilespmem:s25+$0xFFFFFFD8] =	vst v16  }
0x97: {  	v16 =	vld.idx.msk [tilespmem:v6+s22+$0x0], $0xffff  }
0x98: {  	v17 =	vld [tilespmem:s12+$0xFFFFFFD0];
	_ =	sdelay $0x4  }
0x99: {  	v16 =	vmul.f32 v16, v17;
	_ =	sdelay $0x1  }
0x9a: {  	[tilespmem:s25+$0xFFFFFFE8] =	vst v16  }
0x9b: {  	v16 =	vld.idx.msk [tilespmem:v7+s22+$0x0], $0xffff  }
0x9c: {  	v17 =	vld [tilespmem:s12+$0xFFFFFFD8];
	_ =	sdelay $0x4  }
0x9d: {  	v16 =	vmul.f32 v16, v17;
	_ =	sdelay $0x1  }
0x9e: {  	[tilespmem:s25+$0xFFFFFFF0] =	vst v16  }
0x9f: {  	v16 =	vld [tilespmem:s12+$0x48]  }
0xa0: {  	v17 =	vld [tilespmem:s16+$0x0];
	_ =	sdelay $0x4  }
0xa1: {  	v16 =	vadd.f32 v17, v16;
	_ =	sdelay $0x1  }
0xa2: {  	v17 =	vmul.f32 $2.000000030e-01, v16;
	_ =	sdelay $0x1  }
0xa3: {  	v16 =	vmax.f32 v16, v17  }
0xa4: {  	v16 =	vmul.f32 $1.442695020e+00, v16;
	_ =	sdelay $0x1  }
0xa5: {  	(erf) = vpow2.f32 v16;
	_ =	sdelay $0x8  }
0xa6: {  	v16 =	vpop (erf)  }
0xa7: {  	[tilespmem:$0x1FE20] =	vst v16  }
0xa8: {  	v16 =	vld.idx.msk [tilespmem:v3+s22+$0x0], $0xffff  }
0xa9: {  	v17 =	vld [tilespmem:s12+$0x0];
	_ =	sdelay $0x4  }
0xaa: {  	v16 =	vmul.f32 v16, v17;
	_ =	sdelay $0x1  }
0xab: {  	[tilespmem:s25+$0x0] =	vst v16  }
0xac: {  	v16 =	vld.idx.msk [tilespmem:v4+s22+$0x0], $0xffff  }
0xad: {  	v17 =	vld [tilespmem:s12+$0x10];
	_ =	sdelay $0x4  }
0xae: {  	v16 =	vmul.f32 v16, v17;
	_ =	sdelay $0x1  }
0xaf: {  	[tilespmem:s25+$0x10] =	vst v16  }
0xb0: {  	v16 =	vld.idx.msk [tilespmem:v5+s22+$0x0], $0xffff  }
0xb1: {  	v17 =	vld [tilespmem:s12+$0x20];
	_ =	sdelay $0x4  }
0xb2: {  	v16 =	vmul.f32 v16, v17;
	_ =	sdelay $0x1  }
0xb3: {  	[tilespmem:s25+$0x20] =	vst v16  }
0xb4: {  	v16 =	vld.idx.msk [tilespmem:v6+s22+$0x0], $0xffff  }
0xb5: {  	v17 =	vld [tilespmem:s12+$0x30];
	_ =	sdelay $0x4  }
0xb6: {  	v16 =	vmul.f32 v16, v17;
	_ =	sdelay $0x1  }
0xb7: {  	[tilespmem:s25+$0x30] =	vst v16  }
0xb8: {  	v16 =	vld.idx.msk [tilespmem:v7+s22+$0x0], $0xffff  }
0xb9: {  	v17 =	vld [tilespmem:s12+$0x38];
	_ =	sdelay $0x4  }
0xba: {  	v16 =	vmul.f32 v16, v17;
	_ =	sdelay $0x1  }
0xbb: {  	[tilespmem:s25+$0x38] =	vst v16  }
0xbc: {  	v16 =	vld [tilespmem:s12+$0xA8]  }
0xbd: {  	v17 =	vld [tilespmem:s16+$0x10];
	_ =	sdelay $0x4  }
0xbe: {  	v16 =	vadd.f32 v17, v16;
	_ =	sdelay $0x1  }
0xbf: {  	v17 =	vmul.f32 $2.000000030e-01, v16;
	_ =	sdelay $0x1  }
0xc0: {  	v16 =	vmax.f32 v16, v17  }
0xc1: {  	v16 =	vmul.f32 $1.442695020e+00, v16;
	_ =	sdelay $0x1  }
0xc2: {  	(erf) = vpow2.f32 v16;
	_ =	sdelay $0x8  }
0xc3: {  	v16 =	vpop (erf)  }
0xc4: {  	[tilespmem:$0x1FE20] =	vst v16  }
0xc5: {  	v16 =	vld.idx.msk [tilespmem:v3+s22+$0x0], $0xffff  }
0xc6: {  	v17 =	vld [tilespmem:s12+$0x60];
	_ =	sdelay $0x4  }
0xc7: {  	v16 =	vmul.f32 v16, v17;
	_ =	sdelay $0x1  }
0xc8: {  	[tilespmem:s25+$0x48] =	vst v16  }
0xc9: {  	v16 =	vld.idx.msk [tilespmem:v4+s22+$0x0], $0xffff  }
0xca: {  	v17 =	vld [tilespmem:s12+$0x70];
	_ =	sdelay $0x4  }
0xcb: {  	v16 =	vmul.f32 v16, v17;
	_ =	sdelay $0x1  }
0xcc: {  	[tilespmem:s25+$0x58] =	vst v16  }
0xcd: {  	v16 =	vld.idx.msk [tilespmem:v5+s22+$0x0], $0xffff  }
0xce: {  	v17 =	vld [tilespmem:s12+$0x80];
	_ =	sdelay $0x4  }
0xcf: {  	v16 =	vmul.f32 v16, v17;
	_ =	sdelay $0x1  }
0xd0: {  	[tilespmem:s25+$0x68] =	vst v16  }
0xd1: {  	v16 =	vld.idx.msk [tilespmem:v6+s22+$0x0], $0xffff  }
0xd2: {  	v17 =	vld [tilespmem:s12+$0x90];
	_ =	sdelay $0x4  }
0xd3: {  	v16 =	vmul.f32 v16, v17;
	_ =	sdelay $0x1  }
0xd4: {  	[tilespmem:s25+$0x78] =	vst v16  }
0xd5: {  	v16 =	vld.idx.msk [tilespmem:v7+s22+$0x0], $0xffff  }
0xd6: {  	v17 =	vld [tilespmem:s12+$0x98];
	_ =	sdelay $0x2  }
0xd7: {  	s20 =	simm.s32 $0x0;
	s2 =	simm.s32 $0x1EBD8  }
.LBB2_7:
0xd8: {  	s20 =	sadd.s32 $0x4, s20;
	s16 =	sadd.s32 $0x40, s16;
	s12 =	sadd.s32 $0x180, s12  }
0xd9: {  	p2 =	slt.u32 s20, $0x34;
	v16 =	vmul.f32 v16, v17;
	_ =	sdelay $0x1  }
0xda: {  	[tilespmem:s25+$0x80] =	vst v16;
	s25 =	smov.u32 s2  }
0xdb: {  	v16 =	vld [tilespmem:s12+$0xFFFFFF88]  }
0xdc: {  	v17 =	vld [tilespmem:s16+$0xFFFFFFE0];
	_ =	sdelay $0x4  }
0xdd: {  	v16 =	vadd.f32 v17, v16;
	_ =	sdelay $0x1  }
0xde: {  	v17 =	vmul.f32 $2.000000030e-01, v16;
	_ =	sdelay $0x1  }
0xdf: {  	v16 =	vmax.f32 v16, v17  }
0xe0: {  	v16 =	vmul.f32 $1.442695020e+00, v16;
	_ =	sdelay $0x1  }
0xe1: {  	(erf) = vpow2.f32 v16;
	_ =	sdelay $0x8  }
0xe2: {  	v16 =	vpop (erf)  }
0xe3: {  	[tilespmem:$0x1FE20] =	vst v16  }
0xe4: {  	v16 =	vld.idx.msk [tilespmem:v3+s22+$0x0], $0xffff  }
0xe5: {  	v17 =	vld [tilespmem:s12+$0xFFFFFF40];
	_ =	sdelay $0x4  }
0xe6: {  	v16 =	vmul.f32 v16, v17;
	_ =	sdelay $0x1  }
0xe7: {  	[tilespmem:s2+$0xFFFFFF70] =	vst v16  }
0xe8: {  	v16 =	vld.idx.msk [tilespmem:v4+s22+$0x0], $0xffff  }
0xe9: {  	v17 =	vld [tilespmem:s12+$0xFFFFFF50];
	_ =	sdelay $0x4  }
0xea: {  	v16 =	vmul.f32 v16, v17;
	_ =	sdelay $0x1  }
0xeb: {  	[tilespmem:s2+$0xFFFFFF80] =	vst v16  }
0xec: {  	v16 =	vld.idx.msk [tilespmem:v5+s22+$0x0], $0xffff  }
0xed: {  	v17 =	vld [tilespmem:s12+$0xFFFFFF60];
	_ =	sdelay $0x4  }
0xee: {  	v16 =	vmul.f32 v16, v17;
	_ =	sdelay $0x1  }
0xef: {  	[tilespmem:s2+$0xFFFFFF90] =	vst v16  }
0xf0: {  	v16 =	vld.idx.msk [tilespmem:v6+s22+$0x0], $0xffff  }
0xf1: {  	v17 =	vld [tilespmem:s12+$0xFFFFFF70];
	_ =	sdelay $0x4  }
0xf2: {  	v16 =	vmul.f32 v16, v17;
	_ =	sdelay $0x1  }
0xf3: {  	[tilespmem:s2+$0xFFFFFFA0] =	vst v16  }
0xf4: {  	v16 =	vld.idx.msk [tilespmem:v7+s22+$0x0], $0xffff  }
0xf5: {  	v17 =	vld [tilespmem:s12+$0xFFFFFF78];
	_ =	sdelay $0x4  }
0xf6: {  	v16 =	vmul.f32 v16, v17;
	_ =	sdelay $0x1  }
0xf7: {  	[tilespmem:s2+$0xFFFFFFA8] =	vst v16  }
0xf8: {  	v16 =	vld [tilespmem:s12+$0xFFFFFFE8]  }
0xf9: {  	v17 =	vld [tilespmem:s16+$0xFFFFFFF0];
	_ =	sdelay $0x4  }
0xfa: {  	v16 =	vadd.f32 v17, v16;
	_ =	sdelay $0x1  }
0xfb: {  	v17 =	vmul.f32 $2.000000030e-01, v16;
	_ =	sdelay $0x1  }
0xfc: {  	v16 =	vmax.f32 v16, v17  }
0xfd: {  	v16 =	vmul.f32 $1.442695020e+00, v16;
	_ =	sdelay $0x1  }
0xfe: {  	(erf) = vpow2.f32 v16;
	_ =	sdelay $0x8  }
0xff: {  	v16 =	vpop (erf)  }
0x100: {  	[tilespmem:$0x1FE20] =	vst v16  }
0x101: {  	v16 =	vld.idx.msk [tilespmem:v3+s22+$0x0], $0xffff  }
0x102: {  	v17 =	vld [tilespmem:s12+$0xFFFFFFA0];
	_ =	sdelay $0x4  }
0x103: {  	v16 =	vmul.f32 v16, v17;
	_ =	sdelay $0x1  }
0x104: {  	[tilespmem:s2+$0xFFFFFFB8] =	vst v16  }
0x105: {  	v16 =	vld.idx.msk [tilespmem:v4+s22+$0x0], $0xffff  }
0x106: {  	v17 =	vld [tilespmem:s12+$0xFFFFFFB0];
	_ =	sdelay $0x4  }
0x107: {  	v16 =	vmul.f32 v16, v17;
	_ =	sdelay $0x1  }
0x108: {  	[tilespmem:s2+$0xFFFFFFC8] =	vst v16  }
0x109: {  	v16 =	vld.idx.msk [tilespmem:v5+s22+$0x0], $0xffff  }
0x10a: {  	v17 =	vld [tilespmem:s12+$0xFFFFFFC0];
	_ =	sdelay $0x4  }
0x10b: {  	v16 =	vmul.f32 v16, v17;
	_ =	sdelay $0x1  }
0x10c: {  	[tilespmem:s2+$0xFFFFFFD8] =	vst v16  }
0x10d: {  	v16 =	vld.idx.msk [tilespmem:v6+s22+$0x0], $0xffff  }
0x10e: {  	v17 =	vld [tilespmem:s12+$0xFFFFFFD0];
	_ =	sdelay $0x4  }
0x10f: {  	v16 =	vmul.f32 v16, v17;
	_ =	sdelay $0x1  }
0x110: {  	[tilespmem:s2+$0xFFFFFFE8] =	vst v16  }
0x111: {  	v16 =	vld.idx.msk [tilespmem:v7+s22+$0x0], $0xffff  }
0x112: {  	v17 =	vld [tilespmem:s12+$0xFFFFFFD8];
	_ =	sdelay $0x4  }
0x113: {  	v16 =	vmul.f32 v16, v17;
	_ =	sdelay $0x1  }
0x114: {  	[tilespmem:s2+$0xFFFFFFF0] =	vst v16  }
0x115: {  	v16 =	vld [tilespmem:s12+$0x48]  }
0x116: {  	v17 =	vld [tilespmem:s16+$0x0];
	_ =	sdelay $0x4  }
0x117: {  	v16 =	vadd.f32 v17, v16;
	_ =	sdelay $0x1  }
0x118: {  	v17 =	vmul.f32 $2.000000030e-01, v16;
	_ =	sdelay $0x1  }
0x119: {  	v16 =	vmax.f32 v16, v17  }
0x11a: {  	v16 =	vmul.f32 $1.442695020e+00, v16;
	_ =	sdelay $0x1  }
0x11b: {  	(erf) = vpow2.f32 v16;
	_ =	sdelay $0x8  }
0x11c: {  	v16 =	vpop (erf)  }
0x11d: {  	[tilespmem:$0x1FE20] =	vst v16  }
0x11e: {  	v16 =	vld.idx.msk [tilespmem:v3+s22+$0x0], $0xffff  }
0x11f: {  	v17 =	vld [tilespmem:s12+$0x0];
	_ =	sdelay $0x4  }
0x120: {  	v16 =	vmul.f32 v16, v17;
	_ =	sdelay $0x1  }
0x121: {  	[tilespmem:s2+$0x0] =	vst v16  }
0x122: {  	v16 =	vld.idx.msk [tilespmem:v4+s22+$0x0], $0xffff  }
0x123: {  	v17 =	vld [tilespmem:s12+$0x10];
	_ =	sdelay $0x4  }
0x124: {  	v16 =	vmul.f32 v16, v17;
	_ =	sdelay $0x1  }
0x125: {  	[tilespmem:s2+$0x10] =	vst v16  }
0x126: {  	v16 =	vld.idx.msk [tilespmem:v5+s22+$0x0], $0xffff  }
0x127: {  	v17 =	vld [tilespmem:s12+$0x20];
	_ =	sdelay $0x4  }
0x128: {  	v16 =	vmul.f32 v16, v17;
	_ =	sdelay $0x1  }
0x129: {  	[tilespmem:s2+$0x20] =	vst v16  }
0x12a: {  	v16 =	vld.idx.msk [tilespmem:v6+s22+$0x0], $0xffff  }
0x12b: {  	v17 =	vld [tilespmem:s12+$0x30];
	_ =	sdelay $0x4  }
0x12c: {  	v16 =	vmul.f32 v16, v17;
	_ =	sdelay $0x1  }
0x12d: {  	[tilespmem:s2+$0x30] =	vst v16  }
0x12e: {  	v16 =	vld.idx.msk [tilespmem:v7+s22+$0x0], $0xffff  }
0x12f: {  	v17 =	vld [tilespmem:s12+$0x38];
	_ =	sdelay $0x4  }
0x130: {  	v16 =	vmul.f32 v16, v17;
	_ =	sdelay $0x1  }
0x131: {  	[tilespmem:s2+$0x38] =	vst v16  }
0x132: {  	v16 =	vld [tilespmem:s12+$0xA8]  }
0x133: {  	v17 =	vld [tilespmem:s16+$0x10];
	_ =	sdelay $0x4  }
0x134: {  	v16 =	vadd.f32 v17, v16;
	_ =	sdelay $0x1  }
0x135: {  	v17 =	vmul.f32 $2.000000030e-01, v16;
	_ =	sdelay $0x1  }
0x136: {  	v16 =	vmax.f32 v16, v17  }
0x137: {  	v16 =	vmul.f32 $1.442695020e+00, v16;
	_ =	sdelay $0x1  }
0x138: {  	(erf) = vpow2.f32 v16;
	_ =	sdelay $0x8  }
0x139: {  	v16 =	vpop (erf)  }
0x13a: {  	[tilespmem:$0x1FE20] =	vst v16  }
0x13b: {  	v16 =	vld.idx.msk [tilespmem:v3+s22+$0x0], $0xffff  }
0x13c: {  	v17 =	vld [tilespmem:s12+$0x60];
	_ =	sdelay $0x4  }
0x13d: {  	v16 =	vmul.f32 v16, v17;
	_ =	sdelay $0x1  }
0x13e: {  	[tilespmem:s2+$0x48] =	vst v16  }
0x13f: {  	v16 =	vld.idx.msk [tilespmem:v4+s22+$0x0], $0xffff  }
0x140: {  	v17 =	vld [tilespmem:s12+$0x70];
	_ =	sdelay $0x4  }
0x141: {  	v16 =	vmul.f32 v16, v17;
	_ =	sdelay $0x1  }
0x142: {  	[tilespmem:s2+$0x58] =	vst v16  }
0x143: {  	v16 =	vld.idx.msk [tilespmem:v5+s22+$0x0], $0xffff  }
0x144: {  	v17 =	vld [tilespmem:s12+$0x80];
	_ =	sdelay $0x4  }
0x145: {  	v16 =	vmul.f32 v16, v17;
	_ =	sdelay $0x1  }
0x146: {  	[tilespmem:s2+$0x68] =	vst v16  }
0x147: {  	v16 =	vld.idx.msk [tilespmem:v6+s22+$0x0], $0xffff  }
0x148: {  	v17 =	vld [tilespmem:s12+$0x90];
	_ =	sdelay $0x4  }
0x149: {  	v16 =	vmul.f32 v16, v17;
	_ =	sdelay $0x1  }
0x14a: {  	[tilespmem:s2+$0x78] =	vst v16  }
.Ltmp2:
0x14b: {  	v16 =	vld.idx.msk [tilespmem:v7+s22+$0x0], $0xffff;
	(pc) =	sbr.rel @p2 .LBB2_7-.Ltmp2, $2  }
0x14c: {  	v17 =	vld [tilespmem:s12+$0x98];
	_ =	sdelay $0x2  }
0x14d: {  	s2 =	sadd.s32 $0x120, s2  }
0x14e: {  	_ = 	snop  }
0x14f: {  	v16 =	vmul.f32 v16, v17;
	_ =	sdelay $0x1  }
0x150: {  	[tilespmem:s25+$0x80] =	vst v16  }
0x151: {  	[spmem:s1] =	stream.indirect.scatter.add.f32 [tilespmem:s18], [sflag:$0x5], $0x48, s23, s21, $0xb8;
	[tilespmem:$0x1FE30] =	vst v63  }
0x152: {  	_ =	swait.ge [sflag:s24], $0xFC0  }
0x153: {  	[sflag:s24] =	ssyncset.done $0x0  }
0x154: {  	[sflag:s24] =	ssyncadd.s32 $0xFFFFF040  }
0x155: {  	_ =	swait.ge [sflag:s8], $0x1500  }
0x156: {  	[sflag:s8] =	ssyncset.done $0x0  }
0x157: {  	[sflag:s8] =	ssyncadd.s32 $0xFFFFEB00  }
0x158: {  	_ =	swait.ge [sflag:s8], $0x380  }
0x159: {  	[sflag:s8] =	ssyncset.done $0x0  }
0x15a: {  	[sflag:s8] =	ssyncadd.s32 $0xFFFFFC80  }
0x15b: {  	v16 =	vld [tilespmem:$0x1FA90]  }
0x15c: {  	v17 =	vld [tilespmem:$0x1FAA0]  }
0x15d: {  	v18 =	vld [tilespmem:$0x1FAB0]  }
0x15e: {  	v19 =	vld [tilespmem:$0x1FAB8];
	_ =	sdelay $0x1  }
0x15f: {  	v16 =	vsub.s32 v16, v0  }
0x160: {  	v17 =	vsub.s32 v17, v0;
	vm0 =	vlt.u32 v16, $0x61A8  }
0x161: {  	v18 =	vsub.s32 v18, v0;
	vm13 =	vlt.u32 v17, $0x61A8;
	v16 =	vsel vm0, v16, v1  }
0x162: {  	s2 =	sadd.s32 @!p1 s11, s14;
	vm14 =	vlt.u32 v18, $0x61A8;
	[tilespmem:$0x1FAC8] =	vst v16;
	v16 =	vsel vm13, v17, v1;
	v17 =	vsub.s32 v19, v0  }
0x163: {  	s2 =	smul.u32 @!p1 $0x7, s2;
	[tilespmem:$0x1FAD8] =	vst v16;
	v16 =	vsel vm14, v18, v1;
	vm15 =	vlt.u32 v17, $0x61A8  }
0x164: {  	[tilespmem:$0x1FAE8] =	vst v16;
	v16 =	vsel vm15, v17, v1  }
0x165: {  	s12 =	simm.s32 @!p1 $0x0;
	s16 =	simm.s32 @!p1 $0x1FA20;
	s11 =	sadd.s32 @!p1 s6, s2;
	[tilespmem:$0x1FAF0] =	vst v16  }
0x166: {  	[tilespmem:s16], [sflag:$0x4] =	stream.linear.gather @!p1 [hbm4b:s11+s12], $0x38, $0x38;
	[tilespmem:$0x1FE30] =	vst v63  }
0x167: {  	s2 =	sadd.s32 @!p1 s7, s2;
	s11 =	simm.s32 @!p1 $0x1FA90  }
0x168: {  	[tilespmem:s11], [sflag:$0x4] =	stream.linear.gather @!p1 [hbm4b:s2+s12], $0x38, $0x38;
	[tilespmem:$0x1FE30] =	vst v63  }
0x169: {  	s2 =	simm.s32 @!p1 $0x3  }
0x16a: {  	_ =	swait.ge @!p1 [sflag:s2], $0x38  }
0x16b: {  	[sflag:s2] =	ssyncset.done @!p1 $0x0  }
0x16c: {  	[sflag:s2] =	ssyncadd.s32 @!p1 $0xFFFFFFC8  }
0x16d: {  	_ =	swait.ge @!p1 [sflag:s2], $0x38  }
0x16e: {  	s11 =	simm.s32 @!p1 $0x1F9E8;
	[sflag:s2] =	ssyncset.done @!p1 $0x0  }
0x16f: {  	s12 =	simm.s32 @!p1 $0x1B928;
	[sflag:s2] =	ssyncadd.s32 @!p1 $0xFFFFFFC8;
	s2 =	simm.s32 @!p1 $0x38  }
0x170: {  	[tilespmem:s12], [sflag:$0x1] =	stream.indirect.gather @!p1 [hbm4b:s3+s2], $0x60, s11, s2, $0xb8;
	[tilespmem:$0x1FE30] =	vst v63  }
0x171: {  	s11 =	simm.s32 @!p1 $0x1FA58;
	s12 =	simm.s32 @!p1 $0x1E328  }
0x172: {  	[tilespmem:s12], [sflag:$0x1] =	stream.indirect.gather @!p1 [hbm4b:s4+s2], $0x10, s11, s2, $0xb8;
	[tilespmem:$0x1FE30] =	vst v63  }
0x173: {  	s11 =	simm.s32 $0x1CEE8  }
0x174: {  	s12 =	simm.s32 $0x1E6C8;
	v16 =	vld [tilespmem:s11+$0xFFFFFF88]  }
0x175: {  	v17 =	vld [tilespmem:s12+$0xFFFFFFE0];
	_ =	sdelay $0x4  }
0x176: {  	v16 =	vadd.f32 v17, v16;
	_ =	sdelay $0x1  }
0x177: {  	v17 =	vmul.f32 $2.000000030e-01, v16;
	_ =	sdelay $0x1  }
0x178: {  	v16 =	vmax.f32 v16, v17  }
0x179: {  	v16 =	vmul.f32 $1.442695020e+00, v16;
	_ =	sdelay $0x1  }
0x17a: {  	(erf) = vpow2.f32 v16;
	_ =	sdelay $0x8  }
0x17b: {  	v16 =	vpop (erf)  }
0x17c: {  	[tilespmem:$0x1FE20] =	vst v16  }
0x17d: {  	v16 =	vld.idx.msk [tilespmem:v3+s22+$0x0], $0xffff  }
0x17e: {  	v17 =	vld [tilespmem:s11+$0xFFFFFF40];
	_ =	sdelay $0x4  }
0x17f: {  	v16 =	vmul.f32 v16, v17  }
0x180: {  	s16 =	simm.s32 $0x1EAB8  }
0x181: {  	[tilespmem:s16+$0xFFFFFF70] =	vst v16  }
0x182: {  	v16 =	vld.idx.msk [tilespmem:v4+s22+$0x0], $0xffff  }
0x183: {  	v17 =	vld [tilespmem:s11+$0xFFFFFF50];
	_ =	sdelay $0x4  }
0x184: {  	v16 =	vmul.f32 v16, v17;
	_ =	sdelay $0x1  }
0x185: {  	[tilespmem:s16+$0xFFFFFF80] =	vst v16  }
0x186: {  	v16 =	vld.idx.msk [tilespmem:v5+s22+$0x0], $0xffff  }
0x187: {  	v17 =	vld [tilespmem:s11+$0xFFFFFF60];
	_ =	sdelay $0x4  }
0x188: {  	v16 =	vmul.f32 v16, v17;
	_ =	sdelay $0x1  }
0x189: {  	[tilespmem:s16+$0xFFFFFF90] =	vst v16  }
0x18a: {  	v16 =	vld.idx.msk [tilespmem:v6+s22+$0x0], $0xffff  }
0x18b: {  	v17 =	vld [tilespmem:s11+$0xFFFFFF70];
	_ =	sdelay $0x4  }
0x18c: {  	v16 =	vmul.f32 v16, v17;
	_ =	sdelay $0x1  }
0x18d: {  	[tilespmem:s16+$0xFFFFFFA0] =	vst v16  }
0x18e: {  	v16 =	vld.idx.msk [tilespmem:v7+s22+$0x0], $0xffff  }
0x18f: {  	v17 =	vld [tilespmem:s11+$0xFFFFFF78];
	_ =	sdelay $0x4  }
0x190: {  	v16 =	vmul.f32 v16, v17;
	_ =	sdelay $0x1  }
0x191: {  	[tilespmem:s16+$0xFFFFFFA8] =	vst v16  }
0x192: {  	v16 =	vld [tilespmem:s11+$0xFFFFFFE8]  }
0x193: {  	v17 =	vld [tilespmem:s12+$0xFFFFFFF0];
	_ =	sdelay $0x4  }
0x194: {  	v16 =	vadd.f32 v17, v16;
	_ =	sdelay $0x1  }
0x195: {  	v17 =	vmul.f32 $2.000000030e-01, v16;
	_ =	sdelay $0x1  }
0x196: {  	v16 =	vmax.f32 v16, v17  }
0x197: {  	v16 =	vmul.f32 $1.442695020e+00, v16;
	_ =	sdelay $0x1  }
0x198: {  	(erf) = vpow2.f32 v16;
	_ =	sdelay $0x8  }
0x199: {  	v16 =	vpop (erf)  }
0x19a: {  	[tilespmem:$0x1FE20] =	vst v16  }
0x19b: {  	v16 =	vld.idx.msk [tilespmem:v3+s22+$0x0], $0xffff  }
0x19c: {  	v17 =	vld [tilespmem:s11+$0xFFFFFFA0];
	_ =	sdelay $0x4  }
0x19d: {  	v16 =	vmul.f32 v16, v17;
	_ =	sdelay $0x1  }
0x19e: {  	[tilespmem:s16+$0xFFFFFFB8] =	vst v16  }
0x19f: {  	v16 =	vld.idx.msk [tilespmem:v4+s22+$0x0], $0xffff  }
0x1a0: {  	v17 =	vld [tilespmem:s11+$0xFFFFFFB0];
	_ =	sdelay $0x4  }
0x1a1: {  	v16 =	vmul.f32 v16, v17;
	_ =	sdelay $0x1  }
0x1a2: {  	[tilespmem:s16+$0xFFFFFFC8] =	vst v16  }
0x1a3: {  	v16 =	vld.idx.msk [tilespmem:v5+s22+$0x0], $0xffff  }
0x1a4: {  	v17 =	vld [tilespmem:s11+$0xFFFFFFC0];
	_ =	sdelay $0x4  }
0x1a5: {  	v16 =	vmul.f32 v16, v17;
	_ =	sdelay $0x1  }
0x1a6: {  	[tilespmem:s16+$0xFFFFFFD8] =	vst v16  }
0x1a7: {  	v16 =	vld.idx.msk [tilespmem:v6+s22+$0x0], $0xffff  }
0x1a8: {  	v17 =	vld [tilespmem:s11+$0xFFFFFFD0];
	_ =	sdelay $0x4  }
0x1a9: {  	v16 =	vmul.f32 v16, v17;
	_ =	sdelay $0x1  }
0x1aa: {  	[tilespmem:s16+$0xFFFFFFE8] =	vst v16  }
0x1ab: {  	v16 =	vld.idx.msk [tilespmem:v7+s22+$0x0], $0xffff  }
0x1ac: {  	v17 =	vld [tilespmem:s11+$0xFFFFFFD8];
	_ =	sdelay $0x4  }
0x1ad: {  	v16 =	vmul.f32 v16, v17;
	_ =	sdelay $0x1  }
0x1ae: {  	[tilespmem:s16+$0xFFFFFFF0] =	vst v16  }
0x1af: {  	v16 =	vld [tilespmem:s11+$0x48]  }
0x1b0: {  	v17 =	vld [tilespmem:s12+$0x0];
	_ =	sdelay $0x4  }
0x1b1: {  	v16 =	vadd.f32 v17, v16;
	_ =	sdelay $0x1  }
0x1b2: {  	v17 =	vmul.f32 $2.000000030e-01, v16;
	_ =	sdelay $0x1  }
0x1b3: {  	v16 =	vmax.f32 v16, v17  }
0x1b4: {  	v16 =	vmul.f32 $1.442695020e+00, v16;
	_ =	sdelay $0x1  }
0x1b5: {  	(erf) = vpow2.f32 v16;
	_ =	sdelay $0x8  }
0x1b6: {  	v16 =	vpop (erf)  }
0x1b7: {  	[tilespmem:$0x1FE20] =	vst v16  }
0x1b8: {  	v16 =	vld.idx.msk [tilespmem:v3+s22+$0x0], $0xffff  }
0x1b9: {  	v17 =	vld [tilespmem:s11+$0x0];
	_ =	sdelay $0x4  }
0x1ba: {  	v16 =	vmul.f32 v16, v17;
	_ =	sdelay $0x1  }
0x1bb: {  	[tilespmem:s16+$0x0] =	vst v16  }
0x1bc: {  	v16 =	vld.idx.msk [tilespmem:v4+s22+$0x0], $0xffff  }
0x1bd: {  	v17 =	vld [tilespmem:s11+$0x10];
	_ =	sdelay $0x4  }
0x1be: {  	v16 =	vmul.f32 v16, v17;
	_ =	sdelay $0x1  }
0x1bf: {  	[tilespmem:s16+$0x10] =	vst v16  }
0x1c0: {  	v16 =	vld.idx.msk [tilespmem:v5+s22+$0x0], $0xffff  }
0x1c1: {  	v17 =	vld [tilespmem:s11+$0x20];
	_ =	sdelay $0x4  }
0x1c2: {  	v16 =	vmul.f32 v16, v17;
	_ =	sdelay $0x1  }
0x1c3: {  	[tilespmem:s16+$0x20] =	vst v16  }
0x1c4: {  	v16 =	vld.idx.msk [tilespmem:v6+s22+$0x0], $0xffff  }
0x1c5: {  	v17 =	vld [tilespmem:s11+$0x30];
	_ =	sdelay $0x4  }
0x1c6: {  	v16 =	vmul.f32 v16, v17;
	_ =	sdelay $0x1  }
0x1c7: {  	[tilespmem:s16+$0x30] =	vst v16  }
0x1c8: {  	v16 =	vld.idx.msk [tilespmem:v7+s22+$0x0], $0xffff  }
0x1c9: {  	v17 =	vld [tilespmem:s11+$0x38];
	_ =	sdelay $0x4  }
0x1ca: {  	v16 =	vmul.f32 v16, v17;
	_ =	sdelay $0x1  }
0x1cb: {  	[tilespmem:s16+$0x38] =	vst v16  }
0x1cc: {  	v16 =	vld [tilespmem:s11+$0xA8]  }
0x1cd: {  	v17 =	vld [tilespmem:s12+$0x10];
	_ =	sdelay $0x4  }
0x1ce: {  	v16 =	vadd.f32 v17, v16;
	_ =	sdelay $0x1  }
0x1cf: {  	v17 =	vmul.f32 $2.000000030e-01, v16;
	_ =	sdelay $0x1  }
0x1d0: {  	v16 =	vmax.f32 v16, v17  }
0x1d1: {  	v16 =	vmul.f32 $1.442695020e+00, v16;
	_ =	sdelay $0x1  }
0x1d2: {  	(erf) = vpow2.f32 v16;
	_ =	sdelay $0x8  }
0x1d3: {  	v16 =	vpop (erf)  }
0x1d4: {  	[tilespmem:$0x1FE20] =	vst v16  }
0x1d5: {  	v16 =	vld.idx.msk [tilespmem:v3+s22+$0x0], $0xffff  }
0x1d6: {  	v17 =	vld [tilespmem:s11+$0x60];
	_ =	sdelay $0x4  }
0x1d7: {  	v16 =	vmul.f32 v16, v17;
	_ =	sdelay $0x1  }
0x1d8: {  	[tilespmem:s16+$0x48] =	vst v16  }
0x1d9: {  	v16 =	vld.idx.msk [tilespmem:v4+s22+$0x0], $0xffff  }
0x1da: {  	v17 =	vld [tilespmem:s11+$0x70];
	_ =	sdelay $0x4  }
0x1db: {  	v16 =	vmul.f32 v16, v17;
	_ =	sdelay $0x1  }
0x1dc: {  	[tilespmem:s16+$0x58] =	vst v16  }
0x1dd: {  	v16 =	vld.idx.msk [tilespmem:v5+s22+$0x0], $0xffff  }
0x1de: {  	v17 =	vld [tilespmem:s11+$0x80];
	_ =	sdelay $0x4  }
0x1df: {  	v16 =	vmul.f32 v16, v17;
	_ =	sdelay $0x1  }
0x1e0: {  	[tilespmem:s16+$0x68] =	vst v16  }
0x1e1: {  	v16 =	vld.idx.msk [tilespmem:v6+s22+$0x0], $0xffff  }
0x1e2: {  	v17 =	vld [tilespmem:s11+$0x90];
	_ =	sdelay $0x4  }
0x1e3: {  	v16 =	vmul.f32 v16, v17;
	_ =	sdelay $0x1  }
0x1e4: {  	[tilespmem:s16+$0x78] =	vst v16  }
0x1e5: {  	v16 =	vld.idx.msk [tilespmem:v7+s22+$0x0], $0xffff  }
0x1e6: {  	v17 =	vld [tilespmem:s11+$0x98];
	_ =	sdelay $0x2  }
0x1e7: {  	s20 =	simm.s32 $0x0;
	s2 =	simm.s32 $0x1EBD8  }
.LBB2_9:
0x1e8: {  	s20 =	sadd.s32 $0x4, s20;
	s12 =	sadd.s32 $0x40, s12;
	s11 =	sadd.s32 $0x180, s11  }
0x1e9: {  	p1 =	slt.u32 s20, $0x34;
	v16 =	vmul.f32 v16, v17;
	_ =	sdelay $0x1  }
0x1ea: {  	[tilespmem:s16+$0x80] =	vst v16;
	s16 =	smov.u32 s2  }
0x1eb: {  	v16 =	vld [tilespmem:s11+$0xFFFFFF88]  }
0x1ec: {  	v17 =	vld [tilespmem:s12+$0xFFFFFFE0];
	_ =	sdelay $0x4  }
0x1ed: {  	v16 =	vadd.f32 v17, v16;
	_ =	sdelay $0x1  }
0x1ee: {  	v17 =	vmul.f32 $2.000000030e-01, v16;
	_ =	sdelay $0x1  }
0x1ef: {  	v16 =	vmax.f32 v16, v17  }
0x1f0: {  	v16 =	vmul.f32 $1.442695020e+00, v16;
	_ =	sdelay $0x1  }
0x1f1: {  	(erf) = vpow2.f32 v16;
	_ =	sdelay $0x8  }
0x1f2: {  	v16 =	vpop (erf)  }
0x1f3: {  	[tilespmem:$0x1FE20] =	vst v16  }
0x1f4: {  	v16 =	vld.idx.msk [tilespmem:v3+s22+$0x0], $0xffff  }
0x1f5: {  	v17 =	vld [tilespmem:s11+$0xFFFFFF40];
	_ =	sdelay $0x4  }
0x1f6: {  	v16 =	vmul.f32 v16, v17;
	_ =	sdelay $0x1  }
0x1f7: {  	[tilespmem:s2+$0xFFFFFF70] =	vst v16  }
0x1f8: {  	v16 =	vld.idx.msk [tilespmem:v4+s22+$0x0], $0xffff  }
0x1f9: {  	v17 =	vld [tilespmem:s11+$0xFFFFFF50];
	_ =	sdelay $0x4  }
0x1fa: {  	v16 =	vmul.f32 v16, v17;
	_ =	sdelay $0x1  }
0x1fb: {  	[tilespmem:s2+$0xFFFFFF80] =	vst v16  }
0x1fc: {  	v16 =	vld.idx.msk [tilespmem:v5+s22+$0x0], $0xffff  }
0x1fd: {  	v17 =	vld [tilespmem:s11+$0xFFFFFF60];
	_ =	sdelay $0x4  }
0x1fe: {  	v16 =	vmul.f32 v16, v17;
	_ =	sdelay $0x1  }
0x1ff: {  	[tilespmem:s2+$0xFFFFFF90] =	vst v16  }
0x200: {  	v16 =	vld.idx.msk [tilespmem:v6+s22+$0x0], $0xffff  }
0x201: {  	v17 =	vld [tilespmem:s11+$0xFFFFFF70];
	_ =	sdelay $0x4  }
0x202: {  	v16 =	vmul.f32 v16, v17;
	_ =	sdelay $0x1  }
0x203: {  	[tilespmem:s2+$0xFFFFFFA0] =	vst v16  }
0x204: {  	v16 =	vld.idx.msk [tilespmem:v7+s22+$0x0], $0xffff  }
0x205: {  	v17 =	vld [tilespmem:s11+$0xFFFFFF78];
	_ =	sdelay $0x4  }
0x206: {  	v16 =	vmul.f32 v16, v17;
	_ =	sdelay $0x1  }
0x207: {  	[tilespmem:s2+$0xFFFFFFA8] =	vst v16  }
0x208: {  	v16 =	vld [tilespmem:s11+$0xFFFFFFE8]  }
0x209: {  	v17 =	vld [tilespmem:s12+$0xFFFFFFF0];
	_ =	sdelay $0x4  }
0x20a: {  	v16 =	vadd.f32 v17, v16;
	_ =	sdelay $0x1  }
0x20b: {  	v17 =	vmul.f32 $2.000000030e-01, v16;
	_ =	sdelay $0x1  }
0x20c: {  	v16 =	vmax.f32 v16, v17  }
0x20d: {  	v16 =	vmul.f32 $1.442695020e+00, v16;
	_ =	sdelay $0x1  }
0x20e: {  	(erf) = vpow2.f32 v16;
	_ =	sdelay $0x8  }
0x20f: {  	v16 =	vpop (erf)  }
0x210: {  	[tilespmem:$0x1FE20] =	vst v16  }
0x211: {  	v16 =	vld.idx.msk [tilespmem:v3+s22+$0x0], $0xffff  }
0x212: {  	v17 =	vld [tilespmem:s11+$0xFFFFFFA0];
	_ =	sdelay $0x4  }
0x213: {  	v16 =	vmul.f32 v16, v17;
	_ =	sdelay $0x1  }
0x214: {  	[tilespmem:s2+$0xFFFFFFB8] =	vst v16  }
0x215: {  	v16 =	vld.idx.msk [tilespmem:v4+s22+$0x0], $0xffff  }
0x216: {  	v17 =	vld [tilespmem:s11+$0xFFFFFFB0];
	_ =	sdelay $0x4  }
0x217: {  	v16 =	vmul.f32 v16, v17;
	_ =	sdelay $0x1  }
0x218: {  	[tilespmem:s2+$0xFFFFFFC8] =	vst v16  }
0x219: {  	v16 =	vld.idx.msk [tilespmem:v5+s22+$0x0], $0xffff  }
0x21a: {  	v17 =	vld [tilespmem:s11+$0xFFFFFFC0];
	_ =	sdelay $0x4  }
0x21b: {  	v16 =	vmul.f32 v16, v17;
	_ =	sdelay $0x1  }
0x21c: {  	[tilespmem:s2+$0xFFFFFFD8] =	vst v16  }
0x21d: {  	v16 =	vld.idx.msk [tilespmem:v6+s22+$0x0], $0xffff  }
0x21e: {  	v17 =	vld [tilespmem:s11+$0xFFFFFFD0];
	_ =	sdelay $0x4  }
0x21f: {  	v16 =	vmul.f32 v16, v17;
	_ =	sdelay $0x1  }
0x220: {  	[tilespmem:s2+$0xFFFFFFE8] =	vst v16  }
0x221: {  	v16 =	vld.idx.msk [tilespmem:v7+s22+$0x0], $0xffff  }
0x222: {  	v17 =	vld [tilespmem:s11+$0xFFFFFFD8];
	_ =	sdelay $0x4  }
0x223: {  	v16 =	vmul.f32 v16, v17;
	_ =	sdelay $0x1  }
0x224: {  	[tilespmem:s2+$0xFFFFFFF0] =	vst v16  }
0x225: {  	v16 =	vld [tilespmem:s11+$0x48]  }
0x226: {  	v17 =	vld [tilespmem:s12+$0x0];
	_ =	sdelay $0x4  }
0x227: {  	v16 =	vadd.f32 v17, v16;
	_ =	sdelay $0x1  }
0x228: {  	v17 =	vmul.f32 $2.000000030e-01, v16;
	_ =	sdelay $0x1  }
0x229: {  	v16 =	vmax.f32 v16, v17  }
0x22a: {  	v16 =	vmul.f32 $1.442695020e+00, v16;
	_ =	sdelay $0x1  }
0x22b: {  	(erf) = vpow2.f32 v16;
	_ =	sdelay $0x8  }
0x22c: {  	v16 =	vpop (erf)  }
0x22d: {  	[tilespmem:$0x1FE20] =	vst v16  }
0x22e: {  	v16 =	vld.idx.msk [tilespmem:v3+s22+$0x0], $0xffff  }
0x22f: {  	v17 =	vld [tilespmem:s11+$0x0];
	_ =	sdelay $0x4  }
0x230: {  	v16 =	vmul.f32 v16, v17;
	_ =	sdelay $0x1  }
0x231: {  	[tilespmem:s2+$0x0] =	vst v16  }
0x232: {  	v16 =	vld.idx.msk [tilespmem:v4+s22+$0x0], $0xffff  }
0x233: {  	v17 =	vld [tilespmem:s11+$0x10];
	_ =	sdelay $0x4  }
0x234: {  	v16 =	vmul.f32 v16, v17;
	_ =	sdelay $0x1  }
0x235: {  	[tilespmem:s2+$0x10] =	vst v16  }
0x236: {  	v16 =	vld.idx.msk [tilespmem:v5+s22+$0x0], $0xffff  }
0x237: {  	v17 =	vld [tilespmem:s11+$0x20];
	_ =	sdelay $0x4  }
0x238: {  	v16 =	vmul.f32 v16, v17;
	_ =	sdelay $0x1  }
0x239: {  	[tilespmem:s2+$0x20] =	vst v16  }
0x23a: {  	v16 =	vld.idx.msk [tilespmem:v6+s22+$0x0], $0xffff  }
0x23b: {  	v17 =	vld [tilespmem:s11+$0x30];
	_ =	sdelay $0x4  }
0x23c: {  	v16 =	vmul.f32 v16, v17;
	_ =	sdelay $0x1  }
0x23d: {  	[tilespmem:s2+$0x30] =	vst v16  }
0x23e: {  	v16 =	vld.idx.msk [tilespmem:v7+s22+$0x0], $0xffff  }
0x23f: {  	v17 =	vld [tilespmem:s11+$0x38];
	_ =	sdelay $0x4  }
0x240: {  	v16 =	vmul.f32 v16, v17;
	_ =	sdelay $0x1  }
0x241: {  	[tilespmem:s2+$0x38] =	vst v16  }
0x242: {  	v16 =	vld [tilespmem:s11+$0xA8]  }
0x243: {  	v17 =	vld [tilespmem:s12+$0x10];
	_ =	sdelay $0x4  }
0x244: {  	v16 =	vadd.f32 v17, v16;
	_ =	sdelay $0x1  }
0x245: {  	v17 =	vmul.f32 $2.000000030e-01, v16;
	_ =	sdelay $0x1  }
0x246: {  	v16 =	vmax.f32 v16, v17  }
0x247: {  	v16 =	vmul.f32 $1.442695020e+00, v16;
	_ =	sdelay $0x1  }
0x248: {  	(erf) = vpow2.f32 v16;
	_ =	sdelay $0x8  }
0x249: {  	v16 =	vpop (erf)  }
0x24a: {  	[tilespmem:$0x1FE20] =	vst v16  }
0x24b: {  	v16 =	vld.idx.msk [tilespmem:v3+s22+$0x0], $0xffff  }
0x24c: {  	v17 =	vld [tilespmem:s11+$0x60];
	_ =	sdelay $0x4  }
0x24d: {  	v16 =	vmul.f32 v16, v17;
	_ =	sdelay $0x1  }
0x24e: {  	[tilespmem:s2+$0x48] =	vst v16  }
0x24f: {  	v16 =	vld.idx.msk [tilespmem:v4+s22+$0x0], $0xffff  }
0x250: {  	v17 =	vld [tilespmem:s11+$0x70];
	_ =	sdelay $0x4  }
0x251: {  	v16 =	vmul.f32 v16, v17;
	_ =	sdelay $0x1  }
0x252: {  	[tilespmem:s2+$0x58] =	vst v16  }
0x253: {  	v16 =	vld.idx.msk [tilespmem:v5+s22+$0x0], $0xffff  }
0x254: {  	v17 =	vld [tilespmem:s11+$0x80];
	_ =	sdelay $0x4  }
0x255: {  	v16 =	vmul.f32 v16, v17;
	_ =	sdelay $0x1  }
0x256: {  	[tilespmem:s2+$0x68] =	vst v16  }
0x257: {  	v16 =	vld.idx.msk [tilespmem:v6+s22+$0x0], $0xffff  }
0x258: {  	v17 =	vld [tilespmem:s11+$0x90];
	_ =	sdelay $0x4  }
0x259: {  	v16 =	vmul.f32 v16, v17;
	_ =	sdelay $0x1  }
0x25a: {  	[tilespmem:s2+$0x78] =	vst v16  }
.Ltmp3:
0x25b: {  	v16 =	vld.idx.msk [tilespmem:v7+s22+$0x0], $0xffff;
	(pc) =	sbr.rel @p1 .LBB2_9-.Ltmp3, $2  }
0x25c: {  	v17 =	vld [tilespmem:s11+$0x98];
	_ =	sdelay $0x2  }
0x25d: {  	s2 =	sadd.s32 $0x120, s2  }
0x25e: {  	_ = 	snop  }
0x25f: {  	s10 =	sadd.s32 $0x1, s10;
	v16 =	vmul.f32 v16, v17  }
0x260: {  	p1 =	sne.s32 s10, $0x1C0  }
.Ltmp4:
0x261: {  	[tilespmem:s16+$0x80] =	vst v16;
	(pc) =	sbr.rel @p1 .LBB2_6-.Ltmp4, $4  }
0x262: {  	[spmem:s1] =	stream.indirect.scatter.add.f32 [tilespmem:s18], [sflag:$0x5], $0x48, s23, s21, $0xb8;
	[tilespmem:$0x1FE30] =	vst v63  }
0x263: {  	_ =	swait.ge [sflag:s24], $0xFC0  }
0x264: {  	[sflag:s24] =	ssyncset.done $0x0  }
0x265: {  	[sflag:s24] =	ssyncadd.s32 $0xFFFFF040  }
0x266: {  	[bflag:$0x0] =	sbarrier.arrive $0xFFFF  }
0x267: {  	[tilespmem:$0x1FC20] =	vst v2  }
0x268: {  	[tilespmem:$0x1FC30] =	vst v2  }
0x269: {  	[tilespmem:$0x1FC40] =	vst v2  }
0x26a: {  	[tilespmem:$0x1FC50] =	vst v2  }
0x26b: {  	[tilespmem:$0x1FC60] =	vst v2  }
0x26c: {  	[tilespmem:$0x1FC70] =	vst v2  }
0x26d: {  	[tilespmem:$0x1FC80] =	vst v2  }
0x26e: {  	[tilespmem:$0x1FC90] =	vst v2  }
0x26f: {  	[tilespmem:$0x1FCA0] =	vst v2  }
0x270: {  	[tilespmem:$0x1FCB0] =	vst v2  }
0x271: {  	[tilespmem:$0x1FCC0] =	vst v2  }
0x272: {  	[tilespmem:$0x1FCD0] =	vst v2  }
0x273: {  	[tilespmem:$0x1FCE0] =	vst v2  }
0x274: {  	[tilespmem:$0x1FCF0] =	vst v2  }
0x275: {  	[tilespmem:$0x1FD00] =	vst v2  }
0x276: {  	[tilespmem:$0x1FD10] =	vst v2  }
0x277: {  	[tilespmem:$0x1FD20] =	vst v2  }
0x278: {  	[tilespmem:$0x1FD30] =	vst v2  }
0x279: {  	[tilespmem:$0x1FD40] =	vst v2  }
0x27a: {  	[tilespmem:$0x1FD50] =	vst v2  }
0x27b: {  	[tilespmem:$0x1FD60] =	vst v2  }
0x27c: {  	[tilespmem:$0x1FD70] =	vst v2  }
0x27d: {  	[tilespmem:$0x1FD80] =	vst v2  }
0x27e: {  	[tilespmem:$0x1FD90] =	vst v2  }
0x27f: {  	[tilespmem:$0x1FDA0] =	vst v2  }
0x280: {  	[tilespmem:$0x1FDB0] =	vst v2  }
0x281: {  	[tilespmem:$0x1FDC0] =	vst v2  }
0x282: {  	[tilespmem:$0x1FDD0] =	vst v2  }
0x283: {  	[tilespmem:$0x1FDE0] =	vst v2  }
0x284: {  	[tilespmem:$0x1FDF0] =	vst v2  }
0x285: {  	[tilespmem:$0x1FE00] =	vst v2  }
0x286: {  	s2 =	simm.s32 $0x0;
	s10 =	simm.s32 $0x0;
	s20 =	simm.s32 $0x0;
	[tilespmem:$0x1FE10] =	vst v2  }
.LBB2_12:
0x287: {  	s11 =	sshll.u32 s10, $0x2;
	v16 =	vmov s2  }
0x288: {  	s11 =	sadd.s32 s5, s11;
	v16 =	vmul.u32 $0x48, v16  }
0x289: {  	s12 =	smul.u32 $0x120, s11  }
0x28a: {  	v16 =	vbroadcast v16, $0x0  }
0x28b: {  	s12 =	sshra.s32 s12, $0x2  }
0x28c: {  	s12 =	sadd.s32 s12, s1;
	v17 =	vadd.s32 v10, v16  }
0x28d: {  	[tilespmem:s19], [sflag:$0x5] =	stream.linear.gather [spmem:s12], $0x120, $0x38;
	[tilespmem:$0x1FE30] =	vst v63  }
0x28e: {  	_ =	swait.ge [sflag:s24], $0x120  }
0x28f: {  	[sflag:s24] =	ssyncset.done $0x0  }
0x290: {  	[sflag:s24] =	ssyncadd.s32 $0xFFFFFEE0  }
0x291: {  	v17 =	vld.idx.msk [tilespmem:v17+s19+$0x0], $0xffff;
	_ =	sdelay $0x4  }
0x292: {  	v17 =	vadd.f32 $1.000000020e-16, v17;
	_ =	sdelay $0x1  }
0x293: {  	v18 =	vadd.s32 v8, v16;
	(erf) = vrcp.f32 v17;
	_ =	sdelay $0x4  }
0x294: {  	v17 =	vld.idx.msk [tilespmem:v18+s19+$0x0], $0xffff;
	_ =	sdelay $0x3  }
0x295: {  	v18 =	vadd.s32 v12, v16;
	v19 =	vpop (erf)  }
0x296: {  	v17 =	vmul.f32 v19, v17;
	_ =	sdelay $0x1  }
0x297: {  	s12 =	simm.s32 $0x1FC40;
	v17 =	vmax.f32 v17, $0.0e+00  }
0x298: {  	[tilespmem:s12+$0xFFFFFFE0] =	vst v17  }
0x299: {  	v17 =	vld.idx.msk [tilespmem:v18+s19+$0x0], $0xffff;
	_ =	sdelay $0x4  }
0x29a: {  	v17 =	vadd.f32 $1.000000020e-16, v17;
	_ =	sdelay $0x1  }
0x29b: {  	v18 =	vadd.s32 v9, v16;
	(erf) = vrcp.f32 v17;
	_ =	sdelay $0x4  }
0x29c: {  	v17 =	vld.idx.msk [tilespmem:v18+s19+$0x0], $0xffff;
	_ =	sdelay $0x3  }
0x29d: {  	v18 =	vadd.s32 v13, v16;
	v19 =	vpop (erf)  }
0x29e: {  	v17 =	vmul.f32 v19, v17;
	_ =	sdelay $0x1  }
0x29f: {  	v17 =	vmax.f32 v17, $0.0e+00  }
0x2a0: {  	[tilespmem:s12+$0xFFFFFFF0] =	vst v17  }
0x2a1: {  	v17 =	vld.idx.msk [tilespmem:v18+s19+$0x0], $0xffff;
	_ =	sdelay $0x4  }
0x2a2: {  	v17 =	vadd.f32 $1.000000020e-16, v17;
	_ =	sdelay $0x1  }
0x2a3: {  	v18 =	vadd.s32 v11, v16;
	(erf) = vrcp.f32 v17;
	_ =	sdelay $0x4  }
0x2a4: {  	v17 =	vld.idx.msk [tilespmem:v18+s19+$0x0], $0xffff;
	_ =	sdelay $0x3  }
0x2a5: {  	v18 =	vadd.s32 v15, v16;
	v19 =	vpop (erf)  }
0x2a6: {  	v17 =	vmul.f32 v19, v17;
	_ =	sdelay $0x1  }
0x2a7: {  	v17 =	vmax.f32 v17, $0.0e+00  }
0x2a8: {  	[tilespmem:s12+$0x0] =	vst v17  }
0x2a9: {  	v17 =	vld.idx.msk [tilespmem:v18+s19+$0x0], $0xffff;
	_ =	sdelay $0x4  }
0x2aa: {  	v17 =	vadd.f32 $1.000000020e-16, v17  }
0x2ab: {  	v16 =	vadd.s32 v14, v16  }
0x2ac: {  	(erf) = vrcp.f32 v17;
	_ =	sdelay $0x2  }
0x2ad: {  	s16 =	simm.s32 $0x1  }
0x2ae: {  	v16 =	vld.idx.msk [tilespmem:v16+s19+$0x0], $0xffff;
	v17 =	vmov s16;
	s16 =	simm.s32 $0x2  }
.LBB2_13:
0x2af: {  	p1 =	sne.s32 s16, $0x3;
	v17 =	vmul.u32 $0x48, v17;
	_ =	sdelay $0x1  }
0x2b0: {  	v17 =	vbroadcast v17, $0x0;
	_ =	sdelay $0x1  }
0x2b1: {  	v18 =	vadd.s32 v10, v17;
	v19 =	vpop (erf)  }
0x2b2: {  	v20 =	vadd.s32 v8, v17;
	v16 =	vmul.f32 v19, v16;
	_ =	sdelay $0x1  }
0x2b3: {  	v16 =	vmax.f32 v16, $0.0e+00  }
0x2b4: {  	[tilespmem:s12+$0x10] =	vst v16  }
0x2b5: {  	v16 =	vld.idx.msk [tilespmem:v18+s19+$0x0], $0xffff  }
0x2b6: {  	v18 =	vld.idx.msk [tilespmem:v20+s19+$0x0], $0xffff;
	_ =	sdelay $0x4  }
0x2b7: {  	v16 =	vadd.f32 $1.000000020e-16, v16;
	_ =	sdelay $0x1  }
0x2b8: {  	(erf) = vrcp.f32 v16;
	_ =	sdelay $0x8  }
0x2b9: {  	v16 =	vadd.s32 v12, v17;
	v19 =	vpop (erf)  }
0x2ba: {  	v18 =	vmul.f32 v19, v18;
	_ =	sdelay $0x1  }
0x2bb: {  	s12 =	sadd.s32 $0x80, s12;
	v18 =	vmax.f32 v18, $0.0e+00  }
0x2bc: {  	[tilespmem:s12+$0xFFFFFFE0] =	vst v18  }
0x2bd: {  	v16 =	vld.idx.msk [tilespmem:v16+s19+$0x0], $0xffff;
	_ =	sdelay $0x5  }
0x2be: {  	v16 =	vadd.f32 $1.000000020e-16, v16  }
0x2bf: {  	v18 =	vadd.s32 v9, v17  }
0x2c0: {  	(erf) = vrcp.f32 v16;
	_ =	sdelay $0x3  }
0x2c1: {  	v16 =	vld.idx.msk [tilespmem:v18+s19+$0x0], $0xffff;
	_ =	sdelay $0x4  }
0x2c2: {  	v18 =	vadd.s32 v13, v17;
	v19 =	vpop (erf)  }
0x2c3: {  	v16 =	vmul.f32 v19, v16;
	_ =	sdelay $0x1  }
0x2c4: {  	v16 =	vmax.f32 v16, $0.0e+00  }
0x2c5: {  	[tilespmem:s12+$0xFFFFFFF0] =	vst v16  }
0x2c6: {  	v16 =	vld.idx.msk [tilespmem:v18+s19+$0x0], $0xffff;
	_ =	sdelay $0x5  }
0x2c7: {  	v16 =	vadd.f32 $1.000000020e-16, v16  }
0x2c8: {  	v18 =	vadd.s32 v11, v17  }
0x2c9: {  	(erf) = vrcp.f32 v16;
	_ =	sdelay $0x3  }
0x2ca: {  	v16 =	vld.idx.msk [tilespmem:v18+s19+$0x0], $0xffff;
	_ =	sdelay $0x4  }
0x2cb: {  	v18 =	vadd.s32 v15, v17;
	v19 =	vpop (erf)  }
0x2cc: {  	v17 =	vadd.s32 v14, v17;
	v16 =	vmul.f32 v19, v16;
	_ =	sdelay $0x1  }
0x2cd: {  	v16 =	vmax.f32 v16, $0.0e+00  }
0x2ce: {  	[tilespmem:s12+$0x0] =	vst v16  }
0x2cf: {  	v18 =	vld.idx.msk [tilespmem:v18+s19+$0x0], $0xffff  }
0x2d0: {  	v16 =	vld.idx.msk [tilespmem:v17+s19+$0x0], $0xffff;
	_ =	sdelay $0x4  }
0x2d1: {  	v17 =	vadd.f32 $1.000000020e-16, v18;
	_ =	sdelay $0x1  }
.Ltmp5:
0x2d2: {  	(erf) = vrcp.f32 v17;
	(pc) =	sbr.rel @p1 .LBB2_13-.Ltmp5, $2  }
0x2d3: {  	_ =	sdelay $0x2  }
0x2d4: {  	v17 =	vmov s16;
	s16 =	sadd.s32 $0x1, s16  }
0x2d5: {  	v17 =	vmul.u32 $0x48, v17;
	_ =	sdelay $0x1  }
0x2d6: {  	v17 =	vbroadcast v17, $0x0;
	_ =	sdelay $0x1  }
0x2d7: {  	v18 =	vadd.s32 v10, v17;
	v19 =	vpop (erf)  }
0x2d8: {  	v16 =	vmul.f32 v19, v16;
	_ =	sdelay $0x1  }
0x2d9: {  	v16 =	vmax.f32 v16, $0.0e+00  }
0x2da: {  	[tilespmem:s12+$0x10] =	vst v16  }
0x2db: {  	v16 =	vld.idx.msk [tilespmem:v18+s19+$0x0], $0xffff;
	_ =	sdelay $0x4  }
0x2dc: {  	v16 =	vadd.f32 $1.000000020e-16, v16;
	_ =	sdelay $0x1  }
0x2dd: {  	v55 =	vadd.s32 v8, v17;
	(erf) = vrcp.f32 v16;
	_ =	sdelay $0x4  }
0x2de: {  	v16 =	vld.idx.msk [tilespmem:v55+s19+$0x0], $0xffff;
	_ =	sdelay $0x3  }
0x2df: {  	v56 =	vadd.s32 v12, v17;
	v57 =	vpop (erf)  }
0x2e0: {  	v16 =	vmul.f32 v57, v16;
	_ =	sdelay $0x1  }
0x2e1: {  	s25 =	sadd.s32 $0x80, s12;
	v16 =	vmax.f32 v16, $0.0e+00  }
0x2e2: {  	[tilespmem:s25+$0xFFFFFFE0] =	vst v16  }
0x2e3: {  	v16 =	vld.idx.msk [tilespmem:v56+s19+$0x0], $0xffff;
	_ =	sdelay $0x4  }
0x2e4: {  	v16 =	vadd.f32 $1.000000020e-16, v16;
	_ =	sdelay $0x1  }
0x2e5: {  	v58 =	vadd.s32 v9, v17;
	(erf) = vrcp.f32 v16;
	_ =	sdelay $0x4  }
0x2e6: {  	v16 =	vld.idx.msk [tilespmem:v58+s19+$0x0], $0xffff;
	_ =	sdelay $0x3  }
0x2e7: {  	v59 =	vadd.s32 v13, v17;
	v60 =	vpop (erf)  }
0x2e8: {  	v16 =	vmul.f32 v60, v16;
	_ =	sdelay $0x1  }
0x2e9: {  	v16 =	vmax.f32 v16, $0.0e+00  }
0x2ea: {  	[tilespmem:s25+$0xFFFFFFF0] =	vst v16  }
0x2eb: {  	v16 =	vld.idx.msk [tilespmem:v59+s19+$0x0], $0xffff;
	_ =	sdelay $0x4  }
0x2ec: {  	v16 =	vadd.f32 $1.000000020e-16, v16;
	_ =	sdelay $0x1  }
0x2ed: {  	v61 =	vadd.s32 v11, v17;
	(erf) = vrcp.f32 v16;
	_ =	sdelay $0x4  }
0x2ee: {  	v16 =	vld.idx.msk [tilespmem:v61+s19+$0x0], $0xffff;
	_ =	sdelay $0x3  }
0x2ef: {  	v62 =	vadd.s32 v15, v17;
	v63 =	vpop (erf)  }
0x2f0: {  	v16 =	vmul.f32 v63, v16;
	_ =	sdelay $0x1  }
0x2f1: {  	v16 =	vmax.f32 v16, $0.0e+00  }
0x2f2: {  	[tilespmem:s25+$0x0] =	vst v16  }
0x2f3: {  	v16 =	vld.idx.msk [tilespmem:v62+s19+$0x0], $0xffff;
	_ =	sdelay $0x4  }
0x2f4: {  	v16 =	vadd.f32 $1.000000020e-16, v16;
	_ =	sdelay $0x1  }
0x2f5: {  	v17 =	vadd.s32 v14, v17;
	(erf) = vrcp.f32 v16;
	_ =	sdelay $0x4  }
0x2f6: {  	v16 =	vld.idx.msk [tilespmem:v17+s19+$0x0], $0xffff;
	_ =	sdelay $0x3  }
0x2f7: {  	v17 =	vpop (erf)  }
0x2f8: {  	v16 =	vmul.f32 v17, v16  }
0x2f9: {  	s10 =	sadd.s32 $0x1, s10  }
0x2fa: {  	s11 =	sshll.u32 s11, $0x4;
	p1 =	sne.s32 s10, $0x188;
	v16 =	vmax.f32 v16, $0.0e+00  }
.Ltmp6:
0x2fb: {  	s11 =	sadd.s32 s11, s15;
	[tilespmem:s25+$0x10] =	vst v16;
	(pc) =	sbr.rel @p1 .LBB2_12-.Ltmp6, $4  }
0x2fc: {  	[hbm4b:s11+s20] =	stream.linear.scatter [tilespmem:s9], [sflag:$0x5], $0x200, $0x38;
	[tilespmem:$0x1FE30] =	vst v63  }
0x2fd: {  	_ =	swait.ge [sflag:s24], $0x200  }
0x2fe: {  	[sflag:s24] =	ssyncset.done $0x0  }
0x2ff: {  	[sflag:s24] =	ssyncadd.s32 $0xFFFFFE00  }
0x300: {  	s10 =	rddreg [dreg:$0x9]  }
0x301: {  	s2 =	rddreg [dreg:$0x8];
	s10 =	sadd.s32 $0x1, s10  }
0x302: {  	p1 =	sne.s32 s10, s2  }
.Ltmp7:
0x303: {  	_ = 	snop;
	(pc) =	sbr.rel @p1 .LBB2_1-.Ltmp7, $1  }
0x304: {  	_ =	sdelay $0x3  }
0x305: {  	_ =	sfence.sel $0x180000  }
0x306: {  	[bflag:$0x0] =	sbarrier.arrive $0xFFFF  }
0x307: {  	_ =	strace $0x90000047  }
0x308: {  	[bflag:$0x2] =	sbarrier.arrive $0xFFFF  }
0x309: {  	s0 =	rddreg [dreg:$0x2]  }
0x30a: {  	s0 =	sadd.s32 @!p0 $0x100000, s0  }
0x30b: {  	[sflag:s0] =	ssyncadd.tile.s32 @!p0 $0x1;
	_ =	shalt  }
.Lfunc_end2:
_tile_overlayer_lowered:
.L_overlay_start_2:
0x30c: {  	(tag) =	ssettag $0x2  }
0x30d: {  	s0 =	rddreg [dreg:$0x0];
	s2 =	stileid.u32  }
0x30e: {  	s1 =	rddreg [dreg:$0x1];
	p0 =	sne.s32 s2, $0x0  }
0x30f: {  	s3 =	rddreg [dreg:$0x2];
	[bflag:$0x3] =	sbarrier.arrive $0xFFFF;
	s2 =	simm.s32 @!p0 $0x1C05  }
0x310: {  	[timem:s3], [sflag:s2] =	dma.local @!p0 [hbm:s0], s1  }
0x311: {  	s0 =	simm.s32 @!p0 $0x5  }
0x312: {  	_ =	swait.ge @!p0 [sflag:s0], s1  }
0x313: {  	s1 =	ssub.s32 @!p0 $0x0, s1;
	[sflag:s0] =	ssyncset.done @!p0 $0x0  }
0x314: {  	[sflag:s0] =	ssyncadd.s32 @!p0 s1  }
0x315: {  	[bflag:$0x3] =	sbarrier.arrive $0xFFFF  }
0x316: {  	_ =	shalt  }

</sc_bundles>
